<compile_context>
chip_gen: v7x
topology: tpu7x:2x2x1
jax: 0.10.2.dev20260603
libtpu: 0.0.44.dev20260713+nightly
codegen_flags: <defaults>
</compile_context>

<pallas_src>
import functools

import jax
import jax.numpy as jnp
from jax import lax
from jax.experimental import pallas as pl
from jax.experimental.pallas import tpu as pltpu
from jax.experimental.pallas import tpu_sc as plsc

N_TOK = 2048
NB_IN = 768
NB_OUT = 768
NB_EXPERTS = 8
NB_HIDDEN = 3072
TOP_K = 2

BM = 256
NT = (TOP_K * N_TOK) // BM + NB_EXPERTS
P_STATIC = NT * BM
SLEN = 2 * NT + NB_EXPERTS + 3

NW = 32
TPW = N_TOK // NW



def _router_body(x_ref, gnw_ref, gnb_ref, noise_ref,
                 w_ref, p0_ref, p1_ref, d0_ref, d1_ref, be_ref):
    x = x_ref[...]
    lg = jax.lax.dot_general(
        x, gnw_ref[...], (((1,), (1,)), ((), ())),
        preferred_element_type=jnp.float32,
    ) + gnb_ref[...]
    gate = lg[:, :NB_EXPERTS]
    nz = lg[:, NB_EXPERTS:]
    sp = jnp.maximum(nz, 0.0) + jnp.log1p(jnp.exp(-jnp.abs(nz)))
    logits = gate + noise_ref[...] * sp

    bi = jax.lax.broadcasted_iota(jnp.int32, (N_TOK, NB_EXPERTS), 1)
    v0 = jnp.max(logits, axis=1, keepdims=True)
    i0 = jnp.min(jnp.where(logits == v0, bi, NB_EXPERTS), axis=1, keepdims=True)
    masked = jnp.where(bi == i0, -jnp.inf, logits)
    v1 = jnp.max(masked, axis=1, keepdims=True)
    i1 = jnp.min(jnp.where(masked == v1, bi, NB_EXPERTS), axis=1, keepdims=True)
    e = jnp.exp(v1 - v0)
    p0 = 1.0 / (1.0 + e)
    p1 = e / (1.0 + e)
    w_ref[...] = jnp.where(bi == i0, p0, 0.0) + jnp.where(bi == i1, p1, 0.0)
    p0_ref[...] = p0
    p1_ref[...] = p1

    oh0 = (bi == i0).astype(jnp.float32)
    oh1 = (bi == i1).astype(jnp.float32)
    oh = jnp.concatenate([oh0, oh1], axis=1)
    c = oh
    s = 1
    while s < N_TOK:
        c = c + jnp.concatenate(
            [jnp.zeros((s, 2 * NB_EXPERTS), jnp.float32), c[:-s, :]], axis=0)
        s *= 2
    c0 = c[:, :NB_EXPERTS]
    c1 = c[:, NB_EXPERTS:]
    cnt0 = c0[N_TOK - 1:N_TOK, :]
    cnt = cnt0 + c1[N_TOK - 1:N_TOK, :]

    pc = jnp.floor((cnt + (BM - 1)) * (1.0 / BM)).astype(jnp.int32)
    pc = pc.astype(jnp.float32) * BM
    t = pc
    for sh in (1, 2, 4):
        t = t + jnp.concatenate(
            [jnp.zeros((1, sh), jnp.float32), t[:, :-sh]], axis=1)
    off = t - pc
    total = jnp.sum(pc, axis=1, keepdims=True)

    rank0 = jnp.sum((c0 - oh0) * oh0, axis=1, keepdims=True)
    rank1 = jnp.sum((c1 - oh1 + cnt0) * oh1, axis=1, keepdims=True)
    off0 = jnp.sum(off * oh0, axis=1, keepdims=True)
    off1 = jnp.sum(off * oh1, axis=1, keepdims=True)
    d0_ref[...] = (off0 + rank0).astype(jnp.int32)
    d1_ref[...] = (off1 + rank1).astype(jnp.int32)

    ends = off + pc
    bv = jax.lax.broadcasted_iota(
        jnp.int32, (NT, NB_EXPERTS), 0).astype(jnp.float32) * BM
    bv = jnp.minimum(bv, total - BM)
    blk = jnp.sum((ends <= bv).astype(jnp.float32), axis=1, keepdims=True)
    be = jnp.minimum(blk, NB_EXPERTS - 1).astype(jnp.int32)

    be_sh = jnp.concatenate(
        [jnp.full((1, 1), -1, jnp.int32), be[:-1, :]], axis=0)
    starts = (be != be_sh).astype(jnp.float32)
    g = starts
    sh = 1
    while sh < NT:
        g = g + jnp.concatenate(
            [jnp.zeros((sh, 1), jnp.float32), g[:-sh, :]], axis=0)
        sh *= 2
    gid = g.astype(jnp.int32) - 1

    nonempty = (cnt > 0.0).astype(jnp.float32)
    r = nonempty
    for sh in (1, 2, 4):
        r = r + jnp.concatenate(
            [jnp.zeros((1, sh), jnp.float32), r[:, :-sh]], axis=1)
    ngroups = jnp.sum(nonempty, axis=1, keepdims=True)
    giota = jax.lax.broadcasted_iota(
        jnp.int32, (NB_EXPERTS + 1, NB_EXPERTS), 0).astype(jnp.float32)
    eiota = jax.lax.broadcasted_iota(
        jnp.int32, (NB_EXPERTS + 1, NB_EXPERTS), 1).astype(jnp.float32)
    m = jnp.where((r - 1.0 == giota) & (nonempty > 0.0), 1.0, 0.0)
    ge = jnp.sum(m * eiota, axis=1, keepdims=True)

    be_ref[0:NT, :] = be
    be_ref[NT:2 * NT, :] = gid
    be_ref[2 * NT:2 * NT + 1, :] = (total * (1.0 / BM)).astype(jnp.int32)
    be_ref[2 * NT + 1:2 * NT + NB_EXPERTS + 2, :] = ge.astype(jnp.int32)
    be_ref[2 * NT + NB_EXPERTS + 2:2 * NT + NB_EXPERTS + 3, :] = (
        ngroups.astype(jnp.int32))


def _router(x, gate_w, gate_b, noise_w, noise_b, noise):
    gnw = jnp.concatenate([gate_w, noise_w], axis=0)
    gnb = jnp.concatenate([gate_b, noise_b], axis=0)[None, :]
    return pl.pallas_call(
        _router_body,
        out_shape=[
            jax.ShapeDtypeStruct((N_TOK, NB_EXPERTS), jnp.float32),
            jax.ShapeDtypeStruct((N_TOK, 1), jnp.float32),
            jax.ShapeDtypeStruct((N_TOK, 1), jnp.float32),
            jax.ShapeDtypeStruct((N_TOK, 1), jnp.int32),
            jax.ShapeDtypeStruct((N_TOK, 1), jnp.int32),
            jax.ShapeDtypeStruct((SLEN, 1), jnp.int32),
        ],
    )(x, gnw, gnb, noise)



def _sc_dispatch_body(x_hbm, d0_hbm, d1_hbm, out_hbm,
                      xrows_v, idx0_v, idx1_v, sem):
    w = lax.axis_index("s") * 2 + lax.axis_index("c")
    base = w * TPW
    pltpu.sync_copy(x_hbm.at[pl.ds(base, TPW)], xrows_v)
    pltpu.sync_copy(d0_hbm.at[pl.ds(base, TPW)], idx0_v)
    pltpu.sync_copy(d1_hbm.at[pl.ds(base, TPW)], idx1_v)
    pltpu.async_copy(xrows_v, out_hbm.at[idx0_v], sem).wait()
    pltpu.async_copy(xrows_v, out_hbm.at[idx1_v], sem).wait()


@functools.cache
def _get_sc_dispatch():
    return pl.kernel(
        _sc_dispatch_body,
        out_type=jax.ShapeDtypeStruct((P_STATIC, NB_IN), jnp.float32),
        mesh=plsc.VectorSubcoreMesh(core_axis_name="c", subcore_axis_name="s"),
        scratch_types=[
            pltpu.VMEM((TPW, NB_IN), jnp.float32),
            pltpu.VMEM((TPW,), jnp.int32),
            pltpu.VMEM((TPW,), jnp.int32),
            pltpu.SemaphoreType.DMA,
        ],
    )



def _gemm_body(s_ref, x_ref, b1_ref, b2_ref, w1_hbm, w2_hbm, y_ref,
               w1v, w2v, sem1, sem2):
    i = pl.program_id(0)
    na = s_ref[2 * NT]
    g = s_ref[NT + i]
    ng = s_ref[2 * NT + NB_EXPERTS + 2]

    def start_copy(gg, slot):
        e = s_ref[2 * NT + 1 + gg]
        pltpu.make_async_copy(w1_hbm.at[e], w1v.at[slot], sem1.at[slot]).start()
        pltpu.make_async_copy(w2_hbm.at[e], w2v.at[slot], sem2.at[slot]).start()

    @pl.when(i == 0)
    def _prime():
        start_copy(0, 0)

        @pl.when(ng > 1)
        def _():
            start_copy(1, 1)

    prev_g = s_ref[NT + jnp.maximum(i - 1, 0)]
    first = jnp.logical_and(jnp.logical_or(i == 0, g != prev_g), i < na)
    slot = jax.lax.rem(g, 2)

    @pl.when(first)
    def _wait_and_prefetch():
        e = s_ref[2 * NT + 1 + g]
        pltpu.make_async_copy(w1_hbm.at[e], w1v.at[slot], sem1.at[slot]).wait()
        pltpu.make_async_copy(w2_hbm.at[e], w2v.at[slot], sem2.at[slot]).wait()

        @pl.when(jnp.logical_and(g >= 1, g + 1 < ng))
        def _():
            start_copy(g + 1, jax.lax.rem(g + 1, 2))

    @pl.when(i < na)
    def _compute():
        xb = x_ref[...].astype(jnp.bfloat16)
        w1b = w1v[slot].astype(jnp.bfloat16)
        h = jax.lax.dot_general(
            xb, w1b, (((1,), (1,)), ((), ())),
            preferred_element_type=jnp.float32)
        h = jnp.maximum(h + b1_ref[0], 0.0)
        w2b = w2v[slot].astype(jnp.bfloat16)
        y = jax.lax.dot_general(
            h.astype(jnp.bfloat16), w2b, (((1,), (1,)), ((), ())),
            preferred_element_type=jnp.float32)
        y_ref[...] = y + b2_ref[0]


def _gemm(blk_meta, dispatch, w1, b1, w2, b2):
    grid_spec = pltpu.PrefetchScalarGridSpec(
        num_scalar_prefetch=1,
        grid=(NT,),
        in_specs=[
            pl.BlockSpec((BM, NB_IN),
                         lambda i, s: (jnp.minimum(i, s[2 * NT] - 1), 0)),
            pl.BlockSpec((1, 1, NB_HIDDEN), lambda i, s: (s[i], 0, 0)),
            pl.BlockSpec((1, 1, NB_OUT), lambda i, s: (s[i], 0, 0)),
            pl.BlockSpec(memory_space=pltpu.HBM),
            pl.BlockSpec(memory_space=pltpu.HBM),
        ],
        out_specs=pl.BlockSpec((BM, NB_OUT),
                               lambda i, s: (jnp.minimum(i, s[2 * NT] - 1), 0)),
        scratch_shapes=[
            pltpu.VMEM((2, NB_HIDDEN, NB_IN), jnp.float32),
            pltpu.VMEM((2, NB_OUT, NB_HIDDEN), jnp.float32),
            pltpu.SemaphoreType.DMA((2,)),
            pltpu.SemaphoreType.DMA((2,)),
        ],
    )
    return pl.pallas_call(
        _gemm_body,
        grid_spec=grid_spec,
        out_shape=jax.ShapeDtypeStruct((P_STATIC, NB_OUT), jnp.float32),
        compiler_params=pltpu.CompilerParams(
            dimension_semantics=("arbitrary",),
            vmem_limit_bytes=64 * 1024 * 1024,
        ),
    )(blk_meta, dispatch, b1[:, None, :], b2[:, None, :], w1, w2)



def _sc_combine_body(y_hbm, d0_hbm, d1_hbm, p0_hbm, p1_hbm, out_hbm,
                     r0_v, r1_v, p0_v, p1_v, idx_v, sem):
    w = lax.axis_index("s") * 2 + lax.axis_index("c")
    base = w * TPW
    pltpu.sync_copy(d0_hbm.at[pl.ds(base, TPW)], idx_v)
    cp0 = pltpu.async_copy(y_hbm.at[idx_v], r0_v, sem)
    pltpu.sync_copy(p0_hbm.at[pl.ds(base, TPW)], p0_v)
    pltpu.sync_copy(p1_hbm.at[pl.ds(base, TPW)], p1_v)
    cp0.wait()
    pltpu.sync_copy(d1_hbm.at[pl.ds(base, TPW)], idx_v)
    pltpu.async_copy(y_hbm.at[idx_v], r1_v, sem).wait()

    def tok(t, carry):
        tvec = jnp.broadcast_to(t, (16,)).astype(jnp.int32)
        p0s = plsc.load_gather(p0_v, [tvec])
        p1s = plsc.load_gather(p1_v, [tvec])
        for c in range(NB_OUT // 16):
            sl = pl.ds(c * 16, 16)
            r0_v[t, sl] = p0s * r0_v[t, sl] + p1s * r1_v[t, sl]
        return carry

    lax.fori_loop(0, TPW, tok, 0)
    pltpu.sync_copy(r0_v, out_hbm.at[pl.ds(base, TPW)])


@functools.cache
def _get_sc_combine():
    return pl.kernel(
        _sc_combine_body,
        out_type=jax.ShapeDtypeStruct((N_TOK, NB_OUT), jnp.float32),
        mesh=plsc.VectorSubcoreMesh(core_axis_name="c", subcore_axis_name="s"),
        scratch_types=[
            pltpu.VMEM((TPW, NB_OUT), jnp.float32),
            pltpu.VMEM((TPW, NB_OUT), jnp.float32),
            pltpu.VMEM((TPW,), jnp.float32),
            pltpu.VMEM((TPW,), jnp.float32),
            pltpu.VMEM((TPW,), jnp.int32),
            pltpu.SemaphoreType.DMA,
        ],
        compiler_params=pltpu.CompilerParams(needs_layout_passes=False),
    )



def kernel(x, gate_w, gate_b, noise_w, noise_b, w1, b1, w2, b2, noise):
    weights, p0, p1, d0, d1, meta = _router(
        x, gate_w, gate_b, noise_w, noise_b, noise)
    blk_meta = meta.reshape(SLEN)
    d0f = d0.reshape(N_TOK)
    d1f = d1.reshape(N_TOK)
    dispatch = _get_sc_dispatch()(x, d0f, d1f)
    y = _gemm(blk_meta, dispatch, w1, b1, w2, b2)
    x_out = _get_sc_combine()(
        y, d0f, d1f, p0.reshape(N_TOK), p1.reshape(N_TOK))
    return (x_out, weights)

# --- scband reference (transcript-rebuilt; emitter-appended) ---
"""Pipeline reference for scband-block-ffd-moe-42554535968925 (READ-ONLY COPY).

The authoritative reference and input builder live on the scoring server;
editing this copy changes nothing except your own understanding.
"""

import jax, jax.numpy as jnp
import numpy as np

NB_IN = 768
NB_OUT = 768
NB_EXPERTS = 8
TOP_K = 2
NB_HIDDEN = max(NB_IN, NB_OUT) * 4
N_TOK = 2048


def setup_inputs(seed: int = 0) -> dict:
    key = jax.random.key(seed)
    ks = jax.random.split(key, 12)
    s = 0.02
    return {
        "x": jax.random.normal(ks[0], (N_TOK, NB_IN), dtype=jnp.float32),
        "gate_w": jax.random.normal(ks[1], (NB_EXPERTS, NB_IN), dtype=jnp.float32) * s,
        "gate_b": jnp.zeros((NB_EXPERTS,), dtype=jnp.float32),
        "noise_w": jax.random.normal(ks[2], (NB_EXPERTS, NB_IN), dtype=jnp.float32) * s,
        "noise_b": jnp.zeros((NB_EXPERTS,), dtype=jnp.float32),
        "w1": jax.random.normal(ks[3], (NB_EXPERTS, NB_HIDDEN, NB_IN), dtype=jnp.float32) * s,
        "b1": jnp.zeros((NB_EXPERTS, NB_HIDDEN), dtype=jnp.float32),
        "w2": jax.random.normal(ks[4], (NB_EXPERTS, NB_OUT, NB_HIDDEN), dtype=jnp.float32) * s,
        "b2": jnp.zeros((NB_EXPERTS, NB_OUT), dtype=jnp.float32),
        "noise": jax.random.normal(ks[5], (N_TOK, NB_EXPERTS), dtype=jnp.float32),
    }


def reference(x, gate_w, gate_b, noise_w, noise_b, w1, b1, w2, b2, noise):
    # GatingWithNoise: gate(x) + randn * softplus(noise_linear(x))
    gate_out = x @ gate_w.T + gate_b
    noise_out = jax.nn.softplus(x @ noise_w.T + noise_b)
    gating_logits = gate_out + noise * noise_out
    # top-k over experts, softmax over the selected k logits
    vals, idx = jax.lax.top_k(gating_logits, TOP_K)
    gating_prob = jax.nn.softmax(vals, axis=1)
    n = x.shape[0]
    all_experts_weights = jnp.zeros((n, NB_EXPERTS), dtype=x.dtype)
    all_experts_weights = all_experts_weights.at[jnp.arange(n)[:, None], idx].set(gating_prob)
    # dense (non memMode) path: run every expert on every token
    h = jax.nn.relu(jnp.einsum('nd,ehd->neh', x, w1) + b1[None, :, :])
    experts_out = jnp.einsum('neh,eoh->neo', h, w2) + b2[None, :, :]  # (n, E, O)
    # torch stacks to (n, O, E) and sums weights[:, None, :] * expertsOut over dim 2
    x_out = jnp.einsum('ne,neo->no', all_experts_weights, experts_out)
    return (x_out, all_experts_weights)

if __name__ == "__main__":
    import jax
    _d = setup_inputs()
    print(jax.jit(kernel)(*tuple(_d.values())))

</pallas_src>

<mosaic_0001>
#map = affine_map<(d0, d1) -> (0, 0)>
#map1 = affine_map<(d0, d1) -> (0)>
module attributes {stable_mosaic.version = 14 : i64} {
  func.func @_sc_combine_body(%arg0: i32, %arg1: i32, %arg2: memref<6144x768xf32, #tpu.memory_space<hbm>>, %arg3: memref<2048xi32, #tpu.memory_space<hbm>>, %arg4: memref<2048xi32, #tpu.memory_space<hbm>>, %arg5: memref<2048xf32, #tpu.memory_space<hbm>>, %arg6: memref<2048xf32, #tpu.memory_space<hbm>>, %arg7: memref<2048x768xf32, #tpu.memory_space<hbm>>, %arg8: memref<64x768xf32, #tpu.memory_space<vmem>>, %arg9: memref<64x768xf32, #tpu.memory_space<vmem>>, %arg10: memref<64xf32, #tpu.memory_space<vmem>>, %arg11: memref<64xf32, #tpu.memory_space<vmem>>, %arg12: memref<64xi32, #tpu.memory_space<vmem>>, %arg13: memref<!tpu.dma_semaphore, #tpu.memory_space<semaphore_mem>>) attributes {dimension_semantics = [#tpu.dimension_semantics<core_parallel>, #tpu.dimension_semantics<subcore_parallel>], iteration_bounds = array<i64: 2, 16>, scalar_prefetch = 0 : i64, scratch_operands = 6 : i64, tpu.core_type = #tpu.core_type<sc_vector_subcore>, window_params = [{transform_indices = #map}, {transform_indices = #map1}, {transform_indices = #map1}, {transform_indices = #map1}, {transform_indices = #map1}, {transform_indices = #map}]} {
    %mul3A = arith.constant 2 : i32
    %mul3A_0 = arith.muli %arg1, %mul3A : i32
    %add3A = arith.addi %mul3A_0, %arg0 : i32
    %mul3A_1 = arith.constant 64 : i32
    %mul3A_2 = arith.muli %add3A, %mul3A_1 : i32
    "tpu.region"() ({
      %run_scoped3A = tpu.sem_alloc : memref<!tpu.dma_semaphore, #tpu.memory_space<semaphore_mem>>
      %dma_start3A_18 = tpu.memref_slice %arg3[%mul3A_2] : memref<2048xi32, #tpu.memory_space<hbm>> -> memref<64xi32, #tpu.memory_space<hbm>>
      %dma_start3A_19 = tpu.memref_slice %arg3[%mul3A_2] : memref<2048xi32, #tpu.memory_space<hbm>> -> memref<64xi32, #tpu.memory_space<hbm>>
      tpu.enqueue_dma source(%dma_start3A_19 : memref<64xi32, #tpu.memory_space<hbm>>) target(%arg12 : memref<64xi32, #tpu.memory_space<vmem>>) target_semaphore(%run_scoped3A : memref<!tpu.dma_semaphore, #tpu.memory_space<semaphore_mem>>)
      %dma_wait3A_20 = tpu.memref_slice %arg3[%mul3A_2] : memref<2048xi32, #tpu.memory_space<hbm>> -> memref<64xi32, #tpu.memory_space<hbm>>
      %dma_wait3A_21 = tpu.memref_slice %arg3[%mul3A_2] : memref<2048xi32, #tpu.memory_space<hbm>> -> memref<64xi32, #tpu.memory_space<hbm>>
      tpu.wait_dma2 semaphore(%run_scoped3A : memref<!tpu.dma_semaphore, #tpu.memory_space<semaphore_mem>>) src(%dma_wait3A_21 : memref<64xi32, #tpu.memory_space<hbm>>) dst(%arg12 : memref<64xi32, #tpu.memory_space<vmem>>)
      tpu.yield
    }) : () -> ()
    %dma_start3A = arith.constant 0 : i32
    %dma_start3A_3 = arith.constant 0 : i32
    %dma_start3A_4 = tpu.memref_slice %arg2[%dma_start3A, %dma_start3A_3] : memref<6144x768xf32, #tpu.memory_space<hbm>> -> memref<6144x768xf32, #tpu.memory_space<hbm>>
    tpu.enqueue_indirect_dma source(%dma_start3A_4 : memref<6144x768xf32, #tpu.memory_space<hbm>>) target(%arg8 : memref<64x768xf32, #tpu.memory_space<vmem>>) offsets(%arg12 : memref<64xi32, #tpu.memory_space<vmem>>) semaphore(%arg13 : memref<!tpu.dma_semaphore, #tpu.memory_space<semaphore_mem>>)
    "tpu.region"() ({
      %run_scoped3A = tpu.sem_alloc : memref<!tpu.dma_semaphore, #tpu.memory_space<semaphore_mem>>
      %dma_start3A_18 = tpu.memref_slice %arg5[%mul3A_2] : memref<2048xf32, #tpu.memory_space<hbm>> -> memref<64xf32, #tpu.memory_space<hbm>>
      %dma_start3A_19 = tpu.memref_slice %arg5[%mul3A_2] : memref<2048xf32, #tpu.memory_space<hbm>> -> memref<64xf32, #tpu.memory_space<hbm>>
      tpu.enqueue_dma source(%dma_start3A_19 : memref<64xf32, #tpu.memory_space<hbm>>) target(%arg10 : memref<64xf32, #tpu.memory_space<vmem>>) target_semaphore(%run_scoped3A : memref<!tpu.dma_semaphore, #tpu.memory_space<semaphore_mem>>)
      %dma_wait3A_20 = tpu.memref_slice %arg5[%mul3A_2] : memref<2048xf32, #tpu.memory_space<hbm>> -> memref<64xf32, #tpu.memory_space<hbm>>
      %dma_wait3A_21 = tpu.memref_slice %arg5[%mul3A_2] : memref<2048xf32, #tpu.memory_space<hbm>> -> memref<64xf32, #tpu.memory_space<hbm>>
      tpu.wait_dma2 semaphore(%run_scoped3A : memref<!tpu.dma_semaphore, #tpu.memory_space<semaphore_mem>>) src(%dma_wait3A_21 : memref<64xf32, #tpu.memory_space<hbm>>) dst(%arg10 : memref<64xf32, #tpu.memory_space<vmem>>)
      tpu.yield
    }) : () -> ()
    "tpu.region"() ({
      %run_scoped3A = tpu.sem_alloc : memref<!tpu.dma_semaphore, #tpu.memory_space<semaphore_mem>>
      %dma_start3A_18 = tpu.memref_slice %arg6[%mul3A_2] : memref<2048xf32, #tpu.memory_space<hbm>> -> memref<64xf32, #tpu.memory_space<hbm>>
      %dma_start3A_19 = tpu.memref_slice %arg6[%mul3A_2] : memref<2048xf32, #tpu.memory_space<hbm>> -> memref<64xf32, #tpu.memory_space<hbm>>
      tpu.enqueue_dma source(%dma_start3A_19 : memref<64xf32, #tpu.memory_space<hbm>>) target(%arg11 : memref<64xf32, #tpu.memory_space<vmem>>) target_semaphore(%run_scoped3A : memref<!tpu.dma_semaphore, #tpu.memory_space<semaphore_mem>>)
      %dma_wait3A_20 = tpu.memref_slice %arg6[%mul3A_2] : memref<2048xf32, #tpu.memory_space<hbm>> -> memref<64xf32, #tpu.memory_space<hbm>>
      %dma_wait3A_21 = tpu.memref_slice %arg6[%mul3A_2] : memref<2048xf32, #tpu.memory_space<hbm>> -> memref<64xf32, #tpu.memory_space<hbm>>
      tpu.wait_dma2 semaphore(%run_scoped3A : memref<!tpu.dma_semaphore, #tpu.memory_space<semaphore_mem>>) src(%dma_wait3A_21 : memref<64xf32, #tpu.memory_space<hbm>>) dst(%arg11 : memref<64xf32, #tpu.memory_space<vmem>>)
      tpu.yield
    }) : () -> ()
    %dma_wait3A = arith.constant 0 : i32
    %dma_wait3A_5 = arith.constant 0 : i32
    %dma_wait3A_6 = tpu.memref_slice %arg2[%dma_wait3A, %dma_wait3A_5] : memref<6144x768xf32, #tpu.memory_space<hbm>> -> memref<6144x768xf32, #tpu.memory_space<hbm>>
    tpu.wait_indirect_dma semaphore(%arg13 : memref<!tpu.dma_semaphore, #tpu.memory_space<semaphore_mem>>) src(%dma_wait3A_6 : memref<6144x768xf32, #tpu.memory_space<hbm>>) dst(%arg8 : memref<64x768xf32, #tpu.memory_space<vmem>>)
    "tpu.region"() ({
      %run_scoped3A = tpu.sem_alloc : memref<!tpu.dma_semaphore, #tpu.memory_space<semaphore_mem>>
      %dma_start3A_18 = tpu.memref_slice %arg4[%mul3A_2] : memref<2048xi32, #tpu.memory_space<hbm>> -> memref<64xi32, #tpu.memory_space<hbm>>
      %dma_start3A_19 = tpu.memref_slice %arg4[%mul3A_2] : memref<2048xi32, #tpu.memory_space<hbm>> -> memref<64xi32, #tpu.memory_space<hbm>>
      tpu.enqueue_dma source(%dma_start3A_19 : memref<64xi32, #tpu.memory_space<hbm>>) target(%arg12 : memref<64xi32, #tpu.memory_space<vmem>>) target_semaphore(%run_scoped3A : memref<!tpu.dma_semaphore, #tpu.memory_space<semaphore_mem>>)
      %dma_wait3A_20 = tpu.memref_slice %arg4[%mul3A_2] : memref<2048xi32, #tpu.memory_space<hbm>> -> memref<64xi32, #tpu.memory_space<hbm>>
      %dma_wait3A_21 = tpu.memref_slice %arg4[%mul3A_2] : memref<2048xi32, #tpu.memory_space<hbm>> -> memref<64xi32, #tpu.memory_space<hbm>>
      tpu.wait_dma2 semaphore(%run_scoped3A : memref<!tpu.dma_semaphore, #tpu.memory_space<semaphore_mem>>) src(%dma_wait3A_21 : memref<64xi32, #tpu.memory_space<hbm>>) dst(%arg12 : memref<64xi32, #tpu.memory_space<vmem>>)
      tpu.yield
    }) : () -> ()
    %dma_start3A_7 = arith.constant 0 : i32
    %dma_start3A_8 = arith.constant 0 : i32
    %dma_start3A_9 = tpu.memref_slice %arg2[%dma_start3A_7, %dma_start3A_8] : memref<6144x768xf32, #tpu.memory_space<hbm>> -> memref<6144x768xf32, #tpu.memory_space<hbm>>
    tpu.enqueue_indirect_dma source(%dma_start3A_9 : memref<6144x768xf32, #tpu.memory_space<hbm>>) target(%arg9 : memref<64x768xf32, #tpu.memory_space<vmem>>) offsets(%arg12 : memref<64xi32, #tpu.memory_space<vmem>>) semaphore(%arg13 : memref<!tpu.dma_semaphore, #tpu.memory_space<semaphore_mem>>)
    %dma_wait3A_10 = arith.constant 0 : i32
    %dma_wait3A_11 = arith.constant 0 : i32
    %dma_wait3A_12 = tpu.memref_slice %arg2[%dma_wait3A_10, %dma_wait3A_11] : memref<6144x768xf32, #tpu.memory_space<hbm>> -> memref<6144x768xf32, #tpu.memory_space<hbm>>
    tpu.wait_indirect_dma semaphore(%arg13 : memref<!tpu.dma_semaphore, #tpu.memory_space<semaphore_mem>>) src(%dma_wait3A_12 : memref<6144x768xf32, #tpu.memory_space<hbm>>) dst(%arg9 : memref<64x768xf32, #tpu.memory_space<vmem>>)
    %scan3A = arith.constant 0 : i32
    %scan3A_13 = arith.constant 0 : i32
    %scan3A_14 = arith.constant 64 : i32
    %scan3A_15 = arith.addi %scan3A_13, %scan3A_14 : i32
    %scan3A_16 = arith.constant 1 : i32
    scf.for %scan3A_18 = %scan3A_13 to %scan3A_15 step %scan3A_16  : i32 {
      %broadcast_in_dim3A = vector.broadcast %scan3A_18 : i32 to vector<16xi32>
      %gather3A = tpu.vector_load_idx %arg10[%broadcast_in_dim3A] : memref<64xf32, #tpu.memory_space<vmem>>[vector<16xi32>], vector<16xf32>,
      %gather3A_19 = tpu.vector_load_idx %arg11[%broadcast_in_dim3A] : memref<64xf32, #tpu.memory_space<vmem>>[vector<16xi32>], vector<16xf32>,
      %get3A = arith.index_cast %scan3A_18 : i32 to index
      %get3A_20 = arith.constant 0 : index
      %get3A_21 = tpu.vector_load %arg8[%get3A, %get3A_20] {strides = array<i32>} : memref<64x768xf32, #tpu.memory_space<vmem>>, vector<16xf32>,
      %mul3A_22 = arith.mulf %gather3A, %get3A_21 : vector<16xf32>
      %get3A_23 = arith.index_cast %scan3A_18 : i32 to index
      %get3A_24 = arith.constant 0 : index
      %get3A_25 = tpu.vector_load %arg9[%get3A_23, %get3A_24] {strides = array<i32>} : memref<64x768xf32, #tpu.memory_space<vmem>>, vector<16xf32>,
      %mul3A_26 = arith.mulf %gather3A_19, %get3A_25 : vector<16xf32>
      %add3A_27 = arith.addf %mul3A_22, %mul3A_26 : vector<16xf32>
      %swap3A = arith.index_cast %scan3A_18 : i32 to index
      %swap3A_28 = arith.constant 0 : index
      %swap3A_29 = tpu.vector_load %arg8[%swap3A, %swap3A_28] {strides = array<i32>} : memref<64x768xf32, #tpu.memory_space<vmem>>, vector<16xf32>,
      tpu.vector_store %arg8[%swap3A, %swap3A_28], %add3A_27 {strides = array<i32>} : memref<64x768xf32, #tpu.memory_space<vmem>>, vector<16xf32>,
      %get3A_30 = arith.index_cast %scan3A_18 : i32 to index
      %get3A_31 = arith.constant 16 : index
      %get3A_32 = tpu.vector_load %arg8[%get3A_30, %get3A_31] {strides = array<i32>} : memref<64x768xf32, #tpu.memory_space<vmem>>, vector<16xf32>,
      %mul3A_33 = arith.mulf %gather3A, %get3A_32 : vector<16xf32>
      %get3A_34 = arith.index_cast %scan3A_18 : i32 to index
      %get3A_35 = arith.constant 16 : index
      %get3A_36 = tpu.vector_load %arg9[%get3A_34, %get3A_35] {strides = array<i32>} : memref<64x768xf32, #tpu.memory_space<vmem>>, vector<16xf32>,
      %mul3A_37 = arith.mulf %gather3A_19, %get3A_36 : vector<16xf32>
      %add3A_38 = arith.addf %mul3A_33, %mul3A_37 : vector<16xf32>
      %swap3A_39 = arith.index_cast %scan3A_18 : i32 to index
      %swap3A_40 = arith.constant 16 : index
      %swap3A_41 = tpu.vector_load %arg8[%swap3A_39, %swap3A_40] {strides = array<i32>} : memref<64x768xf32, #tpu.memory_space<vmem>>, vector<16xf32>,
      tpu.vector_store %arg8[%swap3A_39, %swap3A_40], %add3A_38 {strides = array<i32>} : memref<64x768xf32, #tpu.memory_space<vmem>>, vector<16xf32>,
      %get3A_42 = arith.index_cast %scan3A_18 : i32 to index
      %get3A_43 = arith.constant 32 : index
      %get3A_44 = tpu.vector_load %arg8[%get3A_42, %get3A_43] {strides = array<i32>} : memref<64x768xf32, #tpu.memory_space<vmem>>, vector<16xf32>,
      %mul3A_45 = arith.mulf %gather3A, %get3A_44 : vector<16xf32>
      %get3A_46 = arith.index_cast %scan3A_18 : i32 to index
      %get3A_47 = arith.constant 32 : index
      %get3A_48 = tpu.vector_load %arg9[%get3A_46, %get3A_47] {strides = array<i32>} : memref<64x768xf32, #tpu.memory_space<vmem>>, vector<16xf32>,
      %mul3A_49 = arith.mulf %gather3A_19, %get3A_48 : vector<16xf32>
      %add3A_50 = arith.addf %mul3A_45, %mul3A_49 : vector<16xf32>
      %swap3A_51 = arith.index_cast %scan3A_18 : i32 to index
      %swap3A_52 = arith.constant 32 : index
      %swap3A_53 = tpu.vector_load %arg8[%swap3A_51, %swap3A_52] {strides = array<i32>} : memref<64x768xf32, #tpu.memory_space<vmem>>, vector<16xf32>,
      tpu.vector_store %arg8[%swap3A_51, %swap3A_52], %add3A_50 {strides = array<i32>} : memref<64x768xf32, #tpu.memory_space<vmem>>, vector<16xf32>,
      %get3A_54 = arith.index_cast %scan3A_18 : i32 to index
      %get3A_55 = arith.constant 48 : index
      %get3A_56 = tpu.vector_load %arg8[%get3A_54, %get3A_55] {strides = array<i32>} : memref<64x768xf32, #tpu.memory_space<vmem>>, vector<16xf32>,
      %mul3A_57 = arith.mulf %gather3A, %get3A_56 : vector<16xf32>
      %get3A_58 = arith.index_cast %scan3A_18 : i32 to index
      %get3A_59 = arith.constant 48 : index
      %get3A_60 = tpu.vector_load %arg9[%get3A_58, %get3A_59] {strides = array<i32>} : memref<64x768xf32, #tpu.memory_space<vmem>>, vector<16xf32>,
      %mul3A_61 = arith.mulf %gather3A_19, %get3A_60 : vector<16xf32>
      %add3A_62 = arith.addf %mul3A_57, %mul3A_61 : vector<16xf32>
      %swap3A_63 = arith.index_cast %scan3A_18 : i32 to index
      %swap3A_64 = arith.constant 48 : index
      %swap3A_65 = tpu.vector_load %arg8[%swap3A_63, %swap3A_64] {strides = array<i32>} : memref<64x768xf32, #tpu.memory_space<vmem>>, vector<16xf32>,
      tpu.vector_store %arg8[%swap3A_63, %swap3A_64], %add3A_62 {strides = array<i32>} : memref<64x768xf32, #tpu.memory_space<vmem>>, vector<16xf32>,
      %get3A_66 = arith.index_cast %scan3A_18 : i32 to index
      %get3A_67 = arith.constant 64 : index
      %get3A_68 = tpu.vector_load %arg8[%get3A_66, %get3A_67] {strides = array<i32>} : memref<64x768xf32, #tpu.memory_space<vmem>>, vector<16xf32>,
      %mul3A_69 = arith.mulf %gather3A, %get3A_68 : vector<16xf32>
      %get3A_70 = arith.index_cast %scan3A_18 : i32 to index
      %get3A_71 = arith.constant 64 : index
      %get3A_72 = tpu.vector_load %arg9[%get3A_70, %get3A_71] {strides = array<i32>} : memref<64x768xf32, #tpu.memory_space<vmem>>, vector<16xf32>,
      %mul3A_73 = arith.mulf %gather3A_19, %get3A_72 : vector<16xf32>
      %add3A_74 = arith.addf %mul3A_69, %mul3A_73 : vector<16xf32>
      %swap3A_75 = arith.index_cast %scan3A_18 : i32 to index
      %swap3A_76 = arith.constant 64 : index
      %swap3A_77 = tpu.vector_load %arg8[%swap3A_75, %swap3A_76] {strides = array<i32>} : memref<64x768xf32, #tpu.memory_space<vmem>>, vector<16xf32>,
      tpu.vector_store %arg8[%swap3A_75, %swap3A_76], %add3A_74 {strides = array<i32>} : memref<64x768xf32, #tpu.memory_space<vmem>>, vector<16xf32>,
      %get3A_78 = arith.index_cast %scan3A_18 : i32 to index
      %get3A_79 = arith.constant 80 : index
      %get3A_80 = tpu.vector_load %arg8[%get3A_78, %get3A_79] {strides = array<i32>} : memref<64x768xf32, #tpu.memory_space<vmem>>, vector<16xf32>,
      %mul3A_81 = arith.mulf %gather3A, %get3A_80 : vector<16xf32>
      %get3A_82 = arith.index_cast %scan3A_18 : i32 to index
      %get3A_83 = arith.constant 80 : index
      %get3A_84 = tpu.vector_load %arg9[%get3A_82, %get3A_83] {strides = array<i32>} : memref<64x768xf32, #tpu.memory_space<vmem>>, vector<16xf32>,
      %mul3A_85 = arith.mulf %gather3A_19, %get3A_84 : vector<16xf32>
      %add3A_86 = arith.addf %mul3A_81, %mul3A_85 : vector<16xf32>
      %swap3A_87 = arith.index_cast %scan3A_18 : i32 to index
      %swap3A_88 = arith.constant 80 : index
      %swap3A_89 = tpu.vector_load %arg8[%swap3A_87, %swap3A_88] {strides = array<i32>} : memref<64x768xf32, #tpu.memory_space<vmem>>, vector<16xf32>,
      tpu.vector_store %arg8[%swap3A_87, %swap3A_88], %add3A_86 {strides = array<i32>} : memref<64x768xf32, #tpu.memory_space<vmem>>, vector<16xf32>,
      %get3A_90 = arith.index_cast %scan3A_18 : i32 to index
      %get3A_91 = arith.constant 96 : index
      %get3A_92 = tpu.vector_load %arg8[%get3A_90, %get3A_91] {strides = array<i32>} : memref<64x768xf32, #tpu.memory_space<vmem>>, vector<16xf32>,
      %mul3A_93 = arith.mulf %gather3A, %get3A_92 : vector<16xf32>
      %get3A_94 = arith.index_cast %scan3A_18 : i32 to index
      %get3A_95 = arith.constant 96 : index
      %get3A_96 = tpu.vector_load %arg9[%get3A_94, %get3A_95] {strides = array<i32>} : memref<64x768xf32, #tpu.memory_space<vmem>>, vector<16xf32>,
      %mul3A_97 = arith.mulf %gather3A_19, %get3A_96 : vector<16xf32>
      %add3A_98 = arith.addf %mul3A_93, %mul3A_97 : vector<16xf32>
      %swap3A_99 = arith.index_cast %scan3A_18 : i32 to index
      %swap3A_100 = arith.constant 96 : index
      %swap3A_101 = tpu.vector_load %arg8[%swap3A_99, %swap3A_100] {strides = array<i32>} : memref<64x768xf32, #tpu.memory_space<vmem>>, vector<16xf32>,
      tpu.vector_store %arg8[%swap3A_99, %swap3A_100], %add3A_98 {strides = array<i32>} : memref<64x768xf32, #tpu.memory_space<vmem>>, vector<16xf32>,
      %get3A_102 = arith.index_cast %scan3A_18 : i32 to index
      %get3A_103 = arith.constant 112 : index
      %get3A_104 = tpu.vector_load %arg8[%get3A_102, %get3A_103] {strides = array<i32>} : memref<64x768xf32, #tpu.memory_space<vmem>>, vector<16xf32>,
      %mul3A_105 = arith.mulf %gather3A, %get3A_104 : vector<16xf32>
      %get3A_106 = arith.index_cast %scan3A_18 : i32 to index
      %get3A_107 = arith.constant 112 : index
      %get3A_108 = tpu.vector_load %arg9[%get3A_106, %get3A_107] {strides = array<i32>} : memref<64x768xf32, #tpu.memory_space<vmem>>, vector<16xf32>,
      %mul3A_109 = arith.mulf %gather3A_19, %get3A_108 : vector<16xf32>
      %add3A_110 = arith.addf %mul3A_105, %mul3A_109 : vector<16xf32>
      %swap3A_111 = arith.index_cast %scan3A_18 : i32 to index
      %swap3A_112 = arith.constant 112 : index
      %swap3A_113 = tpu.vector_load %arg8[%swap3A_111, %swap3A_112] {strides = array<i32>} : memref<64x768xf32, #tpu.memory_space<vmem>>, vector<16xf32>,
      tpu.vector_store %arg8[%swap3A_111, %swap3A_112], %add3A_110 {strides = array<i32>} : memref<64x768xf32, #tpu.memory_space<vmem>>, vector<16xf32>,
      %get3A_114 = arith.index_cast %scan3A_18 : i32 to index
      %get3A_115 = arith.constant 128 : index
      %get3A_116 = tpu.vector_load %arg8[%get3A_114, %get3A_115] {strides = array<i32>} : memref<64x768xf32, #tpu.memory_space<vmem>>, vector<16xf32>,
      %mul3A_117 = arith.mulf %gather3A, %get3A_116 : vector<16xf32>
      %get3A_118 = arith.index_cast %scan3A_18 : i32 to index
      %get3A_119 = arith.constant 128 : index
      %get3A_120 = tpu.vector_load %arg9[%get3A_118, %get3A_119] {strides = array<i32>} : memref<64x768xf32, #tpu.memory_space<vmem>>, vector<16xf32>,
      %mul3A_121 = arith.mulf %gather3A_19, %get3A_120 : vector<16xf32>
      %add3A_122 = arith.addf %mul3A_117, %mul3A_121 : vector<16xf32>
      %swap3A_123 = arith.index_cast %scan3A_18 : i32 to index
      %swap3A_124 = arith.constant 128 : index
      %swap3A_125 = tpu.vector_load %arg8[%swap3A_123, %swap3A_124] {strides = array<i32>} : memref<64x768xf32, #tpu.memory_space<vmem>>, vector<16xf32>,
      tpu.vector_store %arg8[%swap3A_123, %swap3A_124], %add3A_122 {strides = array<i32>} : memref<64x768xf32, #tpu.memory_space<vmem>>, vector<16xf32>,
      %get3A_126 = arith.index_cast %scan3A_18 : i32 to index
      %get3A_127 = arith.constant 144 : index
      %get3A_128 = tpu.vector_load %arg8[%get3A_126, %get3A_127] {strides = array<i32>} : memref<64x768xf32, #tpu.memory_space<vmem>>, vector<16xf32>,
      %mul3A_129 = arith.mulf %gather3A, %get3A_128 : vector<16xf32>
      %get3A_130 = arith.index_cast %scan3A_18 : i32 to index
      %get3A_131 = arith.constant 144 : index
      %get3A_132 = tpu.vector_load %arg9[%get3A_130, %get3A_131] {strides = array<i32>} : memref<64x768xf32, #tpu.memory_space<vmem>>, vector<16xf32>,
      %mul3A_133 = arith.mulf %gather3A_19, %get3A_132 : vector<16xf32>
      %add3A_134 = arith.addf %mul3A_129, %mul3A_133 : vector<16xf32>
      %swap3A_135 = arith.index_cast %scan3A_18 : i32 to index
      %swap3A_136 = arith.constant 144 : index
      %swap3A_137 = tpu.vector_load %arg8[%swap3A_135, %swap3A_136] {strides = array<i32>} : memref<64x768xf32, #tpu.memory_space<vmem>>, vector<16xf32>,
      tpu.vector_store %arg8[%swap3A_135, %swap3A_136], %add3A_134 {strides = array<i32>} : memref<64x768xf32, #tpu.memory_space<vmem>>, vector<16xf32>,
      %get3A_138 = arith.index_cast %scan3A_18 : i32 to index
      %get3A_139 = arith.constant 160 : index
      %get3A_140 = tpu.vector_load %arg8[%get3A_138, %get3A_139] {strides = array<i32>} : memref<64x768xf32, #tpu.memory_space<vmem>>, vector<16xf32>,
      %mul3A_141 = arith.mulf %gather3A, %get3A_140 : vector<16xf32>
      %get3A_142 = arith.index_cast %scan3A_18 : i32 to index
      %get3A_143 = arith.constant 160 : index
      %get3A_144 = tpu.vector_load %arg9[%get3A_142, %get3A_143] {strides = array<i32>} : memref<64x768xf32, #tpu.memory_space<vmem>>, vector<16xf32>,
      %mul3A_145 = arith.mulf %gather3A_19, %get3A_144 : vector<16xf32>
      %add3A_146 = arith.addf %mul3A_141, %mul3A_145 : vector<16xf32>
      %swap3A_147 = arith.index_cast %scan3A_18 : i32 to index
      %swap3A_148 = arith.constant 160 : index
      %swap3A_149 = tpu.vector_load %arg8[%swap3A_147, %swap3A_148] {strides = array<i32>} : memref<64x768xf32, #tpu.memory_space<vmem>>, vector<16xf32>,
      tpu.vector_store %arg8[%swap3A_147, %swap3A_148], %add3A_146 {strides = array<i32>} : memref<64x768xf32, #tpu.memory_space<vmem>>, vector<16xf32>,
      %get3A_150 = arith.index_cast %scan3A_18 : i32 to index
      %get3A_151 = arith.constant 176 : index
      %get3A_152 = tpu.vector_load %arg8[%get3A_150, %get3A_151] {strides = array<i32>} : memref<64x768xf32, #tpu.memory_space<vmem>>, vector<16xf32>,
      %mul3A_153 = arith.mulf %gather3A, %get3A_152 : vector<16xf32>
      %get3A_154 = arith.index_cast %scan3A_18 : i32 to index
      %get3A_155 = arith.constant 176 : index
      %get3A_156 = tpu.vector_load %arg9[%get3A_154, %get3A_155] {strides = array<i32>} : memref<64x768xf32, #tpu.memory_space<vmem>>, vector<16xf32>,
      %mul3A_157 = arith.mulf %gather3A_19, %get3A_156 : vector<16xf32>
      %add3A_158 = arith.addf %mul3A_153, %mul3A_157 : vector<16xf32>
      %swap3A_159 = arith.index_cast %scan3A_18 : i32 to index
      %swap3A_160 = arith.constant 176 : index
      %swap3A_161 = tpu.vector_load %arg8[%swap3A_159, %swap3A_160] {strides = array<i32>} : memref<64x768xf32, #tpu.memory_space<vmem>>, vector<16xf32>,
      tpu.vector_store %arg8[%swap3A_159, %swap3A_160], %add3A_158 {strides = array<i32>} : memref<64x768xf32, #tpu.memory_space<vmem>>, vector<16xf32>,
      %get3A_162 = arith.index_cast %scan3A_18 : i32 to index
      %get3A_163 = arith.constant 192 : index
      %get3A_164 = tpu.vector_load %arg8[%get3A_162, %get3A_163] {strides = array<i32>} : memref<64x768xf32, #tpu.memory_space<vmem>>, vector<16xf32>,
      %mul3A_165 = arith.mulf %gather3A, %get3A_164 : vector<16xf32>
      %get3A_166 = arith.index_cast %scan3A_18 : i32 to index
      %get3A_167 = arith.constant 192 : index
      %get3A_168 = tpu.vector_load %arg9[%get3A_166, %get3A_167] {strides = array<i32>} : memref<64x768xf32, #tpu.memory_space<vmem>>, vector<16xf32>,
      %mul3A_169 = arith.mulf %gather3A_19, %get3A_168 : vector<16xf32>
      %add3A_170 = arith.addf %mul3A_165, %mul3A_169 : vector<16xf32>
      %swap3A_171 = arith.index_cast %scan3A_18 : i32 to index
      %swap3A_172 = arith.constant 192 : index
      %swap3A_173 = tpu.vector_load %arg8[%swap3A_171, %swap3A_172] {strides = array<i32>} : memref<64x768xf32, #tpu.memory_space<vmem>>, vector<16xf32>,
      tpu.vector_store %arg8[%swap3A_171, %swap3A_172], %add3A_170 {strides = array<i32>} : memref<64x768xf32, #tpu.memory_space<vmem>>, vector<16xf32>,
      %get3A_174 = arith.index_cast %scan3A_18 : i32 to index
      %get3A_175 = arith.constant 208 : index
      %get3A_176 = tpu.vector_load %arg8[%get3A_174, %get3A_175] {strides = array<i32>} : memref<64x768xf32, #tpu.memory_space<vmem>>, vector<16xf32>,
      %mul3A_177 = arith.mulf %gather3A, %get3A_176 : vector<16xf32>
      %get3A_178 = arith.index_cast %scan3A_18 : i32 to index
      %get3A_179 = arith.constant 208 : index
      %get3A_180 = tpu.vector_load %arg9[%get3A_178, %get3A_179] {strides = array<i32>} : memref<64x768xf32, #tpu.memory_space<vmem>>, vector<16xf32>,
      %mul3A_181 = arith.mulf %gather3A_19, %get3A_180 : vector<16xf32>
      %add3A_182 = arith.addf %mul3A_177, %mul3A_181 : vector<16xf32>
      %swap3A_183 = arith.index_cast %scan3A_18 : i32 to index
      %swap3A_184 = arith.constant 208 : index
      %swap3A_185 = tpu.vector_load %arg8[%swap3A_183, %swap3A_184] {strides = array<i32>} : memref<64x768xf32, #tpu.memory_space<vmem>>, vector<16xf32>,
      tpu.vector_store %arg8[%swap3A_183, %swap3A_184], %add3A_182 {strides = array<i32>} : memref<64x768xf32, #tpu.memory_space<vmem>>, vector<16xf32>,
      %get3A_186 = arith.index_cast %scan3A_18 : i32 to index
      %get3A_187 = arith.constant 224 : index
      %get3A_188 = tpu.vector_load %arg8[%get3A_186, %get3A_187] {strides = array<i32>} : memref<64x768xf32, #tpu.memory_space<vmem>>, vector<16xf32>,
      %mul3A_189 = arith.mulf %gather3A, %get3A_188 : vector<16xf32>
      %get3A_190 = arith.index_cast %scan3A_18 : i32 to index
      %get3A_191 = arith.constant 224 : index
      %get3A_192 = tpu.vector_load %arg9[%get3A_190, %get3A_191] {strides = array<i32>} : memref<64x768xf32, #tpu.memory_space<vmem>>, vector<16xf32>,
      %mul3A_193 = arith.mulf %gather3A_19, %get3A_192 : vector<16xf32>
      %add3A_194 = arith.addf %mul3A_189, %mul3A_193 : vector<16xf32>
      %swap3A_195 = arith.index_cast %scan3A_18 : i32 to index
      %swap3A_196 = arith.constant 224 : index
      %swap3A_197 = tpu.vector_load %arg8[%swap3A_195, %swap3A_196] {strides = array<i32>} : memref<64x768xf32, #tpu.memory_space<vmem>>, vector<16xf32>,
      tpu.vector_store %arg8[%swap3A_195, %swap3A_196], %add3A_194 {strides = array<i32>} : memref<64x768xf32, #tpu.memory_space<vmem>>, vector<16xf32>,
      %get3A_198 = arith.index_cast %scan3A_18 : i32 to index
      %get3A_199 = arith.constant 240 : index
      %get3A_200 = tpu.vector_load %arg8[%get3A_198, %get3A_199] {strides = array<i32>} : memref<64x768xf32, #tpu.memory_space<vmem>>, vector<16xf32>,
      %mul3A_201 = arith.mulf %gather3A, %get3A_200 : vector<16xf32>
      %get3A_202 = arith.index_cast %scan3A_18 : i32 to index
      %get3A_203 = arith.constant 240 : index
      %get3A_204 = tpu.vector_load %arg9[%get3A_202, %get3A_203] {strides = array<i32>} : memref<64x768xf32, #tpu.memory_space<vmem>>, vector<16xf32>,
      %mul3A_205 = arith.mulf %gather3A_19, %get3A_204 : vector<16xf32>
      %add3A_206 = arith.addf %mul3A_201, %mul3A_205 : vector<16xf32>
      %swap3A_207 = arith.index_cast %scan3A_18 : i32 to index
      %swap3A_208 = arith.constant 240 : index
      %swap3A_209 = tpu.vector_load %arg8[%swap3A_207, %swap3A_208] {strides = array<i32>} : memref<64x768xf32, #tpu.memory_space<vmem>>, vector<16xf32>,
      tpu.vector_store %arg8[%swap3A_207, %swap3A_208], %add3A_206 {strides = array<i32>} : memref<64x768xf32, #tpu.memory_space<vmem>>, vector<16xf32>,
      %get3A_210 = arith.index_cast %scan3A_18 : i32 to index
      %get3A_211 = arith.constant 256 : index
      %get3A_212 = tpu.vector_load %arg8[%get3A_210, %get3A_211] {strides = array<i32>} : memref<64x768xf32, #tpu.memory_space<vmem>>, vector<16xf32>,
      %mul3A_213 = arith.mulf %gather3A, %get3A_212 : vector<16xf32>
      %get3A_214 = arith.index_cast %scan3A_18 : i32 to index
      %get3A_215 = arith.constant 256 : index
      %get3A_216 = tpu.vector_load %arg9[%get3A_214, %get3A_215] {strides = array<i32>} : memref<64x768xf32, #tpu.memory_space<vmem>>, vector<16xf32>,
      %mul3A_217 = arith.mulf %gather3A_19, %get3A_216 : vector<16xf32>
      %add3A_218 = arith.addf %mul3A_213, %mul3A_217 : vector<16xf32>
      %swap3A_219 = arith.index_cast %scan3A_18 : i32 to index
      %swap3A_220 = arith.constant 256 : index
      %swap3A_221 = tpu.vector_load %arg8[%swap3A_219, %swap3A_220] {strides = array<i32>} : memref<64x768xf32, #tpu.memory_space<vmem>>, vector<16xf32>,
      tpu.vector_store %arg8[%swap3A_219, %swap3A_220], %add3A_218 {strides = array<i32>} : memref<64x768xf32, #tpu.memory_space<vmem>>, vector<16xf32>,
      %get3A_222 = arith.index_cast %scan3A_18 : i32 to index
      %get3A_223 = arith.constant 272 : index
      %get3A_224 = tpu.vector_load %arg8[%get3A_222, %get3A_223] {strides = array<i32>} : memref<64x768xf32, #tpu.memory_space<vmem>>, vector<16xf32>,
      %mul3A_225 = arith.mulf %gather3A, %get3A_224 : vector<16xf32>
      %get3A_226 = arith.index_cast %scan3A_18 : i32 to index
      %get3A_227 = arith.constant 272 : index
      %get3A_228 = tpu.vector_load %arg9[%get3A_226, %get3A_227] {strides = array<i32>} : memref<64x768xf32, #tpu.memory_space<vmem>>, vector<16xf32>,
      %mul3A_229 = arith.mulf %gather3A_19, %get3A_228 : vector<16xf32>
      %add3A_230 = arith.addf %mul3A_225, %mul3A_229 : vector<16xf32>
      %swap3A_231 = arith.index_cast %scan3A_18 : i32 to index
      %swap3A_232 = arith.constant 272 : index
      %swap3A_233 = tpu.vector_load %arg8[%swap3A_231, %swap3A_232] {strides = array<i32>} : memref<64x768xf32, #tpu.memory_space<vmem>>, vector<16xf32>,
      tpu.vector_store %arg8[%swap3A_231, %swap3A_232], %add3A_230 {strides = array<i32>} : memref<64x768xf32, #tpu.memory_space<vmem>>, vector<16xf32>,
      %get3A_234 = arith.index_cast %scan3A_18 : i32 to index
      %get3A_235 = arith.constant 288 : index
      %get3A_236 = tpu.vector_load %arg8[%get3A_234, %get3A_235] {strides = array<i32>} : memref<64x768xf32, #tpu.memory_space<vmem>>, vector<16xf32>,
      %mul3A_237 = arith.mulf %gather3A, %get3A_236 : vector<16xf32>
      %get3A_238 = arith.index_cast %scan3A_18 : i32 to index
      %get3A_239 = arith.constant 288 : index
      %get3A_240 = tpu.vector_load %arg9[%get3A_238, %get3A_239] {strides = array<i32>} : memref<64x768xf32, #tpu.memory_space<vmem>>, vector<16xf32>,
      %mul3A_241 = arith.mulf %gather3A_19, %get3A_240 : vector<16xf32>
      %add3A_242 = arith.addf %mul3A_237, %mul3A_241 : vector<16xf32>
      %swap3A_243 = arith.index_cast %scan3A_18 : i32 to index
      %swap3A_244 = arith.constant 288 : index
      %swap3A_245 = tpu.vector_load %arg8[%swap3A_243, %swap3A_244] {strides = array<i32>} : memref<64x768xf32, #tpu.memory_space<vmem>>, vector<16xf32>,
      tpu.vector_store %arg8[%swap3A_243, %swap3A_244], %add3A_242 {strides = array<i32>} : memref<64x768xf32, #tpu.memory_space<vmem>>, vector<16xf32>,
      %get3A_246 = arith.index_cast %scan3A_18 : i32 to index
      %get3A_247 = arith.constant 304 : index
      %get3A_248 = tpu.vector_load %arg8[%get3A_246, %get3A_247] {strides = array<i32>} : memref<64x768xf32, #tpu.memory_space<vmem>>, vector<16xf32>,
      %mul3A_249 = arith.mulf %gather3A, %get3A_248 : vector<16xf32>
      %get3A_250 = arith.index_cast %scan3A_18 : i32 to index
      %get3A_251 = arith.constant 304 : index
      %get3A_252 = tpu.vector_load %arg9[%get3A_250, %get3A_251] {strides = array<i32>} : memref<64x768xf32, #tpu.memory_space<vmem>>, vector<16xf32>,
      %mul3A_253 = arith.mulf %gather3A_19, %get3A_252 : vector<16xf32>
      %add3A_254 = arith.addf %mul3A_249, %mul3A_253 : vector<16xf32>
      %swap3A_255 = arith.index_cast %scan3A_18 : i32 to index
      %swap3A_256 = arith.constant 304 : index
      %swap3A_257 = tpu.vector_load %arg8[%swap3A_255, %swap3A_256] {strides = array<i32>} : memref<64x768xf32, #tpu.memory_space<vmem>>, vector<16xf32>,
      tpu.vector_store %arg8[%swap3A_255, %swap3A_256], %add3A_254 {strides = array<i32>} : memref<64x768xf32, #tpu.memory_space<vmem>>, vector<16xf32>,
      %get3A_258 = arith.index_cast %scan3A_18 : i32 to index
      %get3A_259 = arith.constant 320 : index
      %get3A_260 = tpu.vector_load %arg8[%get3A_258, %get3A_259] {strides = array<i32>} : memref<64x768xf32, #tpu.memory_space<vmem>>, vector<16xf32>,
      %mul3A_261 = arith.mulf %gather3A, %get3A_260 : vector<16xf32>
      %get3A_262 = arith.index_cast %scan3A_18 : i32 to index
      %get3A_263 = arith.constant 320 : index
      %get3A_264 = tpu.vector_load %arg9[%get3A_262, %get3A_263] {strides = array<i32>} : memref<64x768xf32, #tpu.memory_space<vmem>>, vector<16xf32>,
      %mul3A_265 = arith.mulf %gather3A_19, %get3A_264 : vector<16xf32>
      %add3A_266 = arith.addf %mul3A_261, %mul3A_265 : vector<16xf32>
      %swap3A_267 = arith.index_cast %scan3A_18 : i32 to index
      %swap3A_268 = arith.constant 320 : index
      %swap3A_269 = tpu.vector_load %arg8[%swap3A_267, %swap3A_268] {strides = array<i32>} : memref<64x768xf32, #tpu.memory_space<vmem>>, vector<16xf32>,
      tpu.vector_store %arg8[%swap3A_267, %swap3A_268], %add3A_266 {strides = array<i32>} : memref<64x768xf32, #tpu.memory_space<vmem>>, vector<16xf32>,
      %get3A_270 = arith.index_cast %scan3A_18 : i32 to index
      %get3A_271 = arith.constant 336 : index
      %get3A_272 = tpu.vector_load %arg8[%get3A_270, %get3A_271] {strides = array<i32>} : memref<64x768xf32, #tpu.memory_space<vmem>>, vector<16xf32>,
      %mul3A_273 = arith.mulf %gather3A, %get3A_272 : vector<16xf32>
      %get3A_274 = arith.index_cast %scan3A_18 : i32 to index
      %get3A_275 = arith.constant 336 : index
      %get3A_276 = tpu.vector_load %arg9[%get3A_274, %get3A_275] {strides = array<i32>} : memref<64x768xf32, #tpu.memory_space<vmem>>, vector<16xf32>,
      %mul3A_277 = arith.mulf %gather3A_19, %get3A_276 : vector<16xf32>
      %add3A_278 = arith.addf %mul3A_273, %mul3A_277 : vector<16xf32>
      %swap3A_279 = arith.index_cast %scan3A_18 : i32 to index
      %swap3A_280 = arith.constant 336 : index
      %swap3A_281 = tpu.vector_load %arg8[%swap3A_279, %swap3A_280] {strides = array<i32>} : memref<64x768xf32, #tpu.memory_space<vmem>>, vector<16xf32>,
      tpu.vector_store %arg8[%swap3A_279, %swap3A_280], %add3A_278 {strides = array<i32>} : memref<64x768xf32, #tpu.memory_space<vmem>>, vector<16xf32>,
      %get3A_282 = arith.index_cast %scan3A_18 : i32 to index
      %get3A_283 = arith.constant 352 : index
      %get3A_284 = tpu.vector_load %arg8[%get3A_282, %get3A_283] {strides = array<i32>} : memref<64x768xf32, #tpu.memory_space<vmem>>, vector<16xf32>,
      %mul3A_285 = arith.mulf %gather3A, %get3A_284 : vector<16xf32>
      %get3A_286 = arith.index_cast %scan3A_18 : i32 to index
      %get3A_287 = arith.constant 352 : index
      %get3A_288 = tpu.vector_load %arg9[%get3A_286, %get3A_287] {strides = array<i32>} : memref<64x768xf32, #tpu.memory_space<vmem>>, vector<16xf32>,
      %mul3A_289 = arith.mulf %gather3A_19, %get3A_288 : vector<16xf32>
      %add3A_290 = arith.addf %mul3A_285, %mul3A_289 : vector<16xf32>
      %swap3A_291 = arith.index_cast %scan3A_18 : i32 to index
      %swap3A_292 = arith.constant 352 : index
      %swap3A_293 = tpu.vector_load %arg8[%swap3A_291, %swap3A_292] {strides = array<i32>} : memref<64x768xf32, #tpu.memory_space<vmem>>, vector<16xf32>,
      tpu.vector_store %arg8[%swap3A_291, %swap3A_292], %add3A_290 {strides = array<i32>} : memref<64x768xf32, #tpu.memory_space<vmem>>, vector<16xf32>,
      %get3A_294 = arith.index_cast %scan3A_18 : i32 to index
      %get3A_295 = arith.constant 368 : index
      %get3A_296 = tpu.vector_load %arg8[%get3A_294, %get3A_295] {strides = array<i32>} : memref<64x768xf32, #tpu.memory_space<vmem>>, vector<16xf32>,
      %mul3A_297 = arith.mulf %gather3A, %get3A_296 : vector<16xf32>
      %get3A_298 = arith.index_cast %scan3A_18 : i32 to index
      %get3A_299 = arith.constant 368 : index
      %get3A_300 = tpu.vector_load %arg9[%get3A_298, %get3A_299] {strides = array<i32>} : memref<64x768xf32, #tpu.memory_space<vmem>>, vector<16xf32>,
      %mul3A_301 = arith.mulf %gather3A_19, %get3A_300 : vector<16xf32>
      %add3A_302 = arith.addf %mul3A_297, %mul3A_301 : vector<16xf32>
      %swap3A_303 = arith.index_cast %scan3A_18 : i32 to index
      %swap3A_304 = arith.constant 368 : index
      %swap3A_305 = tpu.vector_load %arg8[%swap3A_303, %swap3A_304] {strides = array<i32>} : memref<64x768xf32, #tpu.memory_space<vmem>>, vector<16xf32>,
      tpu.vector_store %arg8[%swap3A_303, %swap3A_304], %add3A_302 {strides = array<i32>} : memref<64x768xf32, #tpu.memory_space<vmem>>, vector<16xf32>,
      %get3A_306 = arith.index_cast %scan3A_18 : i32 to index
      %get3A_307 = arith.constant 384 : index
      %get3A_308 = tpu.vector_load %arg8[%get3A_306, %get3A_307] {strides = array<i32>} : memref<64x768xf32, #tpu.memory_space<vmem>>, vector<16xf32>,
      %mul3A_309 = arith.mulf %gather3A, %get3A_308 : vector<16xf32>
      %get3A_310 = arith.index_cast %scan3A_18 : i32 to index
      %get3A_311 = arith.constant 384 : index
      %get3A_312 = tpu.vector_load %arg9[%get3A_310, %get3A_311] {strides = array<i32>} : memref<64x768xf32, #tpu.memory_space<vmem>>, vector<16xf32>,
      %mul3A_313 = arith.mulf %gather3A_19, %get3A_312 : vector<16xf32>
      %add3A_314 = arith.addf %mul3A_309, %mul3A_313 : vector<16xf32>
      %swap3A_315 = arith.index_cast %scan3A_18 : i32 to index
      %swap3A_316 = arith.constant 384 : index
      %swap3A_317 = tpu.vector_load %arg8[%swap3A_315, %swap3A_316] {strides = array<i32>} : memref<64x768xf32, #tpu.memory_space<vmem>>, vector<16xf32>,
      tpu.vector_store %arg8[%swap3A_315, %swap3A_316], %add3A_314 {strides = array<i32>} : memref<64x768xf32, #tpu.memory_space<vmem>>, vector<16xf32>,
      %get3A_318 = arith.index_cast %scan3A_18 : i32 to index
      %get3A_319 = arith.constant 400 : index
      %get3A_320 = tpu.vector_load %arg8[%get3A_318, %get3A_319] {strides = array<i32>} : memref<64x768xf32, #tpu.memory_space<vmem>>, vector<16xf32>,
      %mul3A_321 = arith.mulf %gather3A, %get3A_320 : vector<16xf32>
      %get3A_322 = arith.index_cast %scan3A_18 : i32 to index
      %get3A_323 = arith.constant 400 : index
      %get3A_324 = tpu.vector_load %arg9[%get3A_322, %get3A_323] {strides = array<i32>} : memref<64x768xf32, #tpu.memory_space<vmem>>, vector<16xf32>,
      %mul3A_325 = arith.mulf %gather3A_19, %get3A_324 : vector<16xf32>
      %add3A_326 = arith.addf %mul3A_321, %mul3A_325 : vector<16xf32>
      %swap3A_327 = arith.index_cast %scan3A_18 : i32 to index
      %swap3A_328 = arith.constant 400 : index
      %swap3A_329 = tpu.vector_load %arg8[%swap3A_327, %swap3A_328] {strides = array<i32>} : memref<64x768xf32, #tpu.memory_space<vmem>>, vector<16xf32>,
      tpu.vector_store %arg8[%swap3A_327, %swap3A_328], %add3A_326 {strides = array<i32>} : memref<64x768xf32, #tpu.memory_space<vmem>>, vector<16xf32>,
      %get3A_330 = arith.index_cast %scan3A_18 : i32 to index
      %get3A_331 = arith.constant 416 : index
      %get3A_332 = tpu.vector_load %arg8[%get3A_330, %get3A_331] {strides = array<i32>} : memref<64x768xf32, #tpu.memory_space<vmem>>, vector<16xf32>,
      %mul3A_333 = arith.mulf %gather3A, %get3A_332 : vector<16xf32>
      %get3A_334 = arith.index_cast %scan3A_18 : i32 to index
      %get3A_335 = arith.constant 416 : index
      %get3A_336 = tpu.vector_load %arg9[%get3A_334, %get3A_335] {strides = array<i32>} : memref<64x768xf32, #tpu.memory_space<vmem>>, vector<16xf32>,
      %mul3A_337 = arith.mulf %gather3A_19, %get3A_336 : vector<16xf32>
      %add3A_338 = arith.addf %mul3A_333, %mul3A_337 : vector<16xf32>
      %swap3A_339 = arith.index_cast %scan3A_18 : i32 to index
      %swap3A_340 = arith.constant 416 : index
      %swap3A_341 = tpu.vector_load %arg8[%swap3A_339, %swap3A_340] {strides = array<i32>} : memref<64x768xf32, #tpu.memory_space<vmem>>, vector<16xf32>,
      tpu.vector_store %arg8[%swap3A_339, %swap3A_340], %add3A_338 {strides = array<i32>} : memref<64x768xf32, #tpu.memory_space<vmem>>, vector<16xf32>,
      %get3A_342 = arith.index_cast %scan3A_18 : i32 to index
      %get3A_343 = arith.constant 432 : index
      %get3A_344 = tpu.vector_load %arg8[%get3A_342, %get3A_343] {strides = array<i32>} : memref<64x768xf32, #tpu.memory_space<vmem>>, vector<16xf32>,
      %mul3A_345 = arith.mulf %gather3A, %get3A_344 : vector<16xf32>
      %get3A_346 = arith.index_cast %scan3A_18 : i32 to index
      %get3A_347 = arith.constant 432 : index
      %get3A_348 = tpu.vector_load %arg9[%get3A_346, %get3A_347] {strides = array<i32>} : memref<64x768xf32, #tpu.memory_space<vmem>>, vector<16xf32>,
      %mul3A_349 = arith.mulf %gather3A_19, %get3A_348 : vector<16xf32>
      %add3A_350 = arith.addf %mul3A_345, %mul3A_349 : vector<16xf32>
      %swap3A_351 = arith.index_cast %scan3A_18 : i32 to index
      %swap3A_352 = arith.constant 432 : index
      %swap3A_353 = tpu.vector_load %arg8[%swap3A_351, %swap3A_352] {strides = array<i32>} : memref<64x768xf32, #tpu.memory_space<vmem>>, vector<16xf32>,
      tpu.vector_store %arg8[%swap3A_351, %swap3A_352], %add3A_350 {strides = array<i32>} : memref<64x768xf32, #tpu.memory_space<vmem>>, vector<16xf32>,
      %get3A_354 = arith.index_cast %scan3A_18 : i32 to index
      %get3A_355 = arith.constant 448 : index
      %get3A_356 = tpu.vector_load %arg8[%get3A_354, %get3A_355] {strides = array<i32>} : memref<64x768xf32, #tpu.memory_space<vmem>>, vector<16xf32>,
      %mul3A_357 = arith.mulf %gather3A, %get3A_356 : vector<16xf32>
      %get3A_358 = arith.index_cast %scan3A_18 : i32 to index
      %get3A_359 = arith.constant 448 : index
      %get3A_360 = tpu.vector_load %arg9[%get3A_358, %get3A_359] {strides = array<i32>} : memref<64x768xf32, #tpu.memory_space<vmem>>, vector<16xf32>,
      %mul3A_361 = arith.mulf %gather3A_19, %get3A_360 : vector<16xf32>
      %add3A_362 = arith.addf %mul3A_357, %mul3A_361 : vector<16xf32>
      %swap3A_363 = arith.index_cast %scan3A_18 : i32 to index
      %swap3A_364 = arith.constant 448 : index
      %swap3A_365 = tpu.vector_load %arg8[%swap3A_363, %swap3A_364] {strides = array<i32>} : memref<64x768xf32, #tpu.memory_space<vmem>>, vector<16xf32>,
      tpu.vector_store %arg8[%swap3A_363, %swap3A_364], %add3A_362 {strides = array<i32>} : memref<64x768xf32, #tpu.memory_space<vmem>>, vector<16xf32>,
      %get3A_366 = arith.index_cast %scan3A_18 : i32 to index
      %get3A_367 = arith.constant 464 : index
      %get3A_368 = tpu.vector_load %arg8[%get3A_366, %get3A_367] {strides = array<i32>} : memref<64x768xf32, #tpu.memory_space<vmem>>, vector<16xf32>,
      %mul3A_369 = arith.mulf %gather3A, %get3A_368 : vector<16xf32>
      %get3A_370 = arith.index_cast %scan3A_18 : i32 to index
      %get3A_371 = arith.constant 464 : index
      %get3A_372 = tpu.vector_load %arg9[%get3A_370, %get3A_371] {strides = array<i32>} : memref<64x768xf32, #tpu.memory_space<vmem>>, vector<16xf32>,
      %mul3A_373 = arith.mulf %gather3A_19, %get3A_372 : vector<16xf32>
      %add3A_374 = arith.addf %mul3A_369, %mul3A_373 : vector<16xf32>
      %swap3A_375 = arith.index_cast %scan3A_18 : i32 to index
      %swap3A_376 = arith.constant 464 : index
      %swap3A_377 = tpu.vector_load %arg8[%swap3A_375, %swap3A_376] {strides = array<i32>} : memref<64x768xf32, #tpu.memory_space<vmem>>, vector<16xf32>,
      tpu.vector_store %arg8[%swap3A_375, %swap3A_376], %add3A_374 {strides = array<i32>} : memref<64x768xf32, #tpu.memory_space<vmem>>, vector<16xf32>,
      %get3A_378 = arith.index_cast %scan3A_18 : i32 to index
      %get3A_379 = arith.constant 480 : index
      %get3A_380 = tpu.vector_load %arg8[%get3A_378, %get3A_379] {strides = array<i32>} : memref<64x768xf32, #tpu.memory_space<vmem>>, vector<16xf32>,
      %mul3A_381 = arith.mulf %gather3A, %get3A_380 : vector<16xf32>
      %get3A_382 = arith.index_cast %scan3A_18 : i32 to index
      %get3A_383 = arith.constant 480 : index
      %get3A_384 = tpu.vector_load %arg9[%get3A_382, %get3A_383] {strides = array<i32>} : memref<64x768xf32, #tpu.memory_space<vmem>>, vector<16xf32>,
      %mul3A_385 = arith.mulf %gather3A_19, %get3A_384 : vector<16xf32>
      %add3A_386 = arith.addf %mul3A_381, %mul3A_385 : vector<16xf32>
      %swap3A_387 = arith.index_cast %scan3A_18 : i32 to index
      %swap3A_388 = arith.constant 480 : index
      %swap3A_389 = tpu.vector_load %arg8[%swap3A_387, %swap3A_388] {strides = array<i32>} : memref<64x768xf32, #tpu.memory_space<vmem>>, vector<16xf32>,
      tpu.vector_store %arg8[%swap3A_387, %swap3A_388], %add3A_386 {strides = array<i32>} : memref<64x768xf32, #tpu.memory_space<vmem>>, vector<16xf32>,
      %get3A_390 = arith.index_cast %scan3A_18 : i32 to index
      %get3A_391 = arith.constant 496 : index
      %get3A_392 = tpu.vector_load %arg8[%get3A_390, %get3A_391] {strides = array<i32>} : memref<64x768xf32, #tpu.memory_space<vmem>>, vector<16xf32>,
      %mul3A_393 = arith.mulf %gather3A, %get3A_392 : vector<16xf32>
      %get3A_394 = arith.index_cast %scan3A_18 : i32 to index
      %get3A_395 = arith.constant 496 : index
      %get3A_396 = tpu.vector_load %arg9[%get3A_394, %get3A_395] {strides = array<i32>} : memref<64x768xf32, #tpu.memory_space<vmem>>, vector<16xf32>,
      %mul3A_397 = arith.mulf %gather3A_19, %get3A_396 : vector<16xf32>
      %add3A_398 = arith.addf %mul3A_393, %mul3A_397 : vector<16xf32>
      %swap3A_399 = arith.index_cast %scan3A_18 : i32 to index
      %swap3A_400 = arith.constant 496 : index
      %swap3A_401 = tpu.vector_load %arg8[%swap3A_399, %swap3A_400] {strides = array<i32>} : memref<64x768xf32, #tpu.memory_space<vmem>>, vector<16xf32>,
      tpu.vector_store %arg8[%swap3A_399, %swap3A_400], %add3A_398 {strides = array<i32>} : memref<64x768xf32, #tpu.memory_space<vmem>>, vector<16xf32>,
      %get3A_402 = arith.index_cast %scan3A_18 : i32 to index
      %get3A_403 = arith.constant 512 : index
      %get3A_404 = tpu.vector_load %arg8[%get3A_402, %get3A_403] {strides = array<i32>} : memref<64x768xf32, #tpu.memory_space<vmem>>, vector<16xf32>,
      %mul3A_405 = arith.mulf %gather3A, %get3A_404 : vector<16xf32>
      %get3A_406 = arith.index_cast %scan3A_18 : i32 to index
      %get3A_407 = arith.constant 512 : index
      %get3A_408 = tpu.vector_load %arg9[%get3A_406, %get3A_407] {strides = array<i32>} : memref<64x768xf32, #tpu.memory_space<vmem>>, vector<16xf32>,
      %mul3A_409 = arith.mulf %gather3A_19, %get3A_408 : vector<16xf32>
      %add3A_410 = arith.addf %mul3A_405, %mul3A_409 : vector<16xf32>
      %swap3A_411 = arith.index_cast %scan3A_18 : i32 to index
      %swap3A_412 = arith.constant 512 : index
      %swap3A_413 = tpu.vector_load %arg8[%swap3A_411, %swap3A_412] {strides = array<i32>} : memref<64x768xf32, #tpu.memory_space<vmem>>, vector<16xf32>,
      tpu.vector_store %arg8[%swap3A_411, %swap3A_412], %add3A_410 {strides = array<i32>} : memref<64x768xf32, #tpu.memory_space<vmem>>, vector<16xf32>,
      %get3A_414 = arith.index_cast %scan3A_18 : i32 to index
      %get3A_415 = arith.constant 528 : index
      %get3A_416 = tpu.vector_load %arg8[%get3A_414, %get3A_415] {strides = array<i32>} : memref<64x768xf32, #tpu.memory_space<vmem>>, vector<16xf32>,
      %mul3A_417 = arith.mulf %gather3A, %get3A_416 : vector<16xf32>
      %get3A_418 = arith.index_cast %scan3A_18 : i32 to index
      %get3A_419 = arith.constant 528 : index
      %get3A_420 = tpu.vector_load %arg9[%get3A_418, %get3A_419] {strides = array<i32>} : memref<64x768xf32, #tpu.memory_space<vmem>>, vector<16xf32>,
      %mul3A_421 = arith.mulf %gather3A_19, %get3A_420 : vector<16xf32>
      %add3A_422 = arith.addf %mul3A_417, %mul3A_421 : vector<16xf32>
      %swap3A_423 = arith.index_cast %scan3A_18 : i32 to index
      %swap3A_424 = arith.constant 528 : index
      %swap3A_425 = tpu.vector_load %arg8[%swap3A_423, %swap3A_424] {strides = array<i32>} : memref<64x768xf32, #tpu.memory_space<vmem>>, vector<16xf32>,
      tpu.vector_store %arg8[%swap3A_423, %swap3A_424], %add3A_422 {strides = array<i32>} : memref<64x768xf32, #tpu.memory_space<vmem>>, vector<16xf32>,
      %get3A_426 = arith.index_cast %scan3A_18 : i32 to index
      %get3A_427 = arith.constant 544 : index
      %get3A_428 = tpu.vector_load %arg8[%get3A_426, %get3A_427] {strides = array<i32>} : memref<64x768xf32, #tpu.memory_space<vmem>>, vector<16xf32>,
      %mul3A_429 = arith.mulf %gather3A, %get3A_428 : vector<16xf32>
      %get3A_430 = arith.index_cast %scan3A_18 : i32 to index
      %get3A_431 = arith.constant 544 : index
      %get3A_432 = tpu.vector_load %arg9[%get3A_430, %get3A_431] {strides = array<i32>} : memref<64x768xf32, #tpu.memory_space<vmem>>, vector<16xf32>,
      %mul3A_433 = arith.mulf %gather3A_19, %get3A_432 : vector<16xf32>
      %add3A_434 = arith.addf %mul3A_429, %mul3A_433 : vector<16xf32>
      %swap3A_435 = arith.index_cast %scan3A_18 : i32 to index
      %swap3A_436 = arith.constant 544 : index
      %swap3A_437 = tpu.vector_load %arg8[%swap3A_435, %swap3A_436] {strides = array<i32>} : memref<64x768xf32, #tpu.memory_space<vmem>>, vector<16xf32>,
      tpu.vector_store %arg8[%swap3A_435, %swap3A_436], %add3A_434 {strides = array<i32>} : memref<64x768xf32, #tpu.memory_space<vmem>>, vector<16xf32>,
      %get3A_438 = arith.index_cast %scan3A_18 : i32 to index
      %get3A_439 = arith.constant 560 : index
      %get3A_440 = tpu.vector_load %arg8[%get3A_438, %get3A_439] {strides = array<i32>} : memref<64x768xf32, #tpu.memory_space<vmem>>, vector<16xf32>,
      %mul3A_441 = arith.mulf %gather3A, %get3A_440 : vector<16xf32>
      %get3A_442 = arith.index_cast %scan3A_18 : i32 to index
      %get3A_443 = arith.constant 560 : index
      %get3A_444 = tpu.vector_load %arg9[%get3A_442, %get3A_443] {strides = array<i32>} : memref<64x768xf32, #tpu.memory_space<vmem>>, vector<16xf32>,
      %mul3A_445 = arith.mulf %gather3A_19, %get3A_444 : vector<16xf32>
      %add3A_446 = arith.addf %mul3A_441, %mul3A_445 : vector<16xf32>
      %swap3A_447 = arith.index_cast %scan3A_18 : i32 to index
      %swap3A_448 = arith.constant 560 : index
      %swap3A_449 = tpu.vector_load %arg8[%swap3A_447, %swap3A_448] {strides = array<i32>} : memref<64x768xf32, #tpu.memory_space<vmem>>, vector<16xf32>,
      tpu.vector_store %arg8[%swap3A_447, %swap3A_448], %add3A_446 {strides = array<i32>} : memref<64x768xf32, #tpu.memory_space<vmem>>, vector<16xf32>,
      %get3A_450 = arith.index_cast %scan3A_18 : i32 to index
      %get3A_451 = arith.constant 576 : index
      %get3A_452 = tpu.vector_load %arg8[%get3A_450, %get3A_451] {strides = array<i32>} : memref<64x768xf32, #tpu.memory_space<vmem>>, vector<16xf32>,
      %mul3A_453 = arith.mulf %gather3A, %get3A_452 : vector<16xf32>
      %get3A_454 = arith.index_cast %scan3A_18 : i32 to index
      %get3A_455 = arith.constant 576 : index
      %get3A_456 = tpu.vector_load %arg9[%get3A_454, %get3A_455] {strides = array<i32>} : memref<64x768xf32, #tpu.memory_space<vmem>>, vector<16xf32>,
      %mul3A_457 = arith.mulf %gather3A_19, %get3A_456 : vector<16xf32>
      %add3A_458 = arith.addf %mul3A_453, %mul3A_457 : vector<16xf32>
      %swap3A_459 = arith.index_cast %scan3A_18 : i32 to index
      %swap3A_460 = arith.constant 576 : index
      %swap3A_461 = tpu.vector_load %arg8[%swap3A_459, %swap3A_460] {strides = array<i32>} : memref<64x768xf32, #tpu.memory_space<vmem>>, vector<16xf32>,
      tpu.vector_store %arg8[%swap3A_459, %swap3A_460], %add3A_458 {strides = array<i32>} : memref<64x768xf32, #tpu.memory_space<vmem>>, vector<16xf32>,
      %get3A_462 = arith.index_cast %scan3A_18 : i32 to index
      %get3A_463 = arith.constant 592 : index
      %get3A_464 = tpu.vector_load %arg8[%get3A_462, %get3A_463] {strides = array<i32>} : memref<64x768xf32, #tpu.memory_space<vmem>>, vector<16xf32>,
      %mul3A_465 = arith.mulf %gather3A, %get3A_464 : vector<16xf32>
      %get3A_466 = arith.index_cast %scan3A_18 : i32 to index
      %get3A_467 = arith.constant 592 : index
      %get3A_468 = tpu.vector_load %arg9[%get3A_466, %get3A_467] {strides = array<i32>} : memref<64x768xf32, #tpu.memory_space<vmem>>, vector<16xf32>,
      %mul3A_469 = arith.mulf %gather3A_19, %get3A_468 : vector<16xf32>
      %add3A_470 = arith.addf %mul3A_465, %mul3A_469 : vector<16xf32>
      %swap3A_471 = arith.index_cast %scan3A_18 : i32 to index
      %swap3A_472 = arith.constant 592 : index
      %swap3A_473 = tpu.vector_load %arg8[%swap3A_471, %swap3A_472] {strides = array<i32>} : memref<64x768xf32, #tpu.memory_space<vmem>>, vector<16xf32>,
      tpu.vector_store %arg8[%swap3A_471, %swap3A_472], %add3A_470 {strides = array<i32>} : memref<64x768xf32, #tpu.memory_space<vmem>>, vector<16xf32>,
      %get3A_474 = arith.index_cast %scan3A_18 : i32 to index
      %get3A_475 = arith.constant 608 : index
      %get3A_476 = tpu.vector_load %arg8[%get3A_474, %get3A_475] {strides = array<i32>} : memref<64x768xf32, #tpu.memory_space<vmem>>, vector<16xf32>,
      %mul3A_477 = arith.mulf %gather3A, %get3A_476 : vector<16xf32>
      %get3A_478 = arith.index_cast %scan3A_18 : i32 to index
      %get3A_479 = arith.constant 608 : index
      %get3A_480 = tpu.vector_load %arg9[%get3A_478, %get3A_479] {strides = array<i32>} : memref<64x768xf32, #tpu.memory_space<vmem>>, vector<16xf32>,
      %mul3A_481 = arith.mulf %gather3A_19, %get3A_480 : vector<16xf32>
      %add3A_482 = arith.addf %mul3A_477, %mul3A_481 : vector<16xf32>
      %swap3A_483 = arith.index_cast %scan3A_18 : i32 to index
      %swap3A_484 = arith.constant 608 : index
      %swap3A_485 = tpu.vector_load %arg8[%swap3A_483, %swap3A_484] {strides = array<i32>} : memref<64x768xf32, #tpu.memory_space<vmem>>, vector<16xf32>,
      tpu.vector_store %arg8[%swap3A_483, %swap3A_484], %add3A_482 {strides = array<i32>} : memref<64x768xf32, #tpu.memory_space<vmem>>, vector<16xf32>,
      %get3A_486 = arith.index_cast %scan3A_18 : i32 to index
      %get3A_487 = arith.constant 624 : index
      %get3A_488 = tpu.vector_load %arg8[%get3A_486, %get3A_487] {strides = array<i32>} : memref<64x768xf32, #tpu.memory_space<vmem>>, vector<16xf32>,
      %mul3A_489 = arith.mulf %gather3A, %get3A_488 : vector<16xf32>
      %get3A_490 = arith.index_cast %scan3A_18 : i32 to index
      %get3A_491 = arith.constant 624 : index
      %get3A_492 = tpu.vector_load %arg9[%get3A_490, %get3A_491] {strides = array<i32>} : memref<64x768xf32, #tpu.memory_space<vmem>>, vector<16xf32>,
      %mul3A_493 = arith.mulf %gather3A_19, %get3A_492 : vector<16xf32>
      %add3A_494 = arith.addf %mul3A_489, %mul3A_493 : vector<16xf32>
      %swap3A_495 = arith.index_cast %scan3A_18 : i32 to index
      %swap3A_496 = arith.constant 624 : index
      %swap3A_497 = tpu.vector_load %arg8[%swap3A_495, %swap3A_496] {strides = array<i32>} : memref<64x768xf32, #tpu.memory_space<vmem>>, vector<16xf32>,
      tpu.vector_store %arg8[%swap3A_495, %swap3A_496], %add3A_494 {strides = array<i32>} : memref<64x768xf32, #tpu.memory_space<vmem>>, vector<16xf32>,
      %get3A_498 = arith.index_cast %scan3A_18 : i32 to index
      %get3A_499 = arith.constant 640 : index
      %get3A_500 = tpu.vector_load %arg8[%get3A_498, %get3A_499] {strides = array<i32>} : memref<64x768xf32, #tpu.memory_space<vmem>>, vector<16xf32>,
      %mul3A_501 = arith.mulf %gather3A, %get3A_500 : vector<16xf32>
      %get3A_502 = arith.index_cast %scan3A_18 : i32 to index
      %get3A_503 = arith.constant 640 : index
      %get3A_504 = tpu.vector_load %arg9[%get3A_502, %get3A_503] {strides = array<i32>} : memref<64x768xf32, #tpu.memory_space<vmem>>, vector<16xf32>,
      %mul3A_505 = arith.mulf %gather3A_19, %get3A_504 : vector<16xf32>
      %add3A_506 = arith.addf %mul3A_501, %mul3A_505 : vector<16xf32>
      %swap3A_507 = arith.index_cast %scan3A_18 : i32 to index
      %swap3A_508 = arith.constant 640 : index
      %swap3A_509 = tpu.vector_load %arg8[%swap3A_507, %swap3A_508] {strides = array<i32>} : memref<64x768xf32, #tpu.memory_space<vmem>>, vector<16xf32>,
      tpu.vector_store %arg8[%swap3A_507, %swap3A_508], %add3A_506 {strides = array<i32>} : memref<64x768xf32, #tpu.memory_space<vmem>>, vector<16xf32>,
      %get3A_510 = arith.index_cast %scan3A_18 : i32 to index
      %get3A_511 = arith.constant 656 : index
      %get3A_512 = tpu.vector_load %arg8[%get3A_510, %get3A_511] {strides = array<i32>} : memref<64x768xf32, #tpu.memory_space<vmem>>, vector<16xf32>,
      %mul3A_513 = arith.mulf %gather3A, %get3A_512 : vector<16xf32>
      %get3A_514 = arith.index_cast %scan3A_18 : i32 to index
      %get3A_515 = arith.constant 656 : index
      %get3A_516 = tpu.vector_load %arg9[%get3A_514, %get3A_515] {strides = array<i32>} : memref<64x768xf32, #tpu.memory_space<vmem>>, vector<16xf32>,
      %mul3A_517 = arith.mulf %gather3A_19, %get3A_516 : vector<16xf32>
      %add3A_518 = arith.addf %mul3A_513, %mul3A_517 : vector<16xf32>
      %swap3A_519 = arith.index_cast %scan3A_18 : i32 to index
      %swap3A_520 = arith.constant 656 : index
      %swap3A_521 = tpu.vector_load %arg8[%swap3A_519, %swap3A_520] {strides = array<i32>} : memref<64x768xf32, #tpu.memory_space<vmem>>, vector<16xf32>,
      tpu.vector_store %arg8[%swap3A_519, %swap3A_520], %add3A_518 {strides = array<i32>} : memref<64x768xf32, #tpu.memory_space<vmem>>, vector<16xf32>,
      %get3A_522 = arith.index_cast %scan3A_18 : i32 to index
      %get3A_523 = arith.constant 672 : index
      %get3A_524 = tpu.vector_load %arg8[%get3A_522, %get3A_523] {strides = array<i32>} : memref<64x768xf32, #tpu.memory_space<vmem>>, vector<16xf32>,
      %mul3A_525 = arith.mulf %gather3A, %get3A_524 : vector<16xf32>
      %get3A_526 = arith.index_cast %scan3A_18 : i32 to index
      %get3A_527 = arith.constant 672 : index
      %get3A_528 = tpu.vector_load %arg9[%get3A_526, %get3A_527] {strides = array<i32>} : memref<64x768xf32, #tpu.memory_space<vmem>>, vector<16xf32>,
      %mul3A_529 = arith.mulf %gather3A_19, %get3A_528 : vector<16xf32>
      %add3A_530 = arith.addf %mul3A_525, %mul3A_529 : vector<16xf32>
      %swap3A_531 = arith.index_cast %scan3A_18 : i32 to index
      %swap3A_532 = arith.constant 672 : index
      %swap3A_533 = tpu.vector_load %arg8[%swap3A_531, %swap3A_532] {strides = array<i32>} : memref<64x768xf32, #tpu.memory_space<vmem>>, vector<16xf32>,
      tpu.vector_store %arg8[%swap3A_531, %swap3A_532], %add3A_530 {strides = array<i32>} : memref<64x768xf32, #tpu.memory_space<vmem>>, vector<16xf32>,
      %get3A_534 = arith.index_cast %scan3A_18 : i32 to index
      %get3A_535 = arith.constant 688 : index
      %get3A_536 = tpu.vector_load %arg8[%get3A_534, %get3A_535] {strides = array<i32>} : memref<64x768xf32, #tpu.memory_space<vmem>>, vector<16xf32>,
      %mul3A_537 = arith.mulf %gather3A, %get3A_536 : vector<16xf32>
      %get3A_538 = arith.index_cast %scan3A_18 : i32 to index
      %get3A_539 = arith.constant 688 : index
      %get3A_540 = tpu.vector_load %arg9[%get3A_538, %get3A_539] {strides = array<i32>} : memref<64x768xf32, #tpu.memory_space<vmem>>, vector<16xf32>,
      %mul3A_541 = arith.mulf %gather3A_19, %get3A_540 : vector<16xf32>
      %add3A_542 = arith.addf %mul3A_537, %mul3A_541 : vector<16xf32>
      %swap3A_543 = arith.index_cast %scan3A_18 : i32 to index
      %swap3A_544 = arith.constant 688 : index
      %swap3A_545 = tpu.vector_load %arg8[%swap3A_543, %swap3A_544] {strides = array<i32>} : memref<64x768xf32, #tpu.memory_space<vmem>>, vector<16xf32>,
      tpu.vector_store %arg8[%swap3A_543, %swap3A_544], %add3A_542 {strides = array<i32>} : memref<64x768xf32, #tpu.memory_space<vmem>>, vector<16xf32>,
      %get3A_546 = arith.index_cast %scan3A_18 : i32 to index
      %get3A_547 = arith.constant 704 : index
      %get3A_548 = tpu.vector_load %arg8[%get3A_546, %get3A_547] {strides = array<i32>} : memref<64x768xf32, #tpu.memory_space<vmem>>, vector<16xf32>,
      %mul3A_549 = arith.mulf %gather3A, %get3A_548 : vector<16xf32>
      %get3A_550 = arith.index_cast %scan3A_18 : i32 to index
      %get3A_551 = arith.constant 704 : index
      %get3A_552 = tpu.vector_load %arg9[%get3A_550, %get3A_551] {strides = array<i32>} : memref<64x768xf32, #tpu.memory_space<vmem>>, vector<16xf32>,
      %mul3A_553 = arith.mulf %gather3A_19, %get3A_552 : vector<16xf32>
      %add3A_554 = arith.addf %mul3A_549, %mul3A_553 : vector<16xf32>
      %swap3A_555 = arith.index_cast %scan3A_18 : i32 to index
      %swap3A_556 = arith.constant 704 : index
      %swap3A_557 = tpu.vector_load %arg8[%swap3A_555, %swap3A_556] {strides = array<i32>} : memref<64x768xf32, #tpu.memory_space<vmem>>, vector<16xf32>,
      tpu.vector_store %arg8[%swap3A_555, %swap3A_556], %add3A_554 {strides = array<i32>} : memref<64x768xf32, #tpu.memory_space<vmem>>, vector<16xf32>,
      %get3A_558 = arith.index_cast %scan3A_18 : i32 to index
      %get3A_559 = arith.constant 720 : index
      %get3A_560 = tpu.vector_load %arg8[%get3A_558, %get3A_559] {strides = array<i32>} : memref<64x768xf32, #tpu.memory_space<vmem>>, vector<16xf32>,
      %mul3A_561 = arith.mulf %gather3A, %get3A_560 : vector<16xf32>
      %get3A_562 = arith.index_cast %scan3A_18 : i32 to index
      %get3A_563 = arith.constant 720 : index
      %get3A_564 = tpu.vector_load %arg9[%get3A_562, %get3A_563] {strides = array<i32>} : memref<64x768xf32, #tpu.memory_space<vmem>>, vector<16xf32>,
      %mul3A_565 = arith.mulf %gather3A_19, %get3A_564 : vector<16xf32>
      %add3A_566 = arith.addf %mul3A_561, %mul3A_565 : vector<16xf32>
      %swap3A_567 = arith.index_cast %scan3A_18 : i32 to index
      %swap3A_568 = arith.constant 720 : index
      %swap3A_569 = tpu.vector_load %arg8[%swap3A_567, %swap3A_568] {strides = array<i32>} : memref<64x768xf32, #tpu.memory_space<vmem>>, vector<16xf32>,
      tpu.vector_store %arg8[%swap3A_567, %swap3A_568], %add3A_566 {strides = array<i32>} : memref<64x768xf32, #tpu.memory_space<vmem>>, vector<16xf32>,
      %get3A_570 = arith.index_cast %scan3A_18 : i32 to index
      %get3A_571 = arith.constant 736 : index
      %get3A_572 = tpu.vector_load %arg8[%get3A_570, %get3A_571] {strides = array<i32>} : memref<64x768xf32, #tpu.memory_space<vmem>>, vector<16xf32>,
      %mul3A_573 = arith.mulf %gather3A, %get3A_572 : vector<16xf32>
      %get3A_574 = arith.index_cast %scan3A_18 : i32 to index
      %get3A_575 = arith.constant 736 : index
      %get3A_576 = tpu.vector_load %arg9[%get3A_574, %get3A_575] {strides = array<i32>} : memref<64x768xf32, #tpu.memory_space<vmem>>, vector<16xf32>,
      %mul3A_577 = arith.mulf %gather3A_19, %get3A_576 : vector<16xf32>
      %add3A_578 = arith.addf %mul3A_573, %mul3A_577 : vector<16xf32>
      %swap3A_579 = arith.index_cast %scan3A_18 : i32 to index
      %swap3A_580 = arith.constant 736 : index
      %swap3A_581 = tpu.vector_load %arg8[%swap3A_579, %swap3A_580] {strides = array<i32>} : memref<64x768xf32, #tpu.memory_space<vmem>>, vector<16xf32>,
      tpu.vector_store %arg8[%swap3A_579, %swap3A_580], %add3A_578 {strides = array<i32>} : memref<64x768xf32, #tpu.memory_space<vmem>>, vector<16xf32>,
      %get3A_582 = arith.index_cast %scan3A_18 : i32 to index
      %get3A_583 = arith.constant 752 : index
      %get3A_584 = tpu.vector_load %arg8[%get3A_582, %get3A_583] {strides = array<i32>} : memref<64x768xf32, #tpu.memory_space<vmem>>, vector<16xf32>,
      %mul3A_585 = arith.mulf %gather3A, %get3A_584 : vector<16xf32>
      %get3A_586 = arith.index_cast %scan3A_18 : i32 to index
      %get3A_587 = arith.constant 752 : index
      %get3A_588 = tpu.vector_load %arg9[%get3A_586, %get3A_587] {strides = array<i32>} : memref<64x768xf32, #tpu.memory_space<vmem>>, vector<16xf32>,
      %mul3A_589 = arith.mulf %gather3A_19, %get3A_588 : vector<16xf32>
      %add3A_590 = arith.addf %mul3A_585, %mul3A_589 : vector<16xf32>
      %swap3A_591 = arith.index_cast %scan3A_18 : i32 to index
      %swap3A_592 = arith.constant 752 : index
      %swap3A_593 = tpu.vector_load %arg8[%swap3A_591, %swap3A_592] {strides = array<i32>} : memref<64x768xf32, #tpu.memory_space<vmem>>, vector<16xf32>,
      tpu.vector_store %arg8[%swap3A_591, %swap3A_592], %add3A_590 {strides = array<i32>} : memref<64x768xf32, #tpu.memory_space<vmem>>, vector<16xf32>,
    }
    %scan3A_17 = arith.constant 64 : i32
    "tpu.region"() ({
      %run_scoped3A = tpu.sem_alloc : memref<!tpu.dma_semaphore, #tpu.memory_space<semaphore_mem>>
      %dma_start3A_18 = arith.constant 0 : i32
      %dma_start3A_19 = tpu.memref_slice %arg7[%mul3A_2, %dma_start3A_18] : memref<2048x768xf32, #tpu.memory_space<hbm>> -> memref<64x768xf32, #tpu.memory_space<hbm>>
      %dma_start3A_20 = arith.constant 0 : i32
      %dma_start3A_21 = tpu.memref_slice %arg7[%mul3A_2, %dma_start3A_20] : memref<2048x768xf32, #tpu.memory_space<hbm>> -> memref<64x768xf32, #tpu.memory_space<hbm>>
      tpu.enqueue_dma source(%arg8 : memref<64x768xf32, #tpu.memory_space<vmem>>) target(%dma_start3A_21 : memref<64x768xf32, #tpu.memory_space<hbm>>) target_semaphore(%run_scoped3A : memref<!tpu.dma_semaphore, #tpu.memory_space<semaphore_mem>>)
      %dma_wait3A_22 = arith.constant 0 : i32
      %dma_wait3A_23 = tpu.memref_slice %arg7[%mul3A_2, %dma_wait3A_22] : memref<2048x768xf32, #tpu.memory_space<hbm>> -> memref<64x768xf32, #tpu.memory_space<hbm>>
      %dma_wait3A_24 = arith.constant 0 : i32
      %dma_wait3A_25 = tpu.memref_slice %arg7[%mul3A_2, %dma_wait3A_24] : memref<2048x768xf32, #tpu.memory_space<hbm>> -> memref<64x768xf32, #tpu.memory_space<hbm>>
      tpu.wait_dma2 semaphore(%run_scoped3A : memref<!tpu.dma_semaphore, #tpu.memory_space<semaphore_mem>>) src(%arg8 : memref<64x768xf32, #tpu.memory_space<vmem>>) dst(%dma_wait3A_25 : memref<64x768xf32, #tpu.memory_space<hbm>>)
      tpu.yield
    }) : () -> ()
    return
  }
}

#map = affine_map<(d0, d1) -> (0, 0)>
#map1 = affine_map<(d0, d1) -> (0)>
module attributes {stable_mosaic.version = 14 : i64} {
  func.func @_sc_dispatch_body(%arg0: i32, %arg1: i32, %arg2: memref<2048x768xf32, #tpu.memory_space<hbm>>, %arg3: memref<2048xi32, #tpu.memory_space<hbm>>, %arg4: memref<2048xi32, #tpu.memory_space<hbm>>, %arg5: memref<6144x768xf32, #tpu.memory_space<hbm>>, %arg6: memref<64x768xf32, #tpu.memory_space<vmem>>, %arg7: memref<64xi32, #tpu.memory_space<vmem>>, %arg8: memref<64xi32, #tpu.memory_space<vmem>>, %arg9: memref<!tpu.dma_semaphore, #tpu.memory_space<semaphore_mem>>) attributes {dimension_semantics = [#tpu.dimension_semantics<core_parallel>, #tpu.dimension_semantics<subcore_parallel>], iteration_bounds = array<i64: 2, 16>, scalar_prefetch = 0 : i64, scratch_operands = 4 : i64, tpu.core_type = #tpu.core_type<sc_vector_subcore>, window_params = [{transform_indices = #map}, {transform_indices = #map1}, {transform_indices = #map1}, {transform_indices = #map}]} {
    %mul3A = arith.constant 2 : i32
    %mul3A_0 = arith.muli %arg1, %mul3A : i32
    %add3A = arith.addi %mul3A_0, %arg0 : i32
    %mul3A_1 = arith.constant 64 : i32
    %mul3A_2 = arith.muli %add3A, %mul3A_1 : i32
    "tpu.region"() ({
      %run_scoped3A = tpu.sem_alloc : memref<!tpu.dma_semaphore, #tpu.memory_space<semaphore_mem>>
      %dma_start3A_13 = arith.constant 0 : i32
      %dma_start3A_14 = tpu.memref_slice %arg2[%mul3A_2, %dma_start3A_13] : memref<2048x768xf32, #tpu.memory_space<hbm>> -> memref<64x768xf32, #tpu.memory_space<hbm>>
      %dma_start3A_15 = arith.constant 0 : i32
      %dma_start3A_16 = tpu.memref_slice %arg2[%mul3A_2, %dma_start3A_15] : memref<2048x768xf32, #tpu.memory_space<hbm>> -> memref<64x768xf32, #tpu.memory_space<hbm>>
      tpu.enqueue_dma source(%dma_start3A_16 : memref<64x768xf32, #tpu.memory_space<hbm>>) target(%arg6 : memref<64x768xf32, #tpu.memory_space<vmem>>) target_semaphore(%run_scoped3A : memref<!tpu.dma_semaphore, #tpu.memory_space<semaphore_mem>>)
      %dma_wait3A_17 = arith.constant 0 : i32
      %dma_wait3A_18 = tpu.memref_slice %arg2[%mul3A_2, %dma_wait3A_17] : memref<2048x768xf32, #tpu.memory_space<hbm>> -> memref<64x768xf32, #tpu.memory_space<hbm>>
      %dma_wait3A_19 = arith.constant 0 : i32
      %dma_wait3A_20 = tpu.memref_slice %arg2[%mul3A_2, %dma_wait3A_19] : memref<2048x768xf32, #tpu.memory_space<hbm>> -> memref<64x768xf32, #tpu.memory_space<hbm>>
      tpu.wait_dma2 semaphore(%run_scoped3A : memref<!tpu.dma_semaphore, #tpu.memory_space<semaphore_mem>>) src(%dma_wait3A_20 : memref<64x768xf32, #tpu.memory_space<hbm>>) dst(%arg6 : memref<64x768xf32, #tpu.memory_space<vmem>>)
      tpu.yield
    }) : () -> ()
    "tpu.region"() ({
      %run_scoped3A = tpu.sem_alloc : memref<!tpu.dma_semaphore, #tpu.memory_space<semaphore_mem>>
      %dma_start3A_13 = tpu.memref_slice %arg3[%mul3A_2] : memref<2048xi32, #tpu.memory_space<hbm>> -> memref<64xi32, #tpu.memory_space<hbm>>
      %dma_start3A_14 = tpu.memref_slice %arg3[%mul3A_2] : memref<2048xi32, #tpu.memory_space<hbm>> -> memref<64xi32, #tpu.memory_space<hbm>>
      tpu.enqueue_dma source(%dma_start3A_14 : memref<64xi32, #tpu.memory_space<hbm>>) target(%arg7 : memref<64xi32, #tpu.memory_space<vmem>>) target_semaphore(%run_scoped3A : memref<!tpu.dma_semaphore, #tpu.memory_space<semaphore_mem>>)
      %dma_wait3A_15 = tpu.memref_slice %arg3[%mul3A_2] : memref<2048xi32, #tpu.memory_space<hbm>> -> memref<64xi32, #tpu.memory_space<hbm>>
      %dma_wait3A_16 = tpu.memref_slice %arg3[%mul3A_2] : memref<2048xi32, #tpu.memory_space<hbm>> -> memref<64xi32, #tpu.memory_space<hbm>>
      tpu.wait_dma2 semaphore(%run_scoped3A : memref<!tpu.dma_semaphore, #tpu.memory_space<semaphore_mem>>) src(%dma_wait3A_16 : memref<64xi32, #tpu.memory_space<hbm>>) dst(%arg7 : memref<64xi32, #tpu.memory_space<vmem>>)
      tpu.yield
    }) : () -> ()
    "tpu.region"() ({
      %run_scoped3A = tpu.sem_alloc : memref<!tpu.dma_semaphore, #tpu.memory_space<semaphore_mem>>
      %dma_start3A_13 = tpu.memref_slice %arg4[%mul3A_2] : memref<2048xi32, #tpu.memory_space<hbm>> -> memref<64xi32, #tpu.memory_space<hbm>>
      %dma_start3A_14 = tpu.memref_slice %arg4[%mul3A_2] : memref<2048xi32, #tpu.memory_space<hbm>> -> memref<64xi32, #tpu.memory_space<hbm>>
      tpu.enqueue_dma source(%dma_start3A_14 : memref<64xi32, #tpu.memory_space<hbm>>) target(%arg8 : memref<64xi32, #tpu.memory_space<vmem>>) target_semaphore(%run_scoped3A : memref<!tpu.dma_semaphore, #tpu.memory_space<semaphore_mem>>)
      %dma_wait3A_15 = tpu.memref_slice %arg4[%mul3A_2] : memref<2048xi32, #tpu.memory_space<hbm>> -> memref<64xi32, #tpu.memory_space<hbm>>
      %dma_wait3A_16 = tpu.memref_slice %arg4[%mul3A_2] : memref<2048xi32, #tpu.memory_space<hbm>> -> memref<64xi32, #tpu.memory_space<hbm>>
      tpu.wait_dma2 semaphore(%run_scoped3A : memref<!tpu.dma_semaphore, #tpu.memory_space<semaphore_mem>>) src(%dma_wait3A_16 : memref<64xi32, #tpu.memory_space<hbm>>) dst(%arg8 : memref<64xi32, #tpu.memory_space<vmem>>)
      tpu.yield
    }) : () -> ()
    %dma_start3A = arith.constant 0 : i32
    %dma_start3A_3 = arith.constant 0 : i32
    %dma_start3A_4 = tpu.memref_slice %arg5[%dma_start3A, %dma_start3A_3] : memref<6144x768xf32, #tpu.memory_space<hbm>> -> memref<6144x768xf32, #tpu.memory_space<hbm>>
    tpu.enqueue_indirect_dma source(%arg6 : memref<64x768xf32, #tpu.memory_space<vmem>>) target(%dma_start3A_4 : memref<6144x768xf32, #tpu.memory_space<hbm>>) offsets(%arg7 : memref<64xi32, #tpu.memory_space<vmem>>) semaphore(%arg9 : memref<!tpu.dma_semaphore, #tpu.memory_space<semaphore_mem>>)
    %dma_wait3A = arith.constant 0 : i32
    %dma_wait3A_5 = arith.constant 0 : i32
    %dma_wait3A_6 = tpu.memref_slice %arg5[%dma_wait3A, %dma_wait3A_5] : memref<6144x768xf32, #tpu.memory_space<hbm>> -> memref<6144x768xf32, #tpu.memory_space<hbm>>
    tpu.wait_indirect_dma semaphore(%arg9 : memref<!tpu.dma_semaphore, #tpu.memory_space<semaphore_mem>>) src(%arg6 : memref<64x768xf32, #tpu.memory_space<vmem>>) dst(%dma_wait3A_6 : memref<6144x768xf32, #tpu.memory_space<hbm>>)
    %dma_start3A_7 = arith.constant 0 : i32
    %dma_start3A_8 = arith.constant 0 : i32
    %dma_start3A_9 = tpu.memref_slice %arg5[%dma_start3A_7, %dma_start3A_8] : memref<6144x768xf32, #tpu.memory_space<hbm>> -> memref<6144x768xf32, #tpu.memory_space<hbm>>
    tpu.enqueue_indirect_dma source(%arg6 : memref<64x768xf32, #tpu.memory_space<vmem>>) target(%dma_start3A_9 : memref<6144x768xf32, #tpu.memory_space<hbm>>) offsets(%arg8 : memref<64xi32, #tpu.memory_space<vmem>>) semaphore(%arg9 : memref<!tpu.dma_semaphore, #tpu.memory_space<semaphore_mem>>)
    %dma_wait3A_10 = arith.constant 0 : i32
    %dma_wait3A_11 = arith.constant 0 : i32
    %dma_wait3A_12 = tpu.memref_slice %arg5[%dma_wait3A_10, %dma_wait3A_11] : memref<6144x768xf32, #tpu.memory_space<hbm>> -> memref<6144x768xf32, #tpu.memory_space<hbm>>
    tpu.wait_indirect_dma semaphore(%arg9 : memref<!tpu.dma_semaphore, #tpu.memory_space<semaphore_mem>>) src(%arg6 : memref<64x768xf32, #tpu.memory_space<vmem>>) dst(%dma_wait3A_12 : memref<6144x768xf32, #tpu.memory_space<hbm>>)
    return
  }
}

module attributes {stable_mosaic.version = 14 : i64} {
  func.func @_router_body(%arg0: memref<2048x768xf32, #tpu.memory_space<vmem>>, %arg1: memref<16x768xf32, #tpu.memory_space<vmem>>, %arg2: memref<1x16xf32, #tpu.memory_space<vmem>>, %arg3: memref<2048x8xf32, #tpu.memory_space<vmem>>, %arg4: memref<2048x8xf32, #tpu.memory_space<vmem>>, %arg5: memref<2048x1xf32, #tpu.memory_space<vmem>>, %arg6: memref<2048x1xf32, #tpu.memory_space<vmem>>, %arg7: memref<2048x1xi32, #tpu.memory_space<vmem>>, %arg8: memref<2048x1xi32, #tpu.memory_space<vmem>>, %arg9: memref<59x1xi32, #tpu.memory_space<vmem>>) attributes {dimension_semantics = [], scalar_prefetch = 0 : i64, scratch_operands = 0 : i64, tpu.core_type = #tpu.core_type<tc>} {
    %get3A = arith.constant 0 : index
    %get3A_0 = arith.constant 0 : index
    %get3A_1 = vector.load %arg0[%get3A, %get3A_0] : memref<2048x768xf32, #tpu.memory_space<vmem>>, vector<2048x768xf32>
    %get3A_2 = arith.constant 0 : index
    %get3A_3 = arith.constant 0 : index
    %get3A_4 = vector.load %arg1[%get3A_2, %get3A_3] : memref<16x768xf32, #tpu.memory_space<vmem>>, vector<16x768xf32>
    %dot_general3A = arith.constant dense<0.000000e+00> : vector<2048x16xf32>
    %dot_general3A_5 = tpu.matmul %get3A_1, %get3A_4, %dot_general3A {dimension_numbers = #tpu.dot_dimension_numbers<[1], [1], [0], [0], [0, 0, 1, 0], [], []>, transpose_lhs_hint = false} : vector<2048x768xf32>, vector<16x768xf32>, vector<2048x16xf32> -> vector<2048x16xf32>
    %get3A_6 = arith.constant 0 : index
    %get3A_7 = arith.constant 0 : index
    %get3A_8 = vector.load %arg2[%get3A_6, %get3A_7] : memref<1x16xf32, #tpu.memory_space<vmem>>, vector<1x16xf32>
    %add3A = vector.broadcast %get3A_8 : vector<1x16xf32> to vector<2048x16xf32>
    %add3A_9 = arith.addf %dot_general3A_5, %add3A : vector<2048x16xf32>
    %slice3A = vector.extract_strided_slice %add3A_9 {offsets = [0, 0], sizes = [2048, 8], strides = [1, 1]} : vector<2048x16xf32> to vector<2048x8xf32>
    %slice3A_10 = vector.extract_strided_slice %add3A_9 {offsets = [0, 8], sizes = [2048, 8], strides = [1, 1]} : vector<2048x16xf32> to vector<2048x8xf32>
    %max3A = arith.constant 0.000000e+00 : f32
    %max3A_11 = vector.broadcast %max3A : f32 to vector<2048x8xf32>
    %max3A_12 = arith.maximumf %slice3A_10, %max3A_11 : vector<2048x8xf32>
    %abs3A = math.absf %slice3A_10 : vector<2048x8xf32>
    %neg3A = arith.constant 0.000000e+00 : f32
    %neg3A_13 = vector.broadcast %neg3A : f32 to vector<2048x8xf32>
    %neg3A_14 = arith.subf %neg3A_13, %abs3A : vector<2048x8xf32>
    %exp3A = math.exp %neg3A_14 : vector<2048x8xf32>
    %log1p3A = math.log1p %exp3A : vector<2048x8xf32>
    %add3A_15 = arith.addf %max3A_12, %log1p3A : vector<2048x8xf32>
    %get3A_16 = arith.constant 0 : index
    %get3A_17 = arith.constant 0 : index
    %get3A_18 = vector.load %arg3[%get3A_16, %get3A_17] : memref<2048x8xf32, #tpu.memory_space<vmem>>, vector<2048x8xf32>
    %mul3A = arith.mulf %get3A_18, %add3A_15 : vector<2048x8xf32>
    %add3A_19 = arith.addf %slice3A, %mul3A : vector<2048x8xf32>
    %iota3A = tpu.iota {dimensions = array<i32: 1>} : vector<2048x8xi32>
    %reduce_max3A = arith.constant dense<0xFF800000> : vector<2048xf32>
    %reduce_max3A_20 = vector.multi_reduction <maximumf>, %add3A_19, %reduce_max3A [1] : vector<2048x8xf32> to vector<2048xf32>
    %broadcast_in_dim3A = vector.shape_cast %reduce_max3A_20 : vector<2048xf32> to vector<2048x1xf32>
    %eq3A = vector.broadcast %broadcast_in_dim3A : vector<2048x1xf32> to vector<2048x8xf32>
    %eq3A_21 = arith.cmpf oeq, %add3A_19, %eq3A : vector<2048x8xf32>
    %jit3A = arith.constant 8 : i32
    %broadcast_in_dim3A_22 = vector.broadcast %jit3A : i32 to vector<2048x8xi32>
    %select_n3A = arith.select %eq3A_21, %iota3A, %broadcast_in_dim3A_22 : vector<2048x8xi1>, vector<2048x8xi32>
    %reduce_min3A = arith.constant dense<2147483647> : vector<2048xi32>
    %reduce_min3A_23 = vector.multi_reduction <minsi>, %select_n3A, %reduce_min3A [1] : vector<2048x8xi32> to vector<2048xi32>
    %broadcast_in_dim3A_24 = vector.shape_cast %reduce_min3A_23 : vector<2048xi32> to vector<2048x1xi32>
    %eq3A_25 = vector.broadcast %broadcast_in_dim3A_24 : vector<2048x1xi32> to vector<2048x8xi32>
    %eq3A_26 = arith.cmpi eq, %iota3A, %eq3A_25 : vector<2048x8xi32>
    %jit3A_27 = arith.constant 0xFF800000 : f32
    %broadcast_in_dim3A_28 = vector.broadcast %jit3A_27 : f32 to vector<2048x8xf32>
    %select_n3A_29 = arith.select %eq3A_26, %broadcast_in_dim3A_28, %add3A_19 : vector<2048x8xi1>, vector<2048x8xf32>
    %reduce_max3A_30 = arith.constant dense<0xFF800000> : vector<2048xf32>
    %reduce_max3A_31 = vector.multi_reduction <maximumf>, %select_n3A_29, %reduce_max3A_30 [1] : vector<2048x8xf32> to vector<2048xf32>
    %broadcast_in_dim3A_32 = vector.shape_cast %reduce_max3A_31 : vector<2048xf32> to vector<2048x1xf32>
    %eq3A_33 = vector.broadcast %broadcast_in_dim3A_32 : vector<2048x1xf32> to vector<2048x8xf32>
    %eq3A_34 = arith.cmpf oeq, %select_n3A_29, %eq3A_33 : vector<2048x8xf32>
    %jit3A_35 = arith.constant 8 : i32
    %broadcast_in_dim3A_36 = vector.broadcast %jit3A_35 : i32 to vector<2048x8xi32>
    %select_n3A_37 = arith.select %eq3A_34, %iota3A, %broadcast_in_dim3A_36 : vector<2048x8xi1>, vector<2048x8xi32>
    %reduce_min3A_38 = arith.constant dense<2147483647> : vector<2048xi32>
    %reduce_min3A_39 = vector.multi_reduction <minsi>, %select_n3A_37, %reduce_min3A_38 [1] : vector<2048x8xi32> to vector<2048xi32>
    %broadcast_in_dim3A_40 = vector.shape_cast %reduce_min3A_39 : vector<2048xi32> to vector<2048x1xi32>
    %sub3A = arith.subf %broadcast_in_dim3A_32, %broadcast_in_dim3A : vector<2048x1xf32>
    %exp3A_41 = math.exp %sub3A : vector<2048x1xf32>
    %add3A_42 = arith.constant 1.000000e+00 : f32
    %add3A_43 = vector.broadcast %add3A_42 : f32 to vector<2048x1xf32>
    %add3A_44 = arith.addf %add3A_43, %exp3A_41 : vector<2048x1xf32>
    %div3A = arith.constant 1.000000e+00 : f32
    %div3A_45 = vector.broadcast %div3A : f32 to vector<2048x1xf32>
    %div3A_46 = arith.divf %div3A_45, %add3A_44 : vector<2048x1xf32>
    %add3A_47 = arith.constant 1.000000e+00 : f32
    %add3A_48 = vector.broadcast %add3A_47 : f32 to vector<2048x1xf32>
    %add3A_49 = arith.addf %add3A_48, %exp3A_41 : vector<2048x1xf32>
    %div3A_50 = arith.divf %exp3A_41, %add3A_49 : vector<2048x1xf32>
    %eq3A_51 = vector.broadcast %broadcast_in_dim3A_24 : vector<2048x1xi32> to vector<2048x8xi32>
    %eq3A_52 = arith.cmpi eq, %iota3A, %eq3A_51 : vector<2048x8xi32>
    %jit3A_53 = arith.constant 0.000000e+00 : f32
    %broadcast_in_dim3A_54 = vector.shape_cast %div3A_46 : vector<2048x1xf32> to vector<2048x1xf32>
    %broadcast_in_dim3A_55 = vector.broadcast %broadcast_in_dim3A_54 : vector<2048x1xf32> to vector<2048x8xf32>
    %broadcast_in_dim3A_56 = vector.broadcast %jit3A_53 : f32 to vector<2048x8xf32>
    %select_n3A_57 = arith.select %eq3A_52, %broadcast_in_dim3A_55, %broadcast_in_dim3A_56 : vector<2048x8xi1>, vector<2048x8xf32>
    %eq3A_58 = vector.broadcast %broadcast_in_dim3A_40 : vector<2048x1xi32> to vector<2048x8xi32>
    %eq3A_59 = arith.cmpi eq, %iota3A, %eq3A_58 : vector<2048x8xi32>
    %jit3A_60 = arith.constant 0.000000e+00 : f32
    %broadcast_in_dim3A_61 = vector.shape_cast %div3A_50 : vector<2048x1xf32> to vector<2048x1xf32>
    %broadcast_in_dim3A_62 = vector.broadcast %broadcast_in_dim3A_61 : vector<2048x1xf32> to vector<2048x8xf32>
    %broadcast_in_dim3A_63 = vector.broadcast %jit3A_60 : f32 to vector<2048x8xf32>
    %select_n3A_64 = arith.select %eq3A_59, %broadcast_in_dim3A_62, %broadcast_in_dim3A_63 : vector<2048x8xi1>, vector<2048x8xf32>
    %add3A_65 = arith.addf %select_n3A_57, %select_n3A_64 : vector<2048x8xf32>
    %swap3A = arith.constant 0 : index
    %swap3A_66 = arith.constant 0 : index
    %swap3A_67 = vector.load %arg4[%swap3A, %swap3A_66] : memref<2048x8xf32, #tpu.memory_space<vmem>>, vector<2048x8xf32>
    tpu.vector_store %arg4[%swap3A, %swap3A_66], %add3A_65 {strides = array<i32>} : memref<2048x8xf32, #tpu.memory_space<vmem>>, vector<2048x8xf32>,
    %swap3A_68 = arith.constant 0 : index
    %swap3A_69 = arith.constant 0 : index
    %swap3A_70 = vector.load %arg5[%swap3A_68, %swap3A_69] : memref<2048x1xf32, #tpu.memory_space<vmem>>, vector<2048x1xf32>
    tpu.vector_store %arg5[%swap3A_68, %swap3A_69], %div3A_46 {strides = array<i32>} : memref<2048x1xf32, #tpu.memory_space<vmem>>, vector<2048x1xf32>,
    %swap3A_71 = arith.constant 0 : index
    %swap3A_72 = arith.constant 0 : index
    %swap3A_73 = vector.load %arg6[%swap3A_71, %swap3A_72] : memref<2048x1xf32, #tpu.memory_space<vmem>>, vector<2048x1xf32>
    tpu.vector_store %arg6[%swap3A_71, %swap3A_72], %div3A_50 {strides = array<i32>} : memref<2048x1xf32, #tpu.memory_space<vmem>>, vector<2048x1xf32>,
    %eq3A_74 = vector.broadcast %broadcast_in_dim3A_24 : vector<2048x1xi32> to vector<2048x8xi32>
    %eq3A_75 = arith.cmpi eq, %iota3A, %eq3A_74 : vector<2048x8xi32>
    %convert_element_type3A = arith.extui %eq3A_75 : vector<2048x8xi1> to vector<2048x8xi32>
    %convert_element_type3A_76 = arith.sitofp %convert_element_type3A : vector<2048x8xi32> to vector<2048x8xf32>
    %eq3A_77 = vector.broadcast %broadcast_in_dim3A_40 : vector<2048x1xi32> to vector<2048x8xi32>
    %eq3A_78 = arith.cmpi eq, %iota3A, %eq3A_77 : vector<2048x8xi32>
    %convert_element_type3A_79 = arith.extui %eq3A_78 : vector<2048x8xi1> to vector<2048x8xi32>
    %convert_element_type3A_80 = arith.sitofp %convert_element_type3A_79 : vector<2048x8xi32> to vector<2048x8xf32>
    %concatenate3A = tpu.concatenate %convert_element_type3A_76, %convert_element_type3A_80 in 1 : vector<2048x8xf32>, vector<2048x8xf32> -> vector<2048x16xf32>
    %broadcast_in_dim3A_81 = arith.constant 0.000000e+00 : f32
    %broadcast_in_dim3A_82 = vector.broadcast %broadcast_in_dim3A_81 : f32 to vector<1x16xf32>
    %slice3A_83 = vector.extract_strided_slice %concatenate3A {offsets = [0, 0], sizes = [2047, 16], strides = [1, 1]} : vector<2048x16xf32> to vector<2047x16xf32>
    %concatenate3A_84 = tpu.concatenate %broadcast_in_dim3A_82, %slice3A_83 in 0 : vector<1x16xf32>, vector<2047x16xf32> -> vector<2048x16xf32>
    %add3A_85 = arith.addf %concatenate3A, %concatenate3A_84 : vector<2048x16xf32>
    %broadcast_in_dim3A_86 = arith.constant 0.000000e+00 : f32
    %broadcast_in_dim3A_87 = vector.broadcast %broadcast_in_dim3A_86 : f32 to vector<2x16xf32>
    %slice3A_88 = vector.extract_strided_slice %add3A_85 {offsets = [0, 0], sizes = [2046, 16], strides = [1, 1]} : vector<2048x16xf32> to vector<2046x16xf32>
    %concatenate3A_89 = tpu.concatenate %broadcast_in_dim3A_87, %slice3A_88 in 0 : vector<2x16xf32>, vector<2046x16xf32> -> vector<2048x16xf32>
    %add3A_90 = arith.addf %add3A_85, %concatenate3A_89 : vector<2048x16xf32>
    %broadcast_in_dim3A_91 = arith.constant 0.000000e+00 : f32
    %broadcast_in_dim3A_92 = vector.broadcast %broadcast_in_dim3A_91 : f32 to vector<4x16xf32>
    %slice3A_93 = vector.extract_strided_slice %add3A_90 {offsets = [0, 0], sizes = [2044, 16], strides = [1, 1]} : vector<2048x16xf32> to vector<2044x16xf32>
    %concatenate3A_94 = tpu.concatenate %broadcast_in_dim3A_92, %slice3A_93 in 0 : vector<4x16xf32>, vector<2044x16xf32> -> vector<2048x16xf32>
    %add3A_95 = arith.addf %add3A_90, %concatenate3A_94 : vector<2048x16xf32>
    %broadcast_in_dim3A_96 = arith.constant 0.000000e+00 : f32
    %broadcast_in_dim3A_97 = vector.broadcast %broadcast_in_dim3A_96 : f32 to vector<8x16xf32>
    %slice3A_98 = vector.extract_strided_slice %add3A_95 {offsets = [0, 0], sizes = [2040, 16], strides = [1, 1]} : vector<2048x16xf32> to vector<2040x16xf32>
    %concatenate3A_99 = tpu.concatenate %broadcast_in_dim3A_97, %slice3A_98 in 0 : vector<8x16xf32>, vector<2040x16xf32> -> vector<2048x16xf32>
    %add3A_100 = arith.addf %add3A_95, %concatenate3A_99 : vector<2048x16xf32>
    %broadcast_in_dim3A_101 = arith.constant 0.000000e+00 : f32
    %broadcast_in_dim3A_102 = vector.broadcast %broadcast_in_dim3A_101 : f32 to vector<16x16xf32>
    %slice3A_103 = vector.extract_strided_slice %add3A_100 {offsets = [0, 0], sizes = [2032, 16], strides = [1, 1]} : vector<2048x16xf32> to vector<2032x16xf32>
    %concatenate3A_104 = tpu.concatenate %broadcast_in_dim3A_102, %slice3A_103 in 0 : vector<16x16xf32>, vector<2032x16xf32> -> vector<2048x16xf32>
    %add3A_105 = arith.addf %add3A_100, %concatenate3A_104 : vector<2048x16xf32>
    %broadcast_in_dim3A_106 = arith.constant 0.000000e+00 : f32
    %broadcast_in_dim3A_107 = vector.broadcast %broadcast_in_dim3A_106 : f32 to vector<32x16xf32>
    %slice3A_108 = vector.extract_strided_slice %add3A_105 {offsets = [0, 0], sizes = [2016, 16], strides = [1, 1]} : vector<2048x16xf32> to vector<2016x16xf32>
    %concatenate3A_109 = tpu.concatenate %broadcast_in_dim3A_107, %slice3A_108 in 0 : vector<32x16xf32>, vector<2016x16xf32> -> vector<2048x16xf32>
    %add3A_110 = arith.addf %add3A_105, %concatenate3A_109 : vector<2048x16xf32>
    %broadcast_in_dim3A_111 = arith.constant 0.000000e+00 : f32
    %broadcast_in_dim3A_112 = vector.broadcast %broadcast_in_dim3A_111 : f32 to vector<64x16xf32>
    %slice3A_113 = vector.extract_strided_slice %add3A_110 {offsets = [0, 0], sizes = [1984, 16], strides = [1, 1]} : vector<2048x16xf32> to vector<1984x16xf32>
    %concatenate3A_114 = tpu.concatenate %broadcast_in_dim3A_112, %slice3A_113 in 0 : vector<64x16xf32>, vector<1984x16xf32> -> vector<2048x16xf32>
    %add3A_115 = arith.addf %add3A_110, %concatenate3A_114 : vector<2048x16xf32>
    %broadcast_in_dim3A_116 = arith.constant 0.000000e+00 : f32
    %broadcast_in_dim3A_117 = vector.broadcast %broadcast_in_dim3A_116 : f32 to vector<128x16xf32>
    %slice3A_118 = vector.extract_strided_slice %add3A_115 {offsets = [0, 0], sizes = [1920, 16], strides = [1, 1]} : vector<2048x16xf32> to vector<1920x16xf32>
    %concatenate3A_119 = tpu.concatenate %broadcast_in_dim3A_117, %slice3A_118 in 0 : vector<128x16xf32>, vector<1920x16xf32> -> vector<2048x16xf32>
    %add3A_120 = arith.addf %add3A_115, %concatenate3A_119 : vector<2048x16xf32>
    %broadcast_in_dim3A_121 = arith.constant 0.000000e+00 : f32
    %broadcast_in_dim3A_122 = vector.broadcast %broadcast_in_dim3A_121 : f32 to vector<256x16xf32>
    %slice3A_123 = vector.extract_strided_slice %add3A_120 {offsets = [0, 0], sizes = [1792, 16], strides = [1, 1]} : vector<2048x16xf32> to vector<1792x16xf32>
    %concatenate3A_124 = tpu.concatenate %broadcast_in_dim3A_122, %slice3A_123 in 0 : vector<256x16xf32>, vector<1792x16xf32> -> vector<2048x16xf32>
    %add3A_125 = arith.addf %add3A_120, %concatenate3A_124 : vector<2048x16xf32>
    %broadcast_in_dim3A_126 = arith.constant 0.000000e+00 : f32
    %broadcast_in_dim3A_127 = vector.broadcast %broadcast_in_dim3A_126 : f32 to vector<512x16xf32>
    %slice3A_128 = vector.extract_strided_slice %add3A_125 {offsets = [0, 0], sizes = [1536, 16], strides = [1, 1]} : vector<2048x16xf32> to vector<1536x16xf32>
    %concatenate3A_129 = tpu.concatenate %broadcast_in_dim3A_127, %slice3A_128 in 0 : vector<512x16xf32>, vector<1536x16xf32> -> vector<2048x16xf32>
    %add3A_130 = arith.addf %add3A_125, %concatenate3A_129 : vector<2048x16xf32>
    %broadcast_in_dim3A_131 = arith.constant 0.000000e+00 : f32
    %broadcast_in_dim3A_132 = vector.broadcast %broadcast_in_dim3A_131 : f32 to vector<1024x16xf32>
    %slice3A_133 = vector.extract_strided_slice %add3A_130 {offsets = [0, 0], sizes = [1024, 16], strides = [1, 1]} : vector<2048x16xf32> to vector<1024x16xf32>
    %concatenate3A_134 = tpu.concatenate %broadcast_in_dim3A_132, %slice3A_133 in 0 : vector<1024x16xf32>, vector<1024x16xf32> -> vector<2048x16xf32>
    %add3A_135 = arith.addf %add3A_130, %concatenate3A_134 : vector<2048x16xf32>
    %slice3A_136 = vector.extract_strided_slice %add3A_135 {offsets = [0, 0], sizes = [2048, 8], strides = [1, 1]} : vector<2048x16xf32> to vector<2048x8xf32>
    %slice3A_137 = vector.extract_strided_slice %add3A_135 {offsets = [0, 8], sizes = [2048, 8], strides = [1, 1]} : vector<2048x16xf32> to vector<2048x8xf32>
    %slice3A_138 = vector.extract_strided_slice %slice3A_136 {offsets = [2047, 0], sizes = [1, 8], strides = [1, 1]} : vector<2048x8xf32> to vector<1x8xf32>
    %slice3A_139 = vector.extract_strided_slice %slice3A_137 {offsets = [2047, 0], sizes = [1, 8], strides = [1, 1]} : vector<2048x8xf32> to vector<1x8xf32>
    %add3A_140 = arith.addf %slice3A_138, %slice3A_139 : vector<1x8xf32>
    %add3A_141 = arith.constant 2.550000e+02 : f32
    %add3A_142 = vector.broadcast %add3A_141 : f32 to vector<1x8xf32>
    %add3A_143 = arith.addf %add3A_140, %add3A_142 : vector<1x8xf32>
    %mul3A_144 = arith.constant 3.906250e-03 : f32
    %mul3A_145 = vector.broadcast %mul3A_144 : f32 to vector<1x8xf32>
    %mul3A_146 = arith.mulf %add3A_143, %mul3A_145 : vector<1x8xf32>
    %floor3A = math.floor %mul3A_146 : vector<1x8xf32>
    %convert_element_type3A_147 = arith.fptosi %floor3A : vector<1x8xf32> to vector<1x8xi32>
    %convert_element_type3A_148 = arith.sitofp %convert_element_type3A_147 : vector<1x8xi32> to vector<1x8xf32>
    %mul3A_149 = arith.constant 2.560000e+02 : f32
    %mul3A_150 = vector.broadcast %mul3A_149 : f32 to vector<1x8xf32>
    %mul3A_151 = arith.mulf %convert_element_type3A_148, %mul3A_150 : vector<1x8xf32>
    %broadcast_in_dim3A_152 = arith.constant 0.000000e+00 : f32
    %broadcast_in_dim3A_153 = vector.broadcast %broadcast_in_dim3A_152 : f32 to vector<1x1xf32>
    %slice3A_154 = vector.extract_strided_slice %mul3A_151 {offsets = [0, 0], sizes = [1, 7], strides = [1, 1]} : vector<1x8xf32> to vector<1x7xf32>
    %concatenate3A_155 = tpu.concatenate %broadcast_in_dim3A_153, %slice3A_154 in 1 : vector<1x1xf32>, vector<1x7xf32> -> vector<1x8xf32>
    %add3A_156 = arith.addf %mul3A_151, %concatenate3A_155 : vector<1x8xf32>
    %broadcast_in_dim3A_157 = arith.constant 0.000000e+00 : f32
    %broadcast_in_dim3A_158 = vector.broadcast %broadcast_in_dim3A_157 : f32 to vector<1x2xf32>
    %slice3A_159 = vector.extract_strided_slice %add3A_156 {offsets = [0, 0], sizes = [1, 6], strides = [1, 1]} : vector<1x8xf32> to vector<1x6xf32>
    %concatenate3A_160 = tpu.concatenate %broadcast_in_dim3A_158, %slice3A_159 in 1 : vector<1x2xf32>, vector<1x6xf32> -> vector<1x8xf32>
    %add3A_161 = arith.addf %add3A_156, %concatenate3A_160 : vector<1x8xf32>
    %broadcast_in_dim3A_162 = arith.constant 0.000000e+00 : f32
    %broadcast_in_dim3A_163 = vector.broadcast %broadcast_in_dim3A_162 : f32 to vector<1x4xf32>
    %slice3A_164 = vector.extract_strided_slice %add3A_161 {offsets = [0, 0], sizes = [1, 4], strides = [1, 1]} : vector<1x8xf32> to vector<1x4xf32>
    %concatenate3A_165 = tpu.concatenate %broadcast_in_dim3A_163, %slice3A_164 in 1 : vector<1x4xf32>, vector<1x4xf32> -> vector<1x8xf32>
    %add3A_166 = arith.addf %add3A_161, %concatenate3A_165 : vector<1x8xf32>
    %sub3A_167 = arith.subf %add3A_166, %mul3A_151 : vector<1x8xf32>
    %reduce_sum3A = arith.constant dense<0.000000e+00> : vector<1xf32>
    %reduce_sum3A_168 = vector.multi_reduction <add>, %mul3A_151, %reduce_sum3A [1] : vector<1x8xf32> to vector<1xf32>
    %broadcast_in_dim3A_169 = vector.shape_cast %reduce_sum3A_168 : vector<1xf32> to vector<1x1xf32>
    %sub3A_170 = arith.subf %slice3A_136, %convert_element_type3A_76 : vector<2048x8xf32>
    %mul3A_171 = arith.mulf %sub3A_170, %convert_element_type3A_76 : vector<2048x8xf32>
    %reduce_sum3A_172 = arith.constant dense<0.000000e+00> : vector<2048xf32>
    %reduce_sum3A_173 = vector.multi_reduction <add>, %mul3A_171, %reduce_sum3A_172 [1] : vector<2048x8xf32> to vector<2048xf32>
    %broadcast_in_dim3A_174 = vector.shape_cast %reduce_sum3A_173 : vector<2048xf32> to vector<2048x1xf32>
    %sub3A_175 = arith.subf %slice3A_137, %convert_element_type3A_80 : vector<2048x8xf32>
    %add3A_176 = vector.broadcast %slice3A_138 : vector<1x8xf32> to vector<2048x8xf32>
    %add3A_177 = arith.addf %sub3A_175, %add3A_176 : vector<2048x8xf32>
    %mul3A_178 = arith.mulf %add3A_177, %convert_element_type3A_80 : vector<2048x8xf32>
    %reduce_sum3A_179 = arith.constant dense<0.000000e+00> : vector<2048xf32>
    %reduce_sum3A_180 = vector.multi_reduction <add>, %mul3A_178, %reduce_sum3A_179 [1] : vector<2048x8xf32> to vector<2048xf32>
    %broadcast_in_dim3A_181 = vector.shape_cast %reduce_sum3A_180 : vector<2048xf32> to vector<2048x1xf32>
    %mul3A_182 = vector.broadcast %sub3A_167 : vector<1x8xf32> to vector<2048x8xf32>
    %mul3A_183 = arith.mulf %mul3A_182, %convert_element_type3A_76 : vector<2048x8xf32>
    %reduce_sum3A_184 = arith.constant dense<0.000000e+00> : vector<2048xf32>
    %reduce_sum3A_185 = vector.multi_reduction <add>, %mul3A_183, %reduce_sum3A_184 [1] : vector<2048x8xf32> to vector<2048xf32>
    %broadcast_in_dim3A_186 = vector.shape_cast %reduce_sum3A_185 : vector<2048xf32> to vector<2048x1xf32>
    %mul3A_187 = vector.broadcast %sub3A_167 : vector<1x8xf32> to vector<2048x8xf32>
    %mul3A_188 = arith.mulf %mul3A_187, %convert_element_type3A_80 : vector<2048x8xf32>
    %reduce_sum3A_189 = arith.constant dense<0.000000e+00> : vector<2048xf32>
    %reduce_sum3A_190 = vector.multi_reduction <add>, %mul3A_188, %reduce_sum3A_189 [1] : vector<2048x8xf32> to vector<2048xf32>
    %broadcast_in_dim3A_191 = vector.shape_cast %reduce_sum3A_190 : vector<2048xf32> to vector<2048x1xf32>
    %add3A_192 = arith.addf %broadcast_in_dim3A_186, %broadcast_in_dim3A_174 : vector<2048x1xf32>
    %convert_element_type3A_193 = arith.fptosi %add3A_192 : vector<2048x1xf32> to vector<2048x1xi32>
    %swap3A_194 = arith.constant 0 : index
    %swap3A_195 = arith.constant 0 : index
    %swap3A_196 = vector.load %arg7[%swap3A_194, %swap3A_195] : memref<2048x1xi32, #tpu.memory_space<vmem>>, vector<2048x1xi32>
    tpu.vector_store %arg7[%swap3A_194, %swap3A_195], %convert_element_type3A_193 {strides = array<i32>} : memref<2048x1xi32, #tpu.memory_space<vmem>>, vector<2048x1xi32>,
    %add3A_197 = arith.addf %broadcast_in_dim3A_191, %broadcast_in_dim3A_181 : vector<2048x1xf32>
    %convert_element_type3A_198 = arith.fptosi %add3A_197 : vector<2048x1xf32> to vector<2048x1xi32>
    %swap3A_199 = arith.constant 0 : index
    %swap3A_200 = arith.constant 0 : index
    %swap3A_201 = vector.load %arg8[%swap3A_199, %swap3A_200] : memref<2048x1xi32, #tpu.memory_space<vmem>>, vector<2048x1xi32>
    tpu.vector_store %arg8[%swap3A_199, %swap3A_200], %convert_element_type3A_198 {strides = array<i32>} : memref<2048x1xi32, #tpu.memory_space<vmem>>, vector<2048x1xi32>,
    %add3A_202 = arith.addf %sub3A_167, %mul3A_151 : vector<1x8xf32>
    %iota3A_203 = tpu.iota {dimensions = array<i32: 0>} : vector<24x8xi32>
    %convert_element_type3A_204 = arith.sitofp %iota3A_203 : vector<24x8xi32> to vector<24x8xf32>
    %mul3A_205 = arith.constant 2.560000e+02 : f32
    %mul3A_206 = vector.broadcast %mul3A_205 : f32 to vector<24x8xf32>
    %mul3A_207 = arith.mulf %convert_element_type3A_204, %mul3A_206 : vector<24x8xf32>
    %sub3A_208 = arith.constant 2.560000e+02 : f32
    %sub3A_209 = vector.broadcast %sub3A_208 : f32 to vector<1x1xf32>
    %sub3A_210 = arith.subf %broadcast_in_dim3A_169, %sub3A_209 : vector<1x1xf32>
    %min3A = vector.broadcast %sub3A_210 : vector<1x1xf32> to vector<24x8xf32>
    %min3A_211 = arith.minimumf %mul3A_207, %min3A : vector<24x8xf32>
    %le3A = vector.broadcast %add3A_202 : vector<1x8xf32> to vector<24x8xf32>
    %le3A_212 = arith.cmpf ole, %le3A, %min3A_211 : vector<24x8xf32>
    %convert_element_type3A_213 = arith.extui %le3A_212 : vector<24x8xi1> to vector<24x8xi32>
    %convert_element_type3A_214 = arith.sitofp %convert_element_type3A_213 : vector<24x8xi32> to vector<24x8xf32>
    %reduce_sum3A_215 = arith.constant dense<0.000000e+00> : vector<24xf32>
    %reduce_sum3A_216 = vector.multi_reduction <add>, %convert_element_type3A_214, %reduce_sum3A_215 [1] : vector<24x8xf32> to vector<24xf32>
    %broadcast_in_dim3A_217 = vector.shape_cast %reduce_sum3A_216 : vector<24xf32> to vector<24x1xf32>
    %min3A_218 = arith.constant 7.000000e+00 : f32
    %min3A_219 = vector.broadcast %min3A_218 : f32 to vector<24x1xf32>
    %min3A_220 = arith.minimumf %broadcast_in_dim3A_217, %min3A_219 : vector<24x1xf32>
    %convert_element_type3A_221 = arith.fptosi %min3A_220 : vector<24x1xf32> to vector<24x1xi32>
    %broadcast_in_dim3A_222 = arith.constant -1 : i32
    %broadcast_in_dim3A_223 = vector.broadcast %broadcast_in_dim3A_222 : i32 to vector<1x1xi32>
    %slice3A_224 = vector.extract_strided_slice %convert_element_type3A_221 {offsets = [0, 0], sizes = [23, 1], strides = [1, 1]} : vector<24x1xi32> to vector<23x1xi32>
    %concatenate3A_225 = tpu.concatenate %broadcast_in_dim3A_223, %slice3A_224 in 0 : vector<1x1xi32>, vector<23x1xi32> -> vector<24x1xi32>
    %ne3A = arith.cmpi ne, %convert_element_type3A_221, %concatenate3A_225 : vector<24x1xi32>
    %convert_element_type3A_226 = arith.extui %ne3A : vector<24x1xi1> to vector<24x1xi32>
    %convert_element_type3A_227 = arith.sitofp %convert_element_type3A_226 : vector<24x1xi32> to vector<24x1xf32>
    %broadcast_in_dim3A_228 = arith.constant 0.000000e+00 : f32
    %broadcast_in_dim3A_229 = vector.broadcast %broadcast_in_dim3A_228 : f32 to vector<1x1xf32>
    %slice3A_230 = vector.extract_strided_slice %convert_element_type3A_227 {offsets = [0, 0], sizes = [23, 1], strides = [1, 1]} : vector<24x1xf32> to vector<23x1xf32>
    %concatenate3A_231 = tpu.concatenate %broadcast_in_dim3A_229, %slice3A_230 in 0 : vector<1x1xf32>, vector<23x1xf32> -> vector<24x1xf32>
    %add3A_232 = arith.addf %convert_element_type3A_227, %concatenate3A_231 : vector<24x1xf32>
    %broadcast_in_dim3A_233 = arith.constant 0.000000e+00 : f32
    %broadcast_in_dim3A_234 = vector.broadcast %broadcast_in_dim3A_233 : f32 to vector<2x1xf32>
    %slice3A_235 = vector.extract_strided_slice %add3A_232 {offsets = [0, 0], sizes = [22, 1], strides = [1, 1]} : vector<24x1xf32> to vector<22x1xf32>
    %concatenate3A_236 = tpu.concatenate %broadcast_in_dim3A_234, %slice3A_235 in 0 : vector<2x1xf32>, vector<22x1xf32> -> vector<24x1xf32>
    %add3A_237 = arith.addf %add3A_232, %concatenate3A_236 : vector<24x1xf32>
    %broadcast_in_dim3A_238 = arith.constant 0.000000e+00 : f32
    %broadcast_in_dim3A_239 = vector.broadcast %broadcast_in_dim3A_238 : f32 to vector<4x1xf32>
    %slice3A_240 = vector.extract_strided_slice %add3A_237 {offsets = [0, 0], sizes = [20, 1], strides = [1, 1]} : vector<24x1xf32> to vector<20x1xf32>
    %concatenate3A_241 = tpu.concatenate %broadcast_in_dim3A_239, %slice3A_240 in 0 : vector<4x1xf32>, vector<20x1xf32> -> vector<24x1xf32>
    %add3A_242 = arith.addf %add3A_237, %concatenate3A_241 : vector<24x1xf32>
    %broadcast_in_dim3A_243 = arith.constant 0.000000e+00 : f32
    %broadcast_in_dim3A_244 = vector.broadcast %broadcast_in_dim3A_243 : f32 to vector<8x1xf32>
    %slice3A_245 = vector.extract_strided_slice %add3A_242 {offsets = [0, 0], sizes = [16, 1], strides = [1, 1]} : vector<24x1xf32> to vector<16x1xf32>
    %concatenate3A_246 = tpu.concatenate %broadcast_in_dim3A_244, %slice3A_245 in 0 : vector<8x1xf32>, vector<16x1xf32> -> vector<24x1xf32>
    %add3A_247 = arith.addf %add3A_242, %concatenate3A_246 : vector<24x1xf32>
    %broadcast_in_dim3A_248 = arith.constant 0.000000e+00 : f32
    %broadcast_in_dim3A_249 = vector.broadcast %broadcast_in_dim3A_248 : f32 to vector<16x1xf32>
    %slice3A_250 = vector.extract_strided_slice %add3A_247 {offsets = [0, 0], sizes = [8, 1], strides = [1, 1]} : vector<24x1xf32> to vector<8x1xf32>
    %concatenate3A_251 = tpu.concatenate %broadcast_in_dim3A_249, %slice3A_250 in 0 : vector<16x1xf32>, vector<8x1xf32> -> vector<24x1xf32>
    %add3A_252 = arith.addf %add3A_247, %concatenate3A_251 : vector<24x1xf32>
    %convert_element_type3A_253 = arith.fptosi %add3A_252 : vector<24x1xf32> to vector<24x1xi32>
    %sub3A_254 = arith.constant 1 : i32
    %sub3A_255 = vector.broadcast %sub3A_254 : i32 to vector<24x1xi32>
    %sub3A_256 = arith.subi %convert_element_type3A_253, %sub3A_255 : vector<24x1xi32>
    %gt3A = arith.constant 0.000000e+00 : f32
    %gt3A_257 = vector.broadcast %gt3A : f32 to vector<1x8xf32>
    %gt3A_258 = arith.cmpf ogt, %add3A_140, %gt3A_257 : vector<1x8xf32>
    %convert_element_type3A_259 = arith.extui %gt3A_258 : vector<1x8xi1> to vector<1x8xi32>
    %convert_element_type3A_260 = arith.sitofp %convert_element_type3A_259 : vector<1x8xi32> to vector<1x8xf32>
    %broadcast_in_dim3A_261 = arith.constant 0.000000e+00 : f32
    %broadcast_in_dim3A_262 = vector.broadcast %broadcast_in_dim3A_261 : f32 to vector<1x1xf32>
    %slice3A_263 = vector.extract_strided_slice %convert_element_type3A_260 {offsets = [0, 0], sizes = [1, 7], strides = [1, 1]} : vector<1x8xf32> to vector<1x7xf32>
    %concatenate3A_264 = tpu.concatenate %broadcast_in_dim3A_262, %slice3A_263 in 1 : vector<1x1xf32>, vector<1x7xf32> -> vector<1x8xf32>
    %add3A_265 = arith.addf %convert_element_type3A_260, %concatenate3A_264 : vector<1x8xf32>
    %broadcast_in_dim3A_266 = arith.constant 0.000000e+00 : f32
    %broadcast_in_dim3A_267 = vector.broadcast %broadcast_in_dim3A_266 : f32 to vector<1x2xf32>
    %slice3A_268 = vector.extract_strided_slice %add3A_265 {offsets = [0, 0], sizes = [1, 6], strides = [1, 1]} : vector<1x8xf32> to vector<1x6xf32>
    %concatenate3A_269 = tpu.concatenate %broadcast_in_dim3A_267, %slice3A_268 in 1 : vector<1x2xf32>, vector<1x6xf32> -> vector<1x8xf32>
    %add3A_270 = arith.addf %add3A_265, %concatenate3A_269 : vector<1x8xf32>
    %broadcast_in_dim3A_271 = arith.constant 0.000000e+00 : f32
    %broadcast_in_dim3A_272 = vector.broadcast %broadcast_in_dim3A_271 : f32 to vector<1x4xf32>
    %slice3A_273 = vector.extract_strided_slice %add3A_270 {offsets = [0, 0], sizes = [1, 4], strides = [1, 1]} : vector<1x8xf32> to vector<1x4xf32>
    %concatenate3A_274 = tpu.concatenate %broadcast_in_dim3A_272, %slice3A_273 in 1 : vector<1x4xf32>, vector<1x4xf32> -> vector<1x8xf32>
    %add3A_275 = arith.addf %add3A_270, %concatenate3A_274 : vector<1x8xf32>
    %reduce_sum3A_276 = arith.constant dense<0.000000e+00> : vector<1xf32>
    %reduce_sum3A_277 = vector.multi_reduction <add>, %convert_element_type3A_260, %reduce_sum3A_276 [1] : vector<1x8xf32> to vector<1xf32>
    %broadcast_in_dim3A_278 = vector.shape_cast %reduce_sum3A_277 : vector<1xf32> to vector<1x1xf32>
    %iota3A_279 = tpu.iota {dimensions = array<i32: 0>} : vector<9x8xi32>
    %convert_element_type3A_280 = arith.sitofp %iota3A_279 : vector<9x8xi32> to vector<9x8xf32>
    %iota3A_281 = tpu.iota {dimensions = array<i32: 1>} : vector<9x8xi32>
    %convert_element_type3A_282 = arith.sitofp %iota3A_281 : vector<9x8xi32> to vector<9x8xf32>
    %sub3A_283 = arith.constant 1.000000e+00 : f32
    %sub3A_284 = vector.broadcast %sub3A_283 : f32 to vector<1x8xf32>
    %sub3A_285 = arith.subf %add3A_275, %sub3A_284 : vector<1x8xf32>
    %eq3A_286 = vector.broadcast %sub3A_285 : vector<1x8xf32> to vector<9x8xf32>
    %eq3A_287 = arith.cmpf oeq, %eq3A_286, %convert_element_type3A_280 : vector<9x8xf32>
    %gt3A_288 = arith.constant 0.000000e+00 : f32
    %gt3A_289 = vector.broadcast %gt3A_288 : f32 to vector<1x8xf32>
    %gt3A_290 = arith.cmpf ogt, %convert_element_type3A_260, %gt3A_289 : vector<1x8xf32>
    %and3A = vector.broadcast %gt3A_290 : vector<1x8xi1> to vector<9x8xi1>
    %and3A_291 = arith.andi %eq3A_287, %and3A : vector<9x8xi1>
    %jit3A_292 = arith.constant 1.000000e+00 : f32
    %jit3A_293 = arith.constant 0.000000e+00 : f32
    %broadcast_in_dim3A_294 = vector.broadcast %jit3A_292 : f32 to vector<9x8xf32>
    %broadcast_in_dim3A_295 = vector.broadcast %jit3A_293 : f32 to vector<9x8xf32>
    %select_n3A_296 = arith.select %and3A_291, %broadcast_in_dim3A_294, %broadcast_in_dim3A_295 : vector<9x8xi1>, vector<9x8xf32>
    %mul3A_297 = arith.mulf %select_n3A_296, %convert_element_type3A_282 : vector<9x8xf32>
    %reduce_sum3A_298 = arith.constant dense<0.000000e+00> : vector<9xf32>
    %reduce_sum3A_299 = vector.multi_reduction <add>, %mul3A_297, %reduce_sum3A_298 [1] : vector<9x8xf32> to vector<9xf32>
    %broadcast_in_dim3A_300 = vector.shape_cast %reduce_sum3A_299 : vector<9xf32> to vector<9x1xf32>
    %swap3A_301 = arith.constant 0 : index
    %swap3A_302 = arith.constant 0 : index
    %swap3A_303 = vector.load %arg9[%swap3A_301, %swap3A_302] : memref<59x1xi32, #tpu.memory_space<vmem>>, vector<24x1xi32>
    tpu.vector_store %arg9[%swap3A_301, %swap3A_302], %convert_element_type3A_221 {strides = array<i32>} : memref<59x1xi32, #tpu.memory_space<vmem>>, vector<24x1xi32>,
    %swap3A_304 = arith.constant 24 : index
    %swap3A_305 = arith.constant 0 : index
    %swap3A_306 = vector.load %arg9[%swap3A_304, %swap3A_305] : memref<59x1xi32, #tpu.memory_space<vmem>>, vector<24x1xi32>
    tpu.vector_store %arg9[%swap3A_304, %swap3A_305], %sub3A_256 {strides = array<i32>} : memref<59x1xi32, #tpu.memory_space<vmem>>, vector<24x1xi32>,
    %mul3A_307 = arith.constant 3.906250e-03 : f32
    %mul3A_308 = vector.broadcast %mul3A_307 : f32 to vector<1x1xf32>
    %mul3A_309 = arith.mulf %broadcast_in_dim3A_169, %mul3A_308 : vector<1x1xf32>
    %convert_element_type3A_310 = arith.fptosi %mul3A_309 : vector<1x1xf32> to vector<1x1xi32>
    %swap3A_311 = arith.constant 48 : index
    %swap3A_312 = arith.constant 0 : index
    %swap3A_313 = vector.load %arg9[%swap3A_311, %swap3A_312] : memref<59x1xi32, #tpu.memory_space<vmem>>, vector<1x1xi32>
    tpu.vector_store %arg9[%swap3A_311, %swap3A_312], %convert_element_type3A_310 {strides = array<i32>} : memref<59x1xi32, #tpu.memory_space<vmem>>, vector<1x1xi32>,
    %convert_element_type3A_314 = arith.fptosi %broadcast_in_dim3A_300 : vector<9x1xf32> to vector<9x1xi32>
    %swap3A_315 = arith.constant 49 : index
    %swap3A_316 = arith.constant 0 : index
    %swap3A_317 = vector.load %arg9[%swap3A_315, %swap3A_316] : memref<59x1xi32, #tpu.memory_space<vmem>>, vector<9x1xi32>
    tpu.vector_store %arg9[%swap3A_315, %swap3A_316], %convert_element_type3A_314 {strides = array<i32>} : memref<59x1xi32, #tpu.memory_space<vmem>>, vector<9x1xi32>,
    %convert_element_type3A_318 = arith.fptosi %broadcast_in_dim3A_278 : vector<1x1xf32> to vector<1x1xi32>
    %swap3A_319 = arith.constant 58 : index
    %swap3A_320 = arith.constant 0 : index
    %swap3A_321 = vector.load %arg9[%swap3A_319, %swap3A_320] : memref<59x1xi32, #tpu.memory_space<vmem>>, vector<1x1xi32>
    tpu.vector_store %arg9[%swap3A_319, %swap3A_320], %convert_element_type3A_318 {strides = array<i32>} : memref<59x1xi32, #tpu.memory_space<vmem>>, vector<1x1xi32>,
    return
  }
}

module attributes {stable_mosaic.version = 14 : i64} {
  func.func @_gemm_body(%arg0: i32, %arg1: memref<59xi32, #tpu.memory_space<smem>>, %arg2: memref<256x768xf32, #tpu.memory_space<vmem>>, %arg3: memref<1x1x3072xf32, #tpu.memory_space<vmem>>, %arg4: memref<1x1x768xf32, #tpu.memory_space<vmem>>, %arg5: memref<8x3072x768xf32, #tpu.memory_space<hbm>>, %arg6: memref<8x768x3072xf32, #tpu.memory_space<hbm>>, %arg7: memref<256x768xf32, #tpu.memory_space<vmem>>, %arg8: memref<2x3072x768xf32, #tpu.memory_space<vmem>>, %arg9: memref<2x768x3072xf32, #tpu.memory_space<vmem>>, %arg10: memref<2x!tpu.dma_semaphore, #tpu.memory_space<semaphore_mem>>, %arg11: memref<2x!tpu.dma_semaphore, #tpu.memory_space<semaphore_mem>>) attributes {dimension_semantics = [#tpu.dimension_semantics<arbitrary>], iteration_bounds = array<i64: 24>, scalar_prefetch = 1 : i64, scratch_operands = 4 : i64, tpu.core_type = #tpu.core_type<tc>, window_params = [{transform_indices = @transform_0, window_bounds = array<i64: 256, 768>}, {transform_indices = @transform_1, window_bounds = array<i64: 1, 1, 3072>}, {transform_indices = @transform_2, window_bounds = array<i64: 1, 1, 768>}, {}, {}, {transform_indices = @transform_5, window_bounds = array<i64: 256, 768>}]} {
    %get3A = arith.constant 48 : index
    %get3A_0 = memref.load %arg1[%get3A] : memref<59xi32, #tpu.memory_space<smem>>
    %add3A = arith.constant 24 : i32
    %add3A_1 = arith.addi %add3A, %arg0 : i32
    %get3A_2 = arith.index_cast %add3A_1 : i32 to index
    %get3A_3 = memref.load %arg1[%get3A_2] : memref<59xi32, #tpu.memory_space<smem>>
    %get3A_4 = arith.constant 58 : index
    %get3A_5 = memref.load %arg1[%get3A_4] : memref<59xi32, #tpu.memory_space<smem>>
    %eq3A = arith.constant 0 : i32
    %eq3A_6 = arith.cmpi eq, %arg0, %eq3A : i32
    %convert_element_type3A = arith.extui %eq3A_6 : i1 to i32
    %cond3A = arith.constant 0 : i32
    %cond3A_7 = arith.cmpi ne, %convert_element_type3A, %cond3A : i32
    scf.if %cond3A_7 {
      %get3A_24 = arith.constant 49 : index
      %get3A_25 = memref.load %arg1[%get3A_24] : memref<59xi32, #tpu.memory_space<smem>>
      %dma_start3A = arith.constant 0 : i32
      %dma_start3A_26 = arith.constant 0 : i32
      %dma_start3A_27 = tpu.memref_slice %arg10[%dma_start3A_26] : memref<2x!tpu.dma_semaphore, #tpu.memory_space<semaphore_mem>> -> memref<1x!tpu.dma_semaphore, #tpu.memory_space<semaphore_mem>>
      %dma_start3A_28 = tpu.memref_squeeze %dma_start3A_27 : memref<1x!tpu.dma_semaphore, #tpu.memory_space<semaphore_mem>> -> memref<!tpu.dma_semaphore, #tpu.memory_space<semaphore_mem>>
      %dma_start3A_29 = arith.constant 0 : i32
      %dma_start3A_30 = arith.constant 0 : i32
      %dma_start3A_31 = tpu.memref_slice %arg8[%dma_start3A, %dma_start3A_29, %dma_start3A_30] : memref<2x3072x768xf32, #tpu.memory_space<vmem>> -> memref<1x3072x768xf32, #tpu.memory_space<vmem>>
      %dma_start3A_32 = tpu.memref_squeeze %dma_start3A_31 : memref<1x3072x768xf32, #tpu.memory_space<vmem>> -> memref<3072x768xf32, #tpu.memory_space<vmem>>
      %dma_start3A_33 = arith.constant 0 : i32
      %dma_start3A_34 = arith.constant 0 : i32
      %dma_start3A_35 = tpu.memref_slice %arg5[%get3A_25, %dma_start3A_33, %dma_start3A_34] : memref<8x3072x768xf32, #tpu.memory_space<hbm>> -> memref<1x3072x768xf32, #tpu.memory_space<hbm>>
      %dma_start3A_36 = tpu.memref_squeeze %dma_start3A_35 : memref<1x3072x768xf32, #tpu.memory_space<hbm>> -> memref<3072x768xf32, #tpu.memory_space<hbm>>
      tpu.enqueue_dma source(%dma_start3A_36 : memref<3072x768xf32, #tpu.memory_space<hbm>>) target(%dma_start3A_32 : memref<3072x768xf32, #tpu.memory_space<vmem>>) target_semaphore(%dma_start3A_28 : memref<!tpu.dma_semaphore, #tpu.memory_space<semaphore_mem>>)
      %dma_start3A_37 = arith.constant 0 : i32
      %dma_start3A_38 = arith.constant 0 : i32
      %dma_start3A_39 = tpu.memref_slice %arg11[%dma_start3A_38] : memref<2x!tpu.dma_semaphore, #tpu.memory_space<semaphore_mem>> -> memref<1x!tpu.dma_semaphore, #tpu.memory_space<semaphore_mem>>
      %dma_start3A_40 = tpu.memref_squeeze %dma_start3A_39 : memref<1x!tpu.dma_semaphore, #tpu.memory_space<semaphore_mem>> -> memref<!tpu.dma_semaphore, #tpu.memory_space<semaphore_mem>>
      %dma_start3A_41 = arith.constant 0 : i32
      %dma_start3A_42 = arith.constant 0 : i32
      %dma_start3A_43 = tpu.memref_slice %arg9[%dma_start3A_37, %dma_start3A_41, %dma_start3A_42] : memref<2x768x3072xf32, #tpu.memory_space<vmem>> -> memref<1x768x3072xf32, #tpu.memory_space<vmem>>
      %dma_start3A_44 = tpu.memref_squeeze %dma_start3A_43 : memref<1x768x3072xf32, #tpu.memory_space<vmem>> -> memref<768x3072xf32, #tpu.memory_space<vmem>>
      %dma_start3A_45 = arith.constant 0 : i32
      %dma_start3A_46 = arith.constant 0 : i32
      %dma_start3A_47 = tpu.memref_slice %arg6[%get3A_25, %dma_start3A_45, %dma_start3A_46] : memref<8x768x3072xf32, #tpu.memory_space<hbm>> -> memref<1x768x3072xf32, #tpu.memory_space<hbm>>
      %dma_start3A_48 = tpu.memref_squeeze %dma_start3A_47 : memref<1x768x3072xf32, #tpu.memory_space<hbm>> -> memref<768x3072xf32, #tpu.memory_space<hbm>>
      tpu.enqueue_dma source(%dma_start3A_48 : memref<768x3072xf32, #tpu.memory_space<hbm>>) target(%dma_start3A_44 : memref<768x3072xf32, #tpu.memory_space<vmem>>) target_semaphore(%dma_start3A_40 : memref<!tpu.dma_semaphore, #tpu.memory_space<semaphore_mem>>)
      %gt3A = arith.constant 1 : i32
      %gt3A_49 = arith.cmpi sgt, %get3A_5, %gt3A : i32
      %convert_element_type3A_50 = arith.extui %gt3A_49 : i1 to i32
      %cond3A_51 = arith.constant 0 : i32
      %cond3A_52 = arith.cmpi ne, %convert_element_type3A_50, %cond3A_51 : i32
      scf.if %cond3A_52 {
        %get3A_53 = arith.constant 50 : index
        %get3A_54 = memref.load %arg1[%get3A_53] : memref<59xi32, #tpu.memory_space<smem>>
        %dma_start3A_55 = arith.constant 1 : i32
        %dma_start3A_56 = arith.constant 1 : i32
        %dma_start3A_57 = tpu.memref_slice %arg10[%dma_start3A_56] : memref<2x!tpu.dma_semaphore, #tpu.memory_space<semaphore_mem>> -> memref<1x!tpu.dma_semaphore, #tpu.memory_space<semaphore_mem>>
        %dma_start3A_58 = tpu.memref_squeeze %dma_start3A_57 : memref<1x!tpu.dma_semaphore, #tpu.memory_space<semaphore_mem>> -> memref<!tpu.dma_semaphore, #tpu.memory_space<semaphore_mem>>
        %dma_start3A_59 = arith.constant 0 : i32
        %dma_start3A_60 = arith.constant 0 : i32
        %dma_start3A_61 = tpu.memref_slice %arg8[%dma_start3A_55, %dma_start3A_59, %dma_start3A_60] : memref<2x3072x768xf32, #tpu.memory_space<vmem>> -> memref<1x3072x768xf32, #tpu.memory_space<vmem>>
        %dma_start3A_62 = tpu.memref_squeeze %dma_start3A_61 : memref<1x3072x768xf32, #tpu.memory_space<vmem>> -> memref<3072x768xf32, #tpu.memory_space<vmem>>
        %dma_start3A_63 = arith.constant 0 : i32
        %dma_start3A_64 = arith.constant 0 : i32
        %dma_start3A_65 = tpu.memref_slice %arg5[%get3A_54, %dma_start3A_63, %dma_start3A_64] : memref<8x3072x768xf32, #tpu.memory_space<hbm>> -> memref<1x3072x768xf32, #tpu.memory_space<hbm>>
        %dma_start3A_66 = tpu.memref_squeeze %dma_start3A_65 : memref<1x3072x768xf32, #tpu.memory_space<hbm>> -> memref<3072x768xf32, #tpu.memory_space<hbm>>
        tpu.enqueue_dma source(%dma_start3A_66 : memref<3072x768xf32, #tpu.memory_space<hbm>>) target(%dma_start3A_62 : memref<3072x768xf32, #tpu.memory_space<vmem>>) target_semaphore(%dma_start3A_58 : memref<!tpu.dma_semaphore, #tpu.memory_space<semaphore_mem>>)
        %dma_start3A_67 = arith.constant 1 : i32
        %dma_start3A_68 = arith.constant 1 : i32
        %dma_start3A_69 = tpu.memref_slice %arg11[%dma_start3A_68] : memref<2x!tpu.dma_semaphore, #tpu.memory_space<semaphore_mem>> -> memref<1x!tpu.dma_semaphore, #tpu.memory_space<semaphore_mem>>
        %dma_start3A_70 = tpu.memref_squeeze %dma_start3A_69 : memref<1x!tpu.dma_semaphore, #tpu.memory_space<semaphore_mem>> -> memref<!tpu.dma_semaphore, #tpu.memory_space<semaphore_mem>>
        %dma_start3A_71 = arith.constant 0 : i32
        %dma_start3A_72 = arith.constant 0 : i32
        %dma_start3A_73 = tpu.memref_slice %arg9[%dma_start3A_67, %dma_start3A_71, %dma_start3A_72] : memref<2x768x3072xf32, #tpu.memory_space<vmem>> -> memref<1x768x3072xf32, #tpu.memory_space<vmem>>
        %dma_start3A_74 = tpu.memref_squeeze %dma_start3A_73 : memref<1x768x3072xf32, #tpu.memory_space<vmem>> -> memref<768x3072xf32, #tpu.memory_space<vmem>>
        %dma_start3A_75 = arith.constant 0 : i32
        %dma_start3A_76 = arith.constant 0 : i32
        %dma_start3A_77 = tpu.memref_slice %arg6[%get3A_54, %dma_start3A_75, %dma_start3A_76] : memref<8x768x3072xf32, #tpu.memory_space<hbm>> -> memref<1x768x3072xf32, #tpu.memory_space<hbm>>
        %dma_start3A_78 = tpu.memref_squeeze %dma_start3A_77 : memref<1x768x3072xf32, #tpu.memory_space<hbm>> -> memref<768x3072xf32, #tpu.memory_space<hbm>>
        tpu.enqueue_dma source(%dma_start3A_78 : memref<768x3072xf32, #tpu.memory_space<hbm>>) target(%dma_start3A_74 : memref<768x3072xf32, #tpu.memory_space<vmem>>) target_semaphore(%dma_start3A_70 : memref<!tpu.dma_semaphore, #tpu.memory_space<semaphore_mem>>)
      } else {
      }
    } else {
    }
    %sub3A = arith.constant 1 : i32
    %sub3A_8 = arith.subi %arg0, %sub3A : i32
    %max3A = arith.constant 0 : i32
    %max3A_9 = arith.maxsi %sub3A_8, %max3A : i32
    %add3A_10 = arith.constant 24 : i32
    %add3A_11 = arith.addi %add3A_10, %max3A_9 : i32
    %get3A_12 = arith.index_cast %add3A_11 : i32 to index
    %get3A_13 = memref.load %arg1[%get3A_12] : memref<59xi32, #tpu.memory_space<smem>>
    %eq3A_14 = arith.constant 0 : i32
    %eq3A_15 = arith.cmpi eq, %arg0, %eq3A_14 : i32
    %ne3A = arith.cmpi ne, %get3A_3, %get3A_13 : i32
    %or3A = arith.ori %eq3A_15, %ne3A : i1
    %lt3A = arith.cmpi slt, %arg0, %get3A_0 : i32
    %and3A = arith.andi %or3A, %lt3A : i1
    %rem3A = arith.constant 2 : i32
    %rem3A_16 = arith.remsi %get3A_3, %rem3A : i32
    %convert_element_type3A_17 = arith.extui %and3A : i1 to i32
    %cond3A_18 = arith.constant 0 : i32
    %cond3A_19 = arith.cmpi ne, %convert_element_type3A_17, %cond3A_18 : i32
    scf.if %cond3A_19 {
      %add3A_24 = arith.constant 49 : i32
      %add3A_25 = arith.addi %add3A_24, %get3A_3 : i32
      %get3A_26 = arith.index_cast %add3A_25 : i32 to index
      %get3A_27 = memref.load %arg1[%get3A_26] : memref<59xi32, #tpu.memory_space<smem>>
      %dma_wait3A = tpu.memref_slice %arg10[%rem3A_16] : memref<2x!tpu.dma_semaphore, #tpu.memory_space<semaphore_mem>> -> memref<1x!tpu.dma_semaphore, #tpu.memory_space<semaphore_mem>>
      %dma_wait3A_28 = tpu.memref_squeeze %dma_wait3A : memref<1x!tpu.dma_semaphore, #tpu.memory_space<semaphore_mem>> -> memref<!tpu.dma_semaphore, #tpu.memory_space<semaphore_mem>>
      %dma_wait3A_29 = arith.constant 0 : i32
      %dma_wait3A_30 = arith.constant 0 : i32
      %dma_wait3A_31 = tpu.memref_slice %arg8[%rem3A_16, %dma_wait3A_29, %dma_wait3A_30] : memref<2x3072x768xf32, #tpu.memory_space<vmem>> -> memref<1x3072x768xf32, #tpu.memory_space<vmem>>
      %dma_wait3A_32 = tpu.memref_squeeze %dma_wait3A_31 : memref<1x3072x768xf32, #tpu.memory_space<vmem>> -> memref<3072x768xf32, #tpu.memory_space<vmem>>
      %dma_wait3A_33 = arith.constant 0 : i32
      %dma_wait3A_34 = arith.constant 0 : i32
      %dma_wait3A_35 = tpu.memref_slice %arg5[%get3A_27, %dma_wait3A_33, %dma_wait3A_34] : memref<8x3072x768xf32, #tpu.memory_space<hbm>> -> memref<1x3072x768xf32, #tpu.memory_space<hbm>>
      %dma_wait3A_36 = tpu.memref_squeeze %dma_wait3A_35 : memref<1x3072x768xf32, #tpu.memory_space<hbm>> -> memref<3072x768xf32, #tpu.memory_space<hbm>>
      tpu.wait_dma2 semaphore(%dma_wait3A_28 : memref<!tpu.dma_semaphore, #tpu.memory_space<semaphore_mem>>) src(%dma_wait3A_36 : memref<3072x768xf32, #tpu.memory_space<hbm>>) dst(%dma_wait3A_32 : memref<3072x768xf32, #tpu.memory_space<vmem>>)
      %dma_wait3A_37 = tpu.memref_slice %arg11[%rem3A_16] : memref<2x!tpu.dma_semaphore, #tpu.memory_space<semaphore_mem>> -> memref<1x!tpu.dma_semaphore, #tpu.memory_space<semaphore_mem>>
      %dma_wait3A_38 = tpu.memref_squeeze %dma_wait3A_37 : memref<1x!tpu.dma_semaphore, #tpu.memory_space<semaphore_mem>> -> memref<!tpu.dma_semaphore, #tpu.memory_space<semaphore_mem>>
      %dma_wait3A_39 = arith.constant 0 : i32
      %dma_wait3A_40 = arith.constant 0 : i32
      %dma_wait3A_41 = tpu.memref_slice %arg9[%rem3A_16, %dma_wait3A_39, %dma_wait3A_40] : memref<2x768x3072xf32, #tpu.memory_space<vmem>> -> memref<1x768x3072xf32, #tpu.memory_space<vmem>>
      %dma_wait3A_42 = tpu.memref_squeeze %dma_wait3A_41 : memref<1x768x3072xf32, #tpu.memory_space<vmem>> -> memref<768x3072xf32, #tpu.memory_space<vmem>>
      %dma_wait3A_43 = arith.constant 0 : i32
      %dma_wait3A_44 = arith.constant 0 : i32
      %dma_wait3A_45 = tpu.memref_slice %arg6[%get3A_27, %dma_wait3A_43, %dma_wait3A_44] : memref<8x768x3072xf32, #tpu.memory_space<hbm>> -> memref<1x768x3072xf32, #tpu.memory_space<hbm>>
      %dma_wait3A_46 = tpu.memref_squeeze %dma_wait3A_45 : memref<1x768x3072xf32, #tpu.memory_space<hbm>> -> memref<768x3072xf32, #tpu.memory_space<hbm>>
      tpu.wait_dma2 semaphore(%dma_wait3A_38 : memref<!tpu.dma_semaphore, #tpu.memory_space<semaphore_mem>>) src(%dma_wait3A_46 : memref<768x3072xf32, #tpu.memory_space<hbm>>) dst(%dma_wait3A_42 : memref<768x3072xf32, #tpu.memory_space<vmem>>)
      %ge3A = arith.constant 1 : i32
      %ge3A_47 = arith.cmpi sge, %get3A_3, %ge3A : i32
      %add3A_48 = arith.constant 1 : i32
      %add3A_49 = arith.addi %get3A_3, %add3A_48 : i32
      %lt3A_50 = arith.cmpi slt, %add3A_49, %get3A_5 : i32
      %and3A_51 = arith.andi %ge3A_47, %lt3A_50 : i1
      %convert_element_type3A_52 = arith.extui %and3A_51 : i1 to i32
      %cond3A_53 = arith.constant 0 : i32
      %cond3A_54 = arith.cmpi ne, %convert_element_type3A_52, %cond3A_53 : i32
      scf.if %cond3A_54 {
        %add3A_55 = arith.constant 1 : i32
        %add3A_56 = arith.addi %get3A_3, %add3A_55 : i32
        %add3A_57 = arith.constant 1 : i32
        %add3A_58 = arith.addi %get3A_3, %add3A_57 : i32
        %rem3A_59 = arith.constant 2 : i32
        %rem3A_60 = arith.remsi %add3A_58, %rem3A_59 : i32
        %add3A_61 = arith.constant 49 : i32
        %add3A_62 = arith.addi %add3A_61, %add3A_56 : i32
        %get3A_63 = arith.index_cast %add3A_62 : i32 to index
        %get3A_64 = memref.load %arg1[%get3A_63] : memref<59xi32, #tpu.memory_space<smem>>
        %dma_start3A = tpu.memref_slice %arg10[%rem3A_60] : memref<2x!tpu.dma_semaphore, #tpu.memory_space<semaphore_mem>> -> memref<1x!tpu.dma_semaphore, #tpu.memory_space<semaphore_mem>>
        %dma_start3A_65 = tpu.memref_squeeze %dma_start3A : memref<1x!tpu.dma_semaphore, #tpu.memory_space<semaphore_mem>> -> memref<!tpu.dma_semaphore, #tpu.memory_space<semaphore_mem>>
        %dma_start3A_66 = arith.constant 0 : i32
        %dma_start3A_67 = arith.constant 0 : i32
        %dma_start3A_68 = tpu.memref_slice %arg8[%rem3A_60, %dma_start3A_66, %dma_start3A_67] : memref<2x3072x768xf32, #tpu.memory_space<vmem>> -> memref<1x3072x768xf32, #tpu.memory_space<vmem>>
        %dma_start3A_69 = tpu.memref_squeeze %dma_start3A_68 : memref<1x3072x768xf32, #tpu.memory_space<vmem>> -> memref<3072x768xf32, #tpu.memory_space<vmem>>
        %dma_start3A_70 = arith.constant 0 : i32
        %dma_start3A_71 = arith.constant 0 : i32
        %dma_start3A_72 = tpu.memref_slice %arg5[%get3A_64, %dma_start3A_70, %dma_start3A_71] : memref<8x3072x768xf32, #tpu.memory_space<hbm>> -> memref<1x3072x768xf32, #tpu.memory_space<hbm>>
        %dma_start3A_73 = tpu.memref_squeeze %dma_start3A_72 : memref<1x3072x768xf32, #tpu.memory_space<hbm>> -> memref<3072x768xf32, #tpu.memory_space<hbm>>
        tpu.enqueue_dma source(%dma_start3A_73 : memref<3072x768xf32, #tpu.memory_space<hbm>>) target(%dma_start3A_69 : memref<3072x768xf32, #tpu.memory_space<vmem>>) target_semaphore(%dma_start3A_65 : memref<!tpu.dma_semaphore, #tpu.memory_space<semaphore_mem>>)
        %dma_start3A_74 = tpu.memref_slice %arg11[%rem3A_60] : memref<2x!tpu.dma_semaphore, #tpu.memory_space<semaphore_mem>> -> memref<1x!tpu.dma_semaphore, #tpu.memory_space<semaphore_mem>>
        %dma_start3A_75 = tpu.memref_squeeze %dma_start3A_74 : memref<1x!tpu.dma_semaphore, #tpu.memory_space<semaphore_mem>> -> memref<!tpu.dma_semaphore, #tpu.memory_space<semaphore_mem>>
        %dma_start3A_76 = arith.constant 0 : i32
        %dma_start3A_77 = arith.constant 0 : i32
        %dma_start3A_78 = tpu.memref_slice %arg9[%rem3A_60, %dma_start3A_76, %dma_start3A_77] : memref<2x768x3072xf32, #tpu.memory_space<vmem>> -> memref<1x768x3072xf32, #tpu.memory_space<vmem>>
        %dma_start3A_79 = tpu.memref_squeeze %dma_start3A_78 : memref<1x768x3072xf32, #tpu.memory_space<vmem>> -> memref<768x3072xf32, #tpu.memory_space<vmem>>
        %dma_start3A_80 = arith.constant 0 : i32
        %dma_start3A_81 = arith.constant 0 : i32
        %dma_start3A_82 = tpu.memref_slice %arg6[%get3A_64, %dma_start3A_80, %dma_start3A_81] : memref<8x768x3072xf32, #tpu.memory_space<hbm>> -> memref<1x768x3072xf32, #tpu.memory_space<hbm>>
        %dma_start3A_83 = tpu.memref_squeeze %dma_start3A_82 : memref<1x768x3072xf32, #tpu.memory_space<hbm>> -> memref<768x3072xf32, #tpu.memory_space<hbm>>
        tpu.enqueue_dma source(%dma_start3A_83 : memref<768x3072xf32, #tpu.memory_space<hbm>>) target(%dma_start3A_79 : memref<768x3072xf32, #tpu.memory_space<vmem>>) target_semaphore(%dma_start3A_75 : memref<!tpu.dma_semaphore, #tpu.memory_space<semaphore_mem>>)
      } else {
      }
    } else {
    }
    %lt3A_20 = arith.cmpi slt, %arg0, %get3A_0 : i32
    %convert_element_type3A_21 = arith.extui %lt3A_20 : i1 to i32
    %cond3A_22 = arith.constant 0 : i32
    %cond3A_23 = arith.cmpi ne, %convert_element_type3A_21, %cond3A_22 : i32
    scf.if %cond3A_23 {
      %get3A_24 = arith.constant 0 : index
      %get3A_25 = arith.constant 0 : index
      %get3A_26 = vector.load %arg2[%get3A_24, %get3A_25] : memref<256x768xf32, #tpu.memory_space<vmem>>, vector<256x768xf32>
      %convert_element_type3A_27 = arith.truncf %get3A_26 : vector<256x768xf32> to vector<256x768xbf16>
      %get3A_28 = arith.index_cast %rem3A_16 : i32 to index
      %get3A_29 = arith.constant 0 : index
      %get3A_30 = arith.constant 0 : index
      %get3A_31 = vector.load %arg8[%get3A_28, %get3A_29, %get3A_30] : memref<2x3072x768xf32, #tpu.memory_space<vmem>>, vector<1x3072x768xf32>
      %get3A_32 = vector.shape_cast %get3A_31 : vector<1x3072x768xf32> to vector<3072x768xf32>
      %convert_element_type3A_33 = arith.truncf %get3A_32 : vector<3072x768xf32> to vector<3072x768xbf16>
      %dot_general3A = arith.constant dense<0.000000e+00> : vector<256x3072xf32>
      %dot_general3A_34 = tpu.matmul %convert_element_type3A_27, %convert_element_type3A_33, %dot_general3A {dimension_numbers = #tpu.dot_dimension_numbers<[1], [1], [0], [0], [0, 0, 1, 0], [], []>, transpose_lhs_hint = false} : vector<256x768xbf16>, vector<3072x768xbf16>, vector<256x3072xf32> -> vector<256x3072xf32>
      %get3A_35 = arith.constant 0 : index
      %get3A_36 = arith.constant 0 : index
      %get3A_37 = arith.constant 0 : index
      %get3A_38 = vector.load %arg3[%get3A_35, %get3A_36, %get3A_37] : memref<1x1x3072xf32, #tpu.memory_space<vmem>>, vector<1x1x3072xf32>
      %get3A_39 = vector.shape_cast %get3A_38 : vector<1x1x3072xf32> to vector<1x3072xf32>
      %add3A_40 = vector.broadcast %get3A_39 : vector<1x3072xf32> to vector<256x3072xf32>
      %add3A_41 = arith.addf %dot_general3A_34, %add3A_40 : vector<256x3072xf32>
      %max3A_42 = arith.constant 0.000000e+00 : f32
      %max3A_43 = vector.broadcast %max3A_42 : f32 to vector<256x3072xf32>
      %max3A_44 = arith.maximumf %add3A_41, %max3A_43 : vector<256x3072xf32>
      %get3A_45 = arith.index_cast %rem3A_16 : i32 to index
      %get3A_46 = arith.constant 0 : index
      %get3A_47 = arith.constant 0 : index
      %get3A_48 = vector.load %arg9[%get3A_45, %get3A_46, %get3A_47] : memref<2x768x3072xf32, #tpu.memory_space<vmem>>, vector<1x768x3072xf32>
      %get3A_49 = vector.shape_cast %get3A_48 : vector<1x768x3072xf32> to vector<768x3072xf32>
      %convert_element_type3A_50 = arith.truncf %get3A_49 : vector<768x3072xf32> to vector<768x3072xbf16>
      %convert_element_type3A_51 = arith.truncf %max3A_44 : vector<256x3072xf32> to vector<256x3072xbf16>
      %dot_general3A_52 = arith.constant dense<0.000000e+00> : vector<256x768xf32>
      %dot_general3A_53 = tpu.matmul %convert_element_type3A_51, %convert_element_type3A_50, %dot_general3A_52 {dimension_numbers = #tpu.dot_dimension_numbers<[1], [1], [0], [0], [0, 0, 1, 0], [], []>, transpose_lhs_hint = false} : vector<256x3072xbf16>, vector<768x3072xbf16>, vector<256x768xf32> -> vector<256x768xf32>
      %get3A_54 = arith.constant 0 : index
      %get3A_55 = arith.constant 0 : index
      %get3A_56 = arith.constant 0 : index
      %get3A_57 = vector.load %arg4[%get3A_54, %get3A_55, %get3A_56] : memref<1x1x768xf32, #tpu.memory_space<vmem>>, vector<1x1x768xf32>
      %get3A_58 = vector.shape_cast %get3A_57 : vector<1x1x768xf32> to vector<1x768xf32>
      %add3A_59 = vector.broadcast %get3A_58 : vector<1x768xf32> to vector<256x768xf32>
      %add3A_60 = arith.addf %dot_general3A_53, %add3A_59 : vector<256x768xf32>
      %swap3A = arith.constant 0 : index
      %swap3A_61 = arith.constant 0 : index
      %swap3A_62 = vector.load %arg7[%swap3A, %swap3A_61] : memref<256x768xf32, #tpu.memory_space<vmem>>, vector<256x768xf32>
      tpu.vector_store %arg7[%swap3A, %swap3A_61], %add3A_60 {strides = array<i32>} : memref<256x768xf32, #tpu.memory_space<vmem>>, vector<256x768xf32>,
    } else {
    }
    return
  }
  func.func @transform_0(%arg0: i32, %arg1: memref<59xi32, #tpu.memory_space<smem>>) -> (i32, i32) {
    %get3A = arith.constant 48 : index
    %get3A_0 = memref.load %arg1[%get3A] : memref<59xi32, #tpu.memory_space<smem>>
    %sub3A = arith.constant 1 : i32
    %sub3A_1 = arith.subi %get3A_0, %sub3A : i32
    %min3A = arith.minsi %arg0, %sub3A_1 : i32
    %c0_i32 = arith.constant 0 : i32
    %c0_i32_2 = arith.constant 0 : i32
    return %min3A, %c0_i32 : i32, i32
  }
  func.func @transform_1(%arg0: i32, %arg1: memref<59xi32, #tpu.memory_space<smem>>) -> (i32, i32, i32) {
    %get3A = arith.index_cast %arg0 : i32 to index
    %get3A_0 = memref.load %arg1[%get3A] : memref<59xi32, #tpu.memory_space<smem>>
    %c0_i32 = arith.constant 0 : i32
    %c0_i32_1 = arith.constant 0 : i32
    %c0_i32_2 = arith.constant 0 : i32
    return %get3A_0, %c0_i32, %c0_i32_1 : i32, i32, i32
  }
  func.func @transform_2(%arg0: i32, %arg1: memref<59xi32, #tpu.memory_space<smem>>) -> (i32, i32, i32) {
    %get3A = arith.index_cast %arg0 : i32 to index
    %get3A_0 = memref.load %arg1[%get3A] : memref<59xi32, #tpu.memory_space<smem>>
    %c0_i32 = arith.constant 0 : i32
    %c0_i32_1 = arith.constant 0 : i32
    %c0_i32_2 = arith.constant 0 : i32
    return %get3A_0, %c0_i32, %c0_i32_1 : i32, i32, i32
  }
  func.func @transform_5(%arg0: i32, %arg1: memref<59xi32, #tpu.memory_space<smem>>) -> (i32, i32) {
    %get3A = arith.constant 48 : index
    %get3A_0 = memref.load %arg1[%get3A] : memref<59xi32, #tpu.memory_space<smem>>
    %sub3A = arith.constant 1 : i32
    %sub3A_1 = arith.subi %get3A_0, %sub3A : i32
    %min3A = arith.minsi %arg0, %sub3A_1 : i32
    %c0_i32 = arith.constant 0 : i32
    %c0_i32_2 = arith.constant 0 : i32
    return %min3A, %c0_i32 : i32, i32
  }
}

</mosaic_0001>

<sc_bundles>
// kernel: kernel.6.cloned.1.call-start
scs
__scs_entry_jumppad:
0x0: {  	(pc) =	sbr.rel $0x88, $3  }
0x1: {  	(tag) =	ssettag $0x0;
	lr =	simm.s32 $0x1  }
0x2: {  	[smem:$0x3F97] =	sst lr;
	_ =	strace $0xD0000000  }
0x3: {  	_ = 	snop  }
0x4: {  	_ = 	snop  }
0x5: {  	_ = 	snop  }
0x6: {  	_ = 	snop  }
0x7: {  	_ = 	snop  }
__scs_overlays_trampoline_lowered:
0x8: {  	[smem:$0x3FA6] =	sst s0  }
0x9: {  	[smem:$0x3FA7] =	sst s1  }
0xa: {  	[smem:$0x3FA8] =	sst s2  }
0xb: {  	[smem:$0x3FA9] =	sst s3  }
0xc: {  	[smem:$0x3FAA] =	sst s4  }
0xd: {  	[smem:$0x3FAB] =	sst s5  }
0xe: {  	[smem:$0x3FAC] =	sst s6  }
0xf: {  	[smem:$0x3FAD] =	sst s7  }
0x10: {  	[smem:$0x3FAE] =	sst s8  }
0x11: {  	[smem:$0x3FAF] =	sst s9;
	s0 =	simm.s32 @!p0 $0x0  }
0x12: {  	s1 =	sld [smem:$0x3F95];
	s0 =	simm.s32 @p0 $0x1  }
0x13: {  	[smem:$0x3FB0] =	sst s0;
	s0 =	simm.s32 @!p1 $0x0  }
0x14: {  	s2 =	sld [smem:$0x3F94];
	s0 =	simm.s32 @p1 $0x1  }
0x15: {  	[smem:$0x3FB1] =	sst s0;
	s0 =	simm.s32 @!p2 $0x0  }
0x16: {  	s3 =	sld [smem:$0x3FDB];
	s0 =	simm.s32 @p2 $0x1  }
0x17: {  	s4 =	simm.s32 $0x1BF5;
	[smem:$0x3FB3] =	sst s0  }
0x18: {  	s0 =	sld [smem:$0x3F96];
	_ =	swait.ge [sflag:s4], $0x0  }
0x19: {  	s7 =	sld [smem:$0x3F97]  }
0x1a: {  	s8 =	sadd.s32 $0xFFFFE003, lr  }
0x1b: {  	s9 =	sadd.s32 $0xFFFFFEF7, lr;
	s5 =	simm.s32 $0xFFFFFFFF;
	p2 =	slt.u32 s8, $0xFFFFF086  }
0x1c: {  	p1 =	slt.u32 s9, $0xF7A;
	s5 =	simm.s32 @!p2 $0x0  }
0x1d: {  	s5 =	simm.s32 @p1 $0x1;
	p0 =	seq.s32 s7, s2  }
0x1e: {  	s7 =	smul.u32 @!p0 $0xF7A, s2;
	p2 =	seq.s32 @!p0 s5, $0x0  }
0x1f: {  	s9 =	smul.u32 $0xF7A, s1;
	s8 =	simm.s32 @!p0 $0x1BF5;
	p2 =	por !p2, p0  }
0x20: {  	[sflag:s8] =	ssyncset.s32 @!p0 $0xFFFFF086;
	s6 =	sadd.s32 @!p0 s3, s7;
	s7 =	simm.s32 @!p0 $0x108  }
0x21: {  	s3 =	sadd.s32 s3, s9;
	s6 =	sadd.s32 @!p0 $0x88, s6;
	s7 =	simm.s32 @p2 $0x1082  }
0x22: {  	[simem:s7], [sflag:s8] =	dma.local @!p0 [hbm:s6], $0xF7A  }
0x23: {  	s9 =	sor.u32 $0xD0000000, s2;
	s6 =	simm.s32 $0x108;
	_ =	swait.ge @!p0 [sflag:s8], $0x0  }
0x24: {  	s3 =	sadd.s32 $0x88, s3;
	s6 =	simm.s32 @!p1 $0x1082;
	[sflag:s4] =	ssyncset.s32 $0xFFFFF086  }
0x25: {  	[simem:s6], [sflag:s4] =	dma.local [hbm:s3], $0xF7A  }
0x26: {  	[smem:$0x3F97] =	sst s1;
	(tag) =	ssettag s2;
	_ =	strace s9  }
0x27: {  	s1 =	sld [smem:$0x3FA7]  }
0x28: {  	s2 =	sld [smem:$0x3FA8]  }
0x29: {  	s4 =	sld [smem:$0x3FAA]  }
0x2a: {  	p0 =	seq.s32 s5, $0x0;
	s5 =	sld [smem:$0x3FAB]  }
0x2b: {  	s6 =	sld [smem:$0x3FAC]  }
0x2c: {  	s7 =	sld [smem:$0x3FAD]  }
0x2d: {  	s3 =	simm.s32 $0x108;
	s8 =	sld [smem:$0x3FAE]  }
0x2e: {  	s3 =	simm.s32 @!p0 $0x1082;
	s9 =	sld [smem:$0x3FAF]  }
0x2f: {  	lr =	sadd.s32 s0, s3;
	s0 =	sld [smem:$0x3FA6]  }
0x30: {  	s3 =	sld [smem:$0x3FA9]  }
0x31: {  	[smem:$0x3FB2] =	sst s10  }
0x32: {  	s10 =	sld [smem:$0x3FB0];
	_ =	sdelay $0x3  }
0x33: {  	p0 =	seq.s32 s10, $0x1;
	s10 =	sld [smem:$0x3FB2];
	_ =	sdelay $0x3  }
0x34: {  	[smem:$0x3FB2] =	sst s10  }
0x35: {  	s10 =	sld [smem:$0x3FB1];
	_ =	sdelay $0x3  }
0x36: {  	p1 =	seq.s32 s10, $0x1;
	s10 =	sld [smem:$0x3FB2];
	_ =	sdelay $0x3  }
0x37: {  	[smem:$0x3FB2] =	sst s10  }
0x38: {  	s10 =	sld [smem:$0x3FB3]  }
0x39: {  	_ = 	snop;
	(pc) =	sbr.ind lr, $3  }
0x3a: {  	_ = 	snop  }
0x3b: {  	_ = 	snop  }
0x3c: {  	p2 =	seq.s32 s10, $0x1;
	s10 =	sld [smem:$0x3FB2]  }
0x3d: {  	_ =	shalt  }
0x3e: {  	_ =	shalt  }
0x3f: {  	_ =	shalt  }
0x40: {  	_ =	shalt  }
0x41: {  	_ =	shalt  }
0x42: {  	_ =	shalt  }
0x43: {  	_ =	shalt  }
0x44: {  	_ =	shalt  }
0x45: {  	_ =	shalt  }
0x46: {  	_ =	shalt  }
0x47: {  	_ =	shalt  }
0x48: {  	_ =	shalt  }
0x49: {  	_ =	shalt  }
0x4a: {  	_ =	shalt  }
0x4b: {  	_ =	shalt  }
0x4c: {  	_ =	shalt  }
0x4d: {  	_ =	shalt  }
0x4e: {  	_ =	shalt  }
0x4f: {  	_ =	shalt  }
0x50: {  	_ =	shalt  }
0x51: {  	_ =	shalt  }
0x52: {  	_ =	shalt  }
0x53: {  	_ =	shalt  }
0x54: {  	_ =	shalt  }
0x55: {  	_ =	shalt  }
0x56: {  	_ =	shalt  }
0x57: {  	_ =	shalt  }
0x58: {  	_ =	shalt  }
0x59: {  	_ =	shalt  }
0x5a: {  	_ =	shalt  }
0x5b: {  	_ =	shalt  }
0x5c: {  	_ =	shalt  }
0x5d: {  	_ =	shalt  }
0x5e: {  	_ =	shalt  }
0x5f: {  	_ =	shalt  }
0x60: {  	_ =	shalt  }
0x61: {  	_ =	shalt  }
0x62: {  	_ =	shalt  }
0x63: {  	_ =	shalt  }
0x64: {  	_ =	shalt  }
0x65: {  	_ =	shalt  }
0x66: {  	_ =	shalt  }
0x67: {  	_ =	shalt  }
0x68: {  	_ =	shalt  }
0x69: {  	_ =	shalt  }
0x6a: {  	_ =	shalt  }
0x6b: {  	_ =	shalt  }
0x6c: {  	_ =	shalt  }
0x6d: {  	_ =	shalt  }
0x6e: {  	_ =	shalt  }
0x6f: {  	_ =	shalt  }
0x70: {  	_ =	shalt  }
0x71: {  	_ =	shalt  }
0x72: {  	_ =	shalt  }
0x73: {  	_ =	shalt  }
0x74: {  	_ =	shalt  }
0x75: {  	_ =	shalt  }
0x76: {  	_ =	shalt  }
0x77: {  	_ =	shalt  }
0x78: {  	_ =	shalt  }
0x79: {  	_ =	shalt  }
0x7a: {  	_ =	shalt  }
0x7b: {  	_ =	shalt  }
0x7c: {  	_ =	shalt  }
0x7d: {  	_ =	shalt  }
0x7e: {  	_ =	shalt  }
0x7f: {  	_ =	shalt  }
0x80: {  	_ =	shalt  }
0x81: {  	_ =	shalt  }
0x82: {  	_ =	shalt  }
0x83: {  	_ =	shalt  }
0x84: {  	_ =	shalt  }
0x85: {  	_ =	shalt  }
0x86: {  	_ =	shalt  }
0x87: {  	_ =	shalt  }
.Lfunc_end0:
.L_simem_size_0:
called_computation_lowered:
.L_overlay_start_0:
0x88: {  	s2 =	sld [smem:$0x3FD9]  }
0x89: {  	s3 =	sld [smem:$0x3FFE];
	_ =	sdelay $0x1  }
0x8a: {  	s1 =	srdreg.scid  }
0x8b: {  	s0 =	sand.u32 $0x1, s1  }
0x8c: {  	s17 =	sshll.u32 s0, $0xA;
	s2 =	sadd.s32 s3, s2  }
0x8d: {  	s2 =	sadd.s32 s2, s17  }
0x8e: {  	[smem:$0x3FBE] =	sst s2  }
0x8f: {  	_ = 	snop  }
0x90: {  	s2 =	sld [smem:$0x3FC9];
	(tm) =	ssettm $0x1  }
0x91: {  	s18 =	sld [smem:$0x3FFB];
	_ =	sdelay $0x3  }
0x92: {  	_ =	strace s18  }
0x93: {  	s3 =	sld [smem:$0x3FFC];
	_ =	sdelay $0x3  }
0x94: {  	_ =	strace s3  }
0x95: {  	s3 =	sld [smem:$0x3FFD];
	_ =	sdelay $0x3  }
0x96: {  	_ =	strace s3  }
0x97: {  	_ =	strace $0x8FFFFFFF  }
0x98: {  	s19 =	sld [smem:$0x3FDB];
	_ =	sdelay $0x1  }
0x99: {  	s4 =	simm.s32 $_scs_section_size  }
0x9a: {  	s5 =	simm.s32 $_size__tile_overlayer_lowered;
	s6 =	simm.s32 $_tile_overlayer_lowered  }
0x9b: {  	s22 =	simm.s32 $0x1BFF;
	s21 =	sshll.u32 s6, $0x1;
	s3 =	sadd.s32 s4, s19  }
0x9c: {  	s7 =	simm.s32 $0x0;
	s20 =	sshll.u32 s5, $0x1;
	s5 =	sadd.s32 s21, s3  }
0x9d: {  	[timem:s7], [sflag:s22] =	dma.local [hbm:s5], s20  }
0x9e: {  	_ =	swait.ge [sflag:s22], s20  }
0x9f: {  	s4 =	ssub.s32 $0x0, s20;
	[sflag:s22] =	ssyncset.done $0x0  }
0xa0: {  	[sflag:s22] =	ssyncadd.s32 s4;
	_ =	sdelay $0x1  }
0xa1: {  	s23 =	simm.s32 $0x1B8B  }
0xa2: {  	_ =	swait.ge [sflag:s23], $0x1  }
0xa3: {  	[sflag:s23] =	ssyncset.done $0x0  }
0xa4: {  	s25 =	simm.s32 $0x1B8E;
	s24 =	sld [smem:$0x3FFE];
	[sflag:s23] =	ssyncadd.s32 $0xFFFFFFFF  }
0xa5: {  	s26 =	simm.s32 $execute0_lowered;
	[smem:$0x3FD2] =	sst s25  }
0xa6: {  	s5 =	sshll.u32 s26, $0x1;
	_ =	strace $0x80000046;
	[dreg:$0x1] =	wrdreg $0xFFFFFFFF  }
0xa7: {  	s28 =	simm.s32 $_size_execute0_lowered;
	s3 =	sadd.s32 s3, s5;
	[dreg:$0x0] =	wrdreg $0x0  }
0xa8: {  	s5 =	sshll.u32 s28, $0x1;
	[dreg:$0x2] =	wrdreg s3  }
0xa9: {  	[dreg:$0x3] =	wrdreg s5  }
0xaa: {  	[dreg:$0x4] =	wrdreg $0xC0  }
0xab: {  	_ =	task [dreg:s7], $0x5FFFF  }
0xac: {  	[dreg:$0x1] =	wrdreg $0xFFFFFFFF  }
0xad: {  	[dreg:$0x0] =	wrdreg $0x60  }
0xae: {  	[dreg:$0x2] =	wrdreg s2  }
0xaf: {  	[dreg:$0x3] =	wrdreg s24  }
0xb0: {  	[dreg:$0x4] =	wrdreg $0x9  }
0xb1: {  	_ =	task.clear_ibuf [dreg:s7], $0x5FFFF;
	_ =	strace $0x90000046  }
0xb2: {  	s29 =	simm.s32 $0x9;
	_ =	strace $0x80000048  }
0xb3: {  	_ =	swait.ge [sflag:s29], $0x1  }
0xb4: {  	[sflag:s29] =	ssyncadd.s32 $0xFFFFFFFF  }
0xb5: {  	_ =	strace $0x90000048  }
0xb6: {  	_ =	sfence  }
0xb7: {  	s30 =	sld [smem:$0x0];
	_ =	sdelay $0x2  }
0xb8: {  	s31 =	sshll.u32 s1, $0xD;
	s1 =	sshrl.u32 s1, $0x2  }
0xb9: {  	s3 =	sand.u32 $0x4000, s31;
	s1 =	sadd.s32 s1, s30  }
0xba: {  	s0 =	sor.u32 s3, s0;
	s1 =	sshll.u32 s1, $0x11  }
0xbb: {  	s0 =	sor.u32 s1, s0  }
0xbc: {  	s0 =	sadd.s32 $0x8F2B, s0  }
0xbd: {  	[sflag:s0] =	ssyncadd.remote.s32 $0x1  }
0xbe: {  	_ =	sfence.sel $0xFFFF  }
0xbf: {  	[dreg:$0x0] =	wrdreg $0xFFFFFFFF;
	(pc) =	sbr.abs _section_cstart, $3  }
0xc0: {  	[dreg:$0x1] =	wrdreg $0xFFFFFFFF  }
0xc1: {  	_ =	task.clear_ibuf [dreg:s7], $0x2FFFF;
	_ =	strace $0x9FFFFFFF  }
0xc2: {  	(tm) =	ssettm $0x7FFFFFFF  }
0xc3: {  	_ =	shalt  }
tec
execute0_lowered:
.L_overlay_start_1:
0x0: {  	(tag) =	ssettag $0x1  }
0x1: {  	s1 =	srdreg.scid  }
0x2: {  	s4 =	rddreg [dreg:$0x0];
	s0 =	stileid.u32  }
0x3: {  	s5 =	rddreg [dreg:$0x1];
	s2 =	simm.s32 $0x0;
	s26 =	simm.s32 $0xC000  }
0x4: {  	s8 =	simm.s32 $0xC080;
	s9 =	simm.s32 $0x1000;
	s10 =	simm.s32 $0x1800  }
0x5: {  	s11 =	simm.s32 $0x2000;
	s12 =	simm.s32 $0x2800;
	s13 =	simm.s32 $0x3000  }
0x6: {  	s14 =	simm.s32 $0x3800;
	s15 =	simm.s32 $0x4000;
	s16 =	simm.s32 $0x4800  }
0x7: {  	s17 =	simm.s32 $0x5000;
	s18 =	simm.s32 $0x5800;
	s19 =	simm.s32 $0x6000  }
0x8: {  	s20 =	simm.s32 $0x6800;
	s21 =	simm.s32 $0x7000;
	s22 =	simm.s32 $0x7800  }
0x9: {  	s28 =	simm.s32 $0xA000;
	s29 =	simm.s32 $0xA800;
	s30 =	simm.s32 $0xB000  }
0xa: {  	s31 =	simm.s32 $0xB800;
	s1 =	sand.u32 $0x1, s1;
	[smem:$0x7FF] =	sst s2  }
0xb: {  	s3 =	sshll.u32 s0, $0x4;
	_ =	strace $0x80000047;
	[dreg:$0x6] =	wrdreg s26  }
0xc: {  	s6 =	sshll.u32 s1, $0x3;
	s1 =	ssub.s32 $0x2, s1;
	[dreg:$0x7] =	wrdreg s8  }
0xd: {  	s26 =	simm.s32 $0x9800;
	s3 =	sor.u32 s6, s3;
	s23 =	sshrl.u32 s1, $0x1  }
0xe: {  	s6 =	smul.u32 $0x300, s3;
	s7 =	sadd.s32 s3, s5;
	s3 =	sadd.s32 $0x8400, s5  }
0xf: {  	s1 =	ssub.s32 s1, s23;
	s23 =	simm.s32 $0x8000;
	s24 =	sadd.s32 $0x8000, s7  }
0x10: {  	s25 =	sadd.s32 $0x8200, s7;
	s7 =	simm.s32 $0x2;
	[dreg:$0x4] =	wrdreg s24  }
0x11: {  	v2 =	vlaneseq.u32;
	s4 =	sadd.s32 s4, s6;
	[dreg:$0x5] =	wrdreg s25;
	s6 =	smax.u32 s1, $0x1  }
0x12: {  	vm0 =	vmmov $0xffff;
	v1 =	vshrl.u32 v2, $0x3;
	s24 =	simm.s32 $0x8800;
	s25 =	simm.s32 $0x9000;
	s1 =	simm.s32 $0x1  }
0x13: {  	v0 =	vand.u32 $0x7, v2;
	v2 =	vor.u32 $0x8, v2;
	v1 =	vmul.u32 $0x8, v1;
	[dreg:$0x3] =	wrdreg s4;
	s4 =	sadd.s32 $0x8500, s5;
	s5 =	sadd.s32 $0x8600, s5  }
.LBB2_1:
0x14: {  	s0 =	rddreg [dreg:$0x3]  }
0x15: {  	[tilespmem:s2], [sflag:$0x2] =	stream.linear.gather [hbm4b:s0+s2], $0xC000, $0x38;
	[tilespmem:$0xC100] =	vst v63  }
0x16: {  	_ =	swait.ge [sflag:s7], $0xC000  }
0x17: {  	s0 =	rddreg [dreg:$0x4];
	[sflag:s7] =	ssyncset.done $0x0  }
0x18: {  	s8 =	rddreg [dreg:$0x6];
	[sflag:s7] =	ssyncadd.s32 $0xFFFF4000  }
0x19: {  	[tilespmem:s8], [sflag:$0x2] =	stream.linear.gather [hbm4b:s0+s2], $0x40, $0x38;
	[tilespmem:$0xC100] =	vst v63  }
0x1a: {  	_ =	swait.ge [sflag:s7], $0x40  }
0x1b: {  	s0 =	rddreg [dreg:$0x5];
	[sflag:s7] =	ssyncset.done $0x0  }
0x1c: {  	s8 =	rddreg [dreg:$0x7];
	[sflag:s7] =	ssyncadd.s32 $0xFFFFFFC0  }
0x1d: {  	[tilespmem:s8], [sflag:$0x2] =	stream.linear.gather [hbm4b:s0+s2], $0x40, $0x38;
	[tilespmem:$0xC100] =	vst v63  }
0x1e: {  	_ =	swait.ge [sflag:s7], $0x40  }
0x1f: {  	[sflag:s7] =	ssyncset.done $0x0  }
0x20: {  	[sflag:s7] =	ssyncadd.s32 $0xFFFFFFC0  }
0x21: {  	v3 =	vld [tilespmem:$0xC000];
	_ =	sdelay $0x4  }
0x22: {  	v4 =	vshrl.u32 v3, $0x3  }
0x23: {  	v4 =	vmul.u32 $0x30, v4  }
0x24: {  	v3 =	vand.u32 $0x7, v3  }
0x25: {  	v3 =	vor.u32 v3, v4  }
0x26: {  	v4 =	vperm.xlane v3, v0;
	_ =	sdelay $0x1  }
0x27: {  	v4 =	vadd.s32 v1, v4;
	_ =	sdelay $0x3  }
0x28: {  	v3 =	vperm.xlane v3, v2  }
0x29: {  	[hbm4b:s3+s2] =	stream.indirect_vreg.scatter [tilespmem:s2], [sflag:$0x1], $0x80, v4, vm0, $0xb8;
	[tilespmem:$0xC100] =	vst v63  }
0x2a: {  	s8 =	simm.s32 $0x800;
	v3 =	vadd.s32 v1, v3  }
0x2b: {  	[hbm4b:s4+s2] =	stream.indirect_vreg.scatter [tilespmem:s8], [sflag:$0x1], $0x80, v4, vm0, $0xb8;
	[tilespmem:$0xC100] =	vst v63  }
0x2c: {  	_ = 	snop  }
0x2d: {  	[hbm4b:s5+s2] =	stream.indirect_vreg.scatter [tilespmem:s9], [sflag:$0x1], $0x80, v4, vm0, $0xb8;
	[tilespmem:$0xC100] =	vst v63  }
0x2e: {  	_ = 	snop  }
0x2f: {  	[hbm4b:s3+s2] =	stream.indirect_vreg.scatter [tilespmem:s10], [sflag:$0x1], $0x80, v3, vm0, $0xb8;
	[tilespmem:$0xC100] =	vst v63  }
0x30: {  	_ = 	snop  }
0x31: {  	[hbm4b:s4+s2] =	stream.indirect_vreg.scatter [tilespmem:s11], [sflag:$0x1], $0x80, v3, vm0, $0xb8;
	[tilespmem:$0xC100] =	vst v63  }
0x32: {  	_ = 	snop  }
0x33: {  	[hbm4b:s5+s2] =	stream.indirect_vreg.scatter [tilespmem:s12], [sflag:$0x1], $0x80, v3, vm0, $0xb8;
	[tilespmem:$0xC100] =	vst v63  }
0x34: {  	v3 =	vld [tilespmem:$0xC010];
	_ =	sdelay $0x4  }
0x35: {  	v57 =	vshrl.u32 v3, $0x3  }
0x36: {  	v4 =	vmul.u32 $0x30, v57  }
0x37: {  	v3 =	vand.u32 $0x7, v3  }
0x38: {  	v3 =	vor.u32 v3, v4  }
0x39: {  	v4 =	vperm.xlane v3, v0;
	_ =	sdelay $0x1  }
0x3a: {  	v4 =	vadd.s32 v1, v4;
	_ =	sdelay $0x3  }
0x3b: {  	v3 =	vperm.xlane v3, v2  }
0x3c: {  	[hbm4b:s3+s2] =	stream.indirect_vreg.scatter [tilespmem:s13], [sflag:$0x1], $0x80, v4, vm0, $0xb8;
	[tilespmem:$0xC100] =	vst v63  }
0x3d: {  	v3 =	vadd.s32 v1, v3  }
0x3e: {  	[hbm4b:s4+s2] =	stream.indirect_vreg.scatter [tilespmem:s14], [sflag:$0x1], $0x80, v4, vm0, $0xb8;
	[tilespmem:$0xC100] =	vst v63  }
0x3f: {  	_ = 	snop  }
0x40: {  	[hbm4b:s5+s2] =	stream.indirect_vreg.scatter [tilespmem:s15], [sflag:$0x1], $0x80, v4, vm0, $0xb8;
	[tilespmem:$0xC100] =	vst v63  }
0x41: {  	_ = 	snop  }
0x42: {  	[hbm4b:s3+s2] =	stream.indirect_vreg.scatter [tilespmem:s16], [sflag:$0x1], $0x80, v3, vm0, $0xb8;
	[tilespmem:$0xC100] =	vst v63  }
0x43: {  	_ = 	snop  }
0x44: {  	[hbm4b:s4+s2] =	stream.indirect_vreg.scatter [tilespmem:s17], [sflag:$0x1], $0x80, v3, vm0, $0xb8;
	[tilespmem:$0xC100] =	vst v63  }
0x45: {  	_ = 	snop  }
0x46: {  	[hbm4b:s5+s2] =	stream.indirect_vreg.scatter [tilespmem:s18], [sflag:$0x1], $0x80, v3, vm0, $0xb8;
	[tilespmem:$0xC100] =	vst v63  }
0x47: {  	v3 =	vld [tilespmem:$0xC020];
	_ =	sdelay $0x4  }
0x48: {  	v58 =	vshrl.u32 v3, $0x3  }
0x49: {  	v4 =	vmul.u32 $0x30, v58  }
0x4a: {  	v3 =	vand.u32 $0x7, v3  }
0x4b: {  	v3 =	vor.u32 v3, v4  }
0x4c: {  	v4 =	vperm.xlane v3, v0;
	_ =	sdelay $0x1  }
0x4d: {  	v4 =	vadd.s32 v1, v4;
	_ =	sdelay $0x3  }
0x4e: {  	v3 =	vperm.xlane v3, v2  }
0x4f: {  	[hbm4b:s3+s2] =	stream.indirect_vreg.scatter [tilespmem:s19], [sflag:$0x1], $0x80, v4, vm0, $0xb8;
	[tilespmem:$0xC100] =	vst v63  }
0x50: {  	v3 =	vadd.s32 v1, v3  }
0x51: {  	[hbm4b:s4+s2] =	stream.indirect_vreg.scatter [tilespmem:s20], [sflag:$0x1], $0x80, v4, vm0, $0xb8;
	[tilespmem:$0xC100] =	vst v63  }
0x52: {  	_ = 	snop  }
0x53: {  	[hbm4b:s5+s2] =	stream.indirect_vreg.scatter [tilespmem:s21], [sflag:$0x1], $0x80, v4, vm0, $0xb8;
	[tilespmem:$0xC100] =	vst v63  }
0x54: {  	_ = 	snop  }
0x55: {  	[hbm4b:s3+s2] =	stream.indirect_vreg.scatter [tilespmem:s22], [sflag:$0x1], $0x80, v3, vm0, $0xb8;
	[tilespmem:$0xC100] =	vst v63  }
0x56: {  	_ = 	snop  }
0x57: {  	[hbm4b:s4+s2] =	stream.indirect_vreg.scatter [tilespmem:s23], [sflag:$0x1], $0x80, v3, vm0, $0xb8;
	[tilespmem:$0xC100] =	vst v63  }
0x58: {  	_ = 	snop  }
0x59: {  	[hbm4b:s5+s2] =	stream.indirect_vreg.scatter [tilespmem:s24], [sflag:$0x1], $0x80, v3, vm0, $0xb8;
	[tilespmem:$0xC100] =	vst v63  }
0x5a: {  	v3 =	vld [tilespmem:$0xC030];
	_ =	sdelay $0x4  }
0x5b: {  	v59 =	vshrl.u32 v3, $0x3  }
0x5c: {  	v4 =	vmul.u32 $0x30, v59  }
0x5d: {  	v3 =	vand.u32 $0x7, v3  }
0x5e: {  	v3 =	vor.u32 v3, v4  }
0x5f: {  	v4 =	vperm.xlane v3, v0;
	_ =	sdelay $0x1  }
0x60: {  	v4 =	vadd.s32 v1, v4;
	_ =	sdelay $0x3  }
0x61: {  	v3 =	vperm.xlane v3, v2  }
0x62: {  	[hbm4b:s3+s2] =	stream.indirect_vreg.scatter [tilespmem:s25], [sflag:$0x1], $0x80, v4, vm0, $0xb8;
	[tilespmem:$0xC100] =	vst v63  }
0x63: {  	v3 =	vadd.s32 v1, v3  }
0x64: {  	[hbm4b:s4+s2] =	stream.indirect_vreg.scatter [tilespmem:s26], [sflag:$0x1], $0x80, v4, vm0, $0xb8;
	[tilespmem:$0xC100] =	vst v63  }
0x65: {  	_ = 	snop  }
0x66: {  	[hbm4b:s5+s2] =	stream.indirect_vreg.scatter [tilespmem:s28], [sflag:$0x1], $0x80, v4, vm0, $0xb8;
	[tilespmem:$0xC100] =	vst v63  }
0x67: {  	_ = 	snop  }
0x68: {  	[hbm4b:s3+s2] =	stream.indirect_vreg.scatter [tilespmem:s29], [sflag:$0x1], $0x80, v3, vm0, $0xb8;
	[tilespmem:$0xC100] =	vst v63  }
0x69: {  	_ = 	snop  }
0x6a: {  	[hbm4b:s4+s2] =	stream.indirect_vreg.scatter [tilespmem:s30], [sflag:$0x1], $0x80, v3, vm0, $0xb8;
	[tilespmem:$0xC100] =	vst v63  }
0x6b: {  	_ = 	snop  }
0x6c: {  	[hbm4b:s5+s2] =	stream.indirect_vreg.scatter [tilespmem:s31], [sflag:$0x1], $0x80, v3, vm0, $0xb8;
	[tilespmem:$0xC100] =	vst v63  }
0x6d: {  	_ =	swait.ge [sflag:s1], $0xC000  }
0x6e: {  	[sflag:s1] =	ssyncset.done $0x0  }
0x6f: {  	[sflag:s1] =	ssyncadd.s32 $0xFFFF4000  }
0x70: {  	v3 =	vld [tilespmem:$0xC080];
	_ =	sdelay $0x4  }
0x71: {  	v60 =	vshrl.u32 v3, $0x3  }
0x72: {  	v4 =	vmul.u32 $0x30, v60  }
0x73: {  	v3 =	vand.u32 $0x7, v3  }
0x74: {  	v3 =	vor.u32 v3, v4  }
0x75: {  	v4 =	vperm.xlane v3, v0;
	_ =	sdelay $0x1  }
0x76: {  	v4 =	vadd.s32 v1, v4;
	_ =	sdelay $0x3  }
0x77: {  	v3 =	vperm.xlane v3, v2  }
0x78: {  	[hbm4b:s3+s2] =	stream.indirect_vreg.scatter [tilespmem:s2], [sflag:$0x1], $0x80, v4, vm0, $0xb8;
	[tilespmem:$0xC100] =	vst v63  }
0x79: {  	v3 =	vadd.s32 v1, v3  }
0x7a: {  	[hbm4b:s4+s2] =	stream.indirect_vreg.scatter [tilespmem:s8], [sflag:$0x1], $0x80, v4, vm0, $0xb8;
	[tilespmem:$0xC100] =	vst v63  }
0x7b: {  	_ = 	snop  }
0x7c: {  	[hbm4b:s5+s2] =	stream.indirect_vreg.scatter [tilespmem:s9], [sflag:$0x1], $0x80, v4, vm0, $0xb8;
	[tilespmem:$0xC100] =	vst v63  }
0x7d: {  	_ = 	snop  }
0x7e: {  	[hbm4b:s3+s2] =	stream.indirect_vreg.scatter [tilespmem:s10], [sflag:$0x1], $0x80, v3, vm0, $0xb8;
	[tilespmem:$0xC100] =	vst v63  }
0x7f: {  	_ = 	snop  }
0x80: {  	[hbm4b:s4+s2] =	stream.indirect_vreg.scatter [tilespmem:s11], [sflag:$0x1], $0x80, v3, vm0, $0xb8;
	[tilespmem:$0xC100] =	vst v63  }
0x81: {  	_ = 	snop  }
0x82: {  	[hbm4b:s5+s2] =	stream.indirect_vreg.scatter [tilespmem:s12], [sflag:$0x1], $0x80, v3, vm0, $0xb8;
	[tilespmem:$0xC100] =	vst v63  }
0x83: {  	v3 =	vld [tilespmem:$0xC090];
	_ =	sdelay $0x4  }
0x84: {  	v61 =	vshrl.u32 v3, $0x3  }
0x85: {  	v4 =	vmul.u32 $0x30, v61  }
0x86: {  	v3 =	vand.u32 $0x7, v3  }
0x87: {  	v3 =	vor.u32 v3, v4  }
0x88: {  	v4 =	vperm.xlane v3, v0;
	_ =	sdelay $0x1  }
0x89: {  	v4 =	vadd.s32 v1, v4;
	_ =	sdelay $0x3  }
0x8a: {  	v3 =	vperm.xlane v3, v2  }
0x8b: {  	[hbm4b:s3+s2] =	stream.indirect_vreg.scatter [tilespmem:s13], [sflag:$0x1], $0x80, v4, vm0, $0xb8;
	[tilespmem:$0xC100] =	vst v63  }
0x8c: {  	v3 =	vadd.s32 v1, v3  }
0x8d: {  	[hbm4b:s4+s2] =	stream.indirect_vreg.scatter [tilespmem:s14], [sflag:$0x1], $0x80, v4, vm0, $0xb8;
	[tilespmem:$0xC100] =	vst v63  }
0x8e: {  	_ = 	snop  }
0x8f: {  	[hbm4b:s5+s2] =	stream.indirect_vreg.scatter [tilespmem:s15], [sflag:$0x1], $0x80, v4, vm0, $0xb8;
	[tilespmem:$0xC100] =	vst v63  }
0x90: {  	_ = 	snop  }
0x91: {  	[hbm4b:s3+s2] =	stream.indirect_vreg.scatter [tilespmem:s16], [sflag:$0x1], $0x80, v3, vm0, $0xb8;
	[tilespmem:$0xC100] =	vst v63  }
0x92: {  	_ = 	snop  }
0x93: {  	[hbm4b:s4+s2] =	stream.indirect_vreg.scatter [tilespmem:s17], [sflag:$0x1], $0x80, v3, vm0, $0xb8;
	[tilespmem:$0xC100] =	vst v63  }
0x94: {  	_ = 	snop  }
0x95: {  	[hbm4b:s5+s2] =	stream.indirect_vreg.scatter [tilespmem:s18], [sflag:$0x1], $0x80, v3, vm0, $0xb8;
	[tilespmem:$0xC100] =	vst v63  }
0x96: {  	v3 =	vld [tilespmem:$0xC0A0];
	_ =	sdelay $0x4  }
0x97: {  	v62 =	vshrl.u32 v3, $0x3  }
0x98: {  	v4 =	vmul.u32 $0x30, v62  }
0x99: {  	v3 =	vand.u32 $0x7, v3  }
0x9a: {  	v3 =	vor.u32 v3, v4  }
0x9b: {  	v4 =	vperm.xlane v3, v0;
	_ =	sdelay $0x1  }
0x9c: {  	v4 =	vadd.s32 v1, v4;
	_ =	sdelay $0x3  }
0x9d: {  	v3 =	vperm.xlane v3, v2  }
0x9e: {  	[hbm4b:s3+s2] =	stream.indirect_vreg.scatter [tilespmem:s19], [sflag:$0x1], $0x80, v4, vm0, $0xb8;
	[tilespmem:$0xC100] =	vst v63  }
0x9f: {  	v3 =	vadd.s32 v1, v3  }
0xa0: {  	[hbm4b:s4+s2] =	stream.indirect_vreg.scatter [tilespmem:s20], [sflag:$0x1], $0x80, v4, vm0, $0xb8;
	[tilespmem:$0xC100] =	vst v63  }
0xa1: {  	_ = 	snop  }
0xa2: {  	[hbm4b:s5+s2] =	stream.indirect_vreg.scatter [tilespmem:s21], [sflag:$0x1], $0x80, v4, vm0, $0xb8;
	[tilespmem:$0xC100] =	vst v63  }
0xa3: {  	_ = 	snop  }
0xa4: {  	[hbm4b:s3+s2] =	stream.indirect_vreg.scatter [tilespmem:s22], [sflag:$0x1], $0x80, v3, vm0, $0xb8;
	[tilespmem:$0xC100] =	vst v63  }
0xa5: {  	_ = 	snop  }
0xa6: {  	[hbm4b:s4+s2] =	stream.indirect_vreg.scatter [tilespmem:s23], [sflag:$0x1], $0x80, v3, vm0, $0xb8;
	[tilespmem:$0xC100] =	vst v63  }
0xa7: {  	_ = 	snop  }
0xa8: {  	[hbm4b:s5+s2] =	stream.indirect_vreg.scatter [tilespmem:s24], [sflag:$0x1], $0x80, v3, vm0, $0xb8;
	[tilespmem:$0xC100] =	vst v63  }
0xa9: {  	v3 =	vld [tilespmem:$0xC0B0];
	_ =	sdelay $0x4  }
0xaa: {  	v63 =	vshrl.u32 v3, $0x3  }
0xab: {  	v4 =	vmul.u32 $0x30, v63  }
0xac: {  	v3 =	vand.u32 $0x7, v3  }
0xad: {  	v3 =	vor.u32 v3, v4  }
0xae: {  	v4 =	vperm.xlane v3, v0;
	_ =	sdelay $0x1  }
0xaf: {  	v4 =	vadd.s32 v1, v4;
	_ =	sdelay $0x3  }
0xb0: {  	v3 =	vperm.xlane v3, v2  }
0xb1: {  	[hbm4b:s3+s2] =	stream.indirect_vreg.scatter [tilespmem:s25], [sflag:$0x1], $0x80, v4, vm0, $0xb8;
	[tilespmem:$0xC100] =	vst v63  }
0xb2: {  	v3 =	vadd.s32 v1, v3  }
0xb3: {  	[hbm4b:s4+s2] =	stream.indirect_vreg.scatter [tilespmem:s26], [sflag:$0x1], $0x80, v4, vm0, $0xb8;
	[tilespmem:$0xC100] =	vst v63  }
0xb4: {  	_ = 	snop  }
0xb5: {  	[hbm4b:s5+s2] =	stream.indirect_vreg.scatter [tilespmem:s28], [sflag:$0x1], $0x80, v4, vm0, $0xb8;
	[tilespmem:$0xC100] =	vst v63  }
0xb6: {  	_ = 	snop  }
0xb7: {  	[hbm4b:s3+s2] =	stream.indirect_vreg.scatter [tilespmem:s29], [sflag:$0x1], $0x80, v3, vm0, $0xb8;
	[tilespmem:$0xC100] =	vst v63  }
0xb8: {  	p0 =	sne.s32 s6, $0x1  }
0xb9: {  	[hbm4b:s4+s2] =	stream.indirect_vreg.scatter [tilespmem:s30], [sflag:$0x1], $0x80, v3, vm0, $0xb8;
	[tilespmem:$0xC100] =	vst v63  }
.Ltmp0:
0xba: {  	_ = 	snop;
	(pc) =	sbr.rel @p0 .LBB2_1-.Ltmp0, $4  }
0xbb: {  	[hbm4b:s5+s2] =	stream.indirect_vreg.scatter [tilespmem:s31], [sflag:$0x1], $0x80, v3, vm0, $0xb8;
	[tilespmem:$0xC100] =	vst v63  }
0xbc: {  	_ =	swait.ge [sflag:s1], $0xC000  }
0xbd: {  	[sflag:s1] =	ssyncset.done $0x0  }
0xbe: {  	s6 =	sadd.s32 $0xFFFFFFFF, s6;
	[sflag:s1] =	ssyncadd.s32 $0xFFFF4000  }
0xbf: {  	_ =	sfence.sel $0x180000  }
0xc0: {  	[bflag:$0x0] =	sbarrier.arrive $0xFFFF  }
0xc1: {  	_ =	strace $0x90000047  }
0xc2: {  	s0 =	stileid.u32;
	[bflag:$0x2] =	sbarrier.arrive $0xFFFF  }
0xc3: {  	p0 =	sne.s32 s0, $0x0;
	s0 =	rddreg [dreg:$0x2]  }
0xc4: {  	s0 =	sadd.s32 @!p0 $0x100000, s0  }
0xc5: {  	[sflag:s0] =	ssyncadd.tile.s32 @!p0 $0x1;
	_ =	shalt  }
.Lfunc_end2:
_tile_overlayer_lowered:
.L_overlay_start_2:
0xc6: {  	(tag) =	ssettag $0x2  }
0xc7: {  	s0 =	rddreg [dreg:$0x0];
	s2 =	stileid.u32  }
0xc8: {  	s1 =	rddreg [dreg:$0x1];
	p0 =	sne.s32 s2, $0x0  }
0xc9: {  	s3 =	rddreg [dreg:$0x2];
	[bflag:$0x3] =	sbarrier.arrive $0xFFFF;
	s2 =	simm.s32 @!p0 $0x1C02  }
0xca: {  	[timem:s3], [sflag:s2] =	dma.local @!p0 [hbm:s0], s1  }
0xcb: {  	s0 =	simm.s32 @!p0 $0x2  }
0xcc: {  	_ =	swait.ge @!p0 [sflag:s0], s1  }
0xcd: {  	s1 =	ssub.s32 @!p0 $0x0, s1;
	[sflag:s0] =	ssyncset.done @!p0 $0x0  }
0xce: {  	[sflag:s0] =	ssyncadd.s32 @!p0 s1  }
0xcf: {  	[bflag:$0x3] =	sbarrier.arrive $0xFFFF  }
0xd0: {  	_ =	shalt  }

// kernel: kernel.9.cloned.1.call-start
scs
__scs_entry_jumppad:
0x0: {  	(pc) =	sbr.rel $0x88, $3  }
0x1: {  	(tag) =	ssettag $0x0;
	lr =	simm.s32 $0x1  }
0x2: {  	[smem:$0x3F97] =	sst lr;
	_ =	strace $0xD0000000  }
0x3: {  	_ = 	snop  }
0x4: {  	_ = 	snop  }
0x5: {  	_ = 	snop  }
0x6: {  	_ = 	snop  }
0x7: {  	_ = 	snop  }
__scs_overlays_trampoline_lowered:
0x8: {  	[smem:$0x3FA6] =	sst s0  }
0x9: {  	[smem:$0x3FA7] =	sst s1  }
0xa: {  	[smem:$0x3FA8] =	sst s2  }
0xb: {  	[smem:$0x3FA9] =	sst s3  }
0xc: {  	[smem:$0x3FAA] =	sst s4  }
0xd: {  	[smem:$0x3FAB] =	sst s5  }
0xe: {  	[smem:$0x3FAC] =	sst s6  }
0xf: {  	[smem:$0x3FAD] =	sst s7  }
0x10: {  	[smem:$0x3FAE] =	sst s8  }
0x11: {  	[smem:$0x3FAF] =	sst s9;
	s0 =	simm.s32 @!p0 $0x0  }
0x12: {  	s1 =	sld [smem:$0x3F95];
	s0 =	simm.s32 @p0 $0x1  }
0x13: {  	[smem:$0x3FB0] =	sst s0;
	s0 =	simm.s32 @!p1 $0x0  }
0x14: {  	s2 =	sld [smem:$0x3F94];
	s0 =	simm.s32 @p1 $0x1  }
0x15: {  	[smem:$0x3FB1] =	sst s0;
	s0 =	simm.s32 @!p2 $0x0  }
0x16: {  	s3 =	sld [smem:$0x3FDB];
	s0 =	simm.s32 @p2 $0x1  }
0x17: {  	s4 =	simm.s32 $0x1BF5;
	[smem:$0x3FB3] =	sst s0  }
0x18: {  	s0 =	sld [smem:$0x3F96];
	_ =	swait.ge [sflag:s4], $0x0  }
0x19: {  	s7 =	sld [smem:$0x3F97]  }
0x1a: {  	s8 =	sadd.s32 $0xFFFFE003, lr  }
0x1b: {  	s9 =	sadd.s32 $0xFFFFFEF7, lr;
	s5 =	simm.s32 $0xFFFFFFFF;
	p2 =	slt.u32 s8, $0xFFFFF086  }
0x1c: {  	p1 =	slt.u32 s9, $0xF7A;
	s5 =	simm.s32 @!p2 $0x0  }
0x1d: {  	s5 =	simm.s32 @p1 $0x1;
	p0 =	seq.s32 s7, s2  }
0x1e: {  	s7 =	smul.u32 @!p0 $0xF7A, s2;
	p2 =	seq.s32 @!p0 s5, $0x0  }
0x1f: {  	s9 =	smul.u32 $0xF7A, s1;
	s8 =	simm.s32 @!p0 $0x1BF5;
	p2 =	por !p2, p0  }
0x20: {  	[sflag:s8] =	ssyncset.s32 @!p0 $0xFFFFF086;
	s6 =	sadd.s32 @!p0 s3, s7;
	s7 =	simm.s32 @!p0 $0x108  }
0x21: {  	s3 =	sadd.s32 s3, s9;
	s6 =	sadd.s32 @!p0 $0x88, s6;
	s7 =	simm.s32 @p2 $0x1082  }
0x22: {  	[simem:s7], [sflag:s8] =	dma.local @!p0 [hbm:s6], $0xF7A  }
0x23: {  	s9 =	sor.u32 $0xD0000000, s2;
	s6 =	simm.s32 $0x108;
	_ =	swait.ge @!p0 [sflag:s8], $0x0  }
0x24: {  	s3 =	sadd.s32 $0x88, s3;
	s6 =	simm.s32 @!p1 $0x1082;
	[sflag:s4] =	ssyncset.s32 $0xFFFFF086  }
0x25: {  	[simem:s6], [sflag:s4] =	dma.local [hbm:s3], $0xF7A  }
0x26: {  	[smem:$0x3F97] =	sst s1;
	(tag) =	ssettag s2;
	_ =	strace s9  }
0x27: {  	s1 =	sld [smem:$0x3FA7]  }
0x28: {  	s2 =	sld [smem:$0x3FA8]  }
0x29: {  	s4 =	sld [smem:$0x3FAA]  }
0x2a: {  	p0 =	seq.s32 s5, $0x0;
	s5 =	sld [smem:$0x3FAB]  }
0x2b: {  	s6 =	sld [smem:$0x3FAC]  }
0x2c: {  	s7 =	sld [smem:$0x3FAD]  }
0x2d: {  	s3 =	simm.s32 $0x108;
	s8 =	sld [smem:$0x3FAE]  }
0x2e: {  	s3 =	simm.s32 @!p0 $0x1082;
	s9 =	sld [smem:$0x3FAF]  }
0x2f: {  	lr =	sadd.s32 s0, s3;
	s0 =	sld [smem:$0x3FA6]  }
0x30: {  	s3 =	sld [smem:$0x3FA9]  }
0x31: {  	[smem:$0x3FB2] =	sst s10  }
0x32: {  	s10 =	sld [smem:$0x3FB0];
	_ =	sdelay $0x3  }
0x33: {  	p0 =	seq.s32 s10, $0x1;
	s10 =	sld [smem:$0x3FB2];
	_ =	sdelay $0x3  }
0x34: {  	[smem:$0x3FB2] =	sst s10  }
0x35: {  	s10 =	sld [smem:$0x3FB1];
	_ =	sdelay $0x3  }
0x36: {  	p1 =	seq.s32 s10, $0x1;
	s10 =	sld [smem:$0x3FB2];
	_ =	sdelay $0x3  }
0x37: {  	[smem:$0x3FB2] =	sst s10  }
0x38: {  	s10 =	sld [smem:$0x3FB3]  }
0x39: {  	_ = 	snop;
	(pc) =	sbr.ind lr, $3  }
0x3a: {  	_ = 	snop  }
0x3b: {  	_ = 	snop  }
0x3c: {  	p2 =	seq.s32 s10, $0x1;
	s10 =	sld [smem:$0x3FB2]  }
0x3d: {  	_ =	shalt  }
0x3e: {  	_ =	shalt  }
0x3f: {  	_ =	shalt  }
0x40: {  	_ =	shalt  }
0x41: {  	_ =	shalt  }
0x42: {  	_ =	shalt  }
0x43: {  	_ =	shalt  }
0x44: {  	_ =	shalt  }
0x45: {  	_ =	shalt  }
0x46: {  	_ =	shalt  }
0x47: {  	_ =	shalt  }
0x48: {  	_ =	shalt  }
0x49: {  	_ =	shalt  }
0x4a: {  	_ =	shalt  }
0x4b: {  	_ =	shalt  }
0x4c: {  	_ =	shalt  }
0x4d: {  	_ =	shalt  }
0x4e: {  	_ =	shalt  }
0x4f: {  	_ =	shalt  }
0x50: {  	_ =	shalt  }
0x51: {  	_ =	shalt  }
0x52: {  	_ =	shalt  }
0x53: {  	_ =	shalt  }
0x54: {  	_ =	shalt  }
0x55: {  	_ =	shalt  }
0x56: {  	_ =	shalt  }
0x57: {  	_ =	shalt  }
0x58: {  	_ =	shalt  }
0x59: {  	_ =	shalt  }
0x5a: {  	_ =	shalt  }
0x5b: {  	_ =	shalt  }
0x5c: {  	_ =	shalt  }
0x5d: {  	_ =	shalt  }
0x5e: {  	_ =	shalt  }
0x5f: {  	_ =	shalt  }
0x60: {  	_ =	shalt  }
0x61: {  	_ =	shalt  }
0x62: {  	_ =	shalt  }
0x63: {  	_ =	shalt  }
0x64: {  	_ =	shalt  }
0x65: {  	_ =	shalt  }
0x66: {  	_ =	shalt  }
0x67: {  	_ =	shalt  }
0x68: {  	_ =	shalt  }
0x69: {  	_ =	shalt  }
0x6a: {  	_ =	shalt  }
0x6b: {  	_ =	shalt  }
0x6c: {  	_ =	shalt  }
0x6d: {  	_ =	shalt  }
0x6e: {  	_ =	shalt  }
0x6f: {  	_ =	shalt  }
0x70: {  	_ =	shalt  }
0x71: {  	_ =	shalt  }
0x72: {  	_ =	shalt  }
0x73: {  	_ =	shalt  }
0x74: {  	_ =	shalt  }
0x75: {  	_ =	shalt  }
0x76: {  	_ =	shalt  }
0x77: {  	_ =	shalt  }
0x78: {  	_ =	shalt  }
0x79: {  	_ =	shalt  }
0x7a: {  	_ =	shalt  }
0x7b: {  	_ =	shalt  }
0x7c: {  	_ =	shalt  }
0x7d: {  	_ =	shalt  }
0x7e: {  	_ =	shalt  }
0x7f: {  	_ =	shalt  }
0x80: {  	_ =	shalt  }
0x81: {  	_ =	shalt  }
0x82: {  	_ =	shalt  }
0x83: {  	_ =	shalt  }
0x84: {  	_ =	shalt  }
0x85: {  	_ =	shalt  }
0x86: {  	_ =	shalt  }
0x87: {  	_ =	shalt  }
.Lfunc_end0:
.L_simem_size_0:
called_computation.1_lowered:
.L_overlay_start_0:
0x88: {  	s2 =	sld [smem:$0x3FD9]  }
0x89: {  	s3 =	sld [smem:$0x3FFE];
	_ =	sdelay $0x1  }
0x8a: {  	s1 =	srdreg.scid  }
0x8b: {  	s0 =	sand.u32 $0x1, s1  }
0x8c: {  	s14 =	sshll.u32 s0, $0xA;
	s2 =	sadd.s32 s3, s2  }
0x8d: {  	s2 =	sadd.s32 s2, s14  }
0x8e: {  	[smem:$0x3FBE] =	sst s2  }
0x8f: {  	_ = 	snop  }
0x90: {  	s2 =	sld [smem:$0x3FD0];
	_ =	sdelay $0x2  }
0x91: {  	s15 =	simm.s32 $0xA;
	s4 =	simm.s32 $0x10  }
0x92: {  	[smem:s4], [sflag:s15] =	dma.local [hbm:s2], $0x1  }
0x93: {  	_ =	swait.eq [sflag:s15], $0x1  }
0x94: {  	[sflag:s15] =	ssyncset.done $0x0  }
0x95: {  	[sflag:s15] =	ssyncadd.s32 $0xFFFFFFFF  }
0x96: {  	s16 =	sld [smem:$0x10];
	(tm) =	ssettm $0x1  }
0x97: {  	s17 =	sld [smem:$0x3FFB];
	_ =	sdelay $0x3  }
0x98: {  	_ =	strace s17  }
0x99: {  	s3 =	sld [smem:$0x3FFC];
	_ =	sdelay $0x3  }
0x9a: {  	_ =	strace s3  }
0x9b: {  	s3 =	sld [smem:$0x3FFD];
	_ =	sdelay $0x3  }
0x9c: {  	_ =	strace s3  }
0x9d: {  	_ =	strace $0x8FFFFFFF  }
0x9e: {  	s18 =	sld [smem:$0x3FDB];
	_ =	sdelay $0x1  }
0x9f: {  	s19 =	simm.s32 $_scs_section_size  }
0xa0: {  	s5 =	simm.s32 $_size__tile_overlayer_lowered;
	s6 =	simm.s32 $_tile_overlayer_lowered  }
0xa1: {  	s22 =	simm.s32 $0x1BFF;
	s21 =	sshll.u32 s6, $0x1;
	s3 =	sadd.s32 s19, s18  }
0xa2: {  	s7 =	simm.s32 $0x0;
	s20 =	sshll.u32 s5, $0x1;
	s5 =	sadd.s32 s21, s3  }
0xa3: {  	[timem:s7], [sflag:s22] =	dma.local [hbm:s5], s20  }
0xa4: {  	_ =	swait.ge [sflag:s22], s20  }
0xa5: {  	s4 =	ssub.s32 $0x0, s20;
	[sflag:s22] =	ssyncset.done $0x0  }
0xa6: {  	[sflag:s22] =	ssyncadd.s32 s4;
	_ =	sdelay $0x1  }
0xa7: {  	s23 =	simm.s32 $0x1B8B  }
0xa8: {  	_ =	swait.ge [sflag:s23], $0x1  }
0xa9: {  	[sflag:s23] =	ssyncset.done $0x0  }
0xaa: {  	s25 =	simm.s32 $0x1B8E;
	s24 =	sld [smem:$0x3FFE];
	[sflag:s23] =	ssyncadd.s32 $0xFFFFFFFF  }
0xab: {  	s26 =	simm.s32 $execute0_lowered;
	[smem:$0x3FD2] =	sst s25  }
0xac: {  	s5 =	sshll.u32 s26, $0x1;
	_ =	strace $0x80000049;
	[dreg:$0x1] =	wrdreg $0xFFFFFFFF  }
0xad: {  	s28 =	simm.s32 $_size_execute0_lowered;
	s3 =	sadd.s32 s3, s5;
	[dreg:$0x0] =	wrdreg $0x0  }
0xae: {  	s5 =	sshll.u32 s28, $0x1;
	[dreg:$0x2] =	wrdreg s3  }
0xaf: {  	[dreg:$0x3] =	wrdreg s5  }
0xb0: {  	[dreg:$0x4] =	wrdreg $0xC0  }
0xb1: {  	_ =	task [dreg:s7], $0x5FFFF  }
0xb2: {  	[dreg:$0x1] =	wrdreg $0xFFFFFFFF  }
0xb3: {  	[dreg:$0x0] =	wrdreg $0x60  }
0xb4: {  	[dreg:$0x2] =	wrdreg s24  }
0xb5: {  	[dreg:$0x3] =	wrdreg s16  }
0xb6: {  	[dreg:$0x4] =	wrdreg $0x9  }
0xb7: {  	_ =	task.clear_ibuf [dreg:s7], $0x5FFFF;
	_ =	strace $0x90000049  }
0xb8: {  	s29 =	simm.s32 $0x9;
	_ =	strace $0x8000004B  }
0xb9: {  	_ =	swait.ge [sflag:s29], $0x1  }
0xba: {  	[sflag:s29] =	ssyncadd.s32 $0xFFFFFFFF  }
0xbb: {  	_ =	strace $0x9000004B  }
0xbc: {  	_ =	sfence  }
0xbd: {  	s30 =	sld [smem:$0x0];
	_ =	sdelay $0x2  }
0xbe: {  	s31 =	sshll.u32 s1, $0xD;
	s1 =	sshrl.u32 s1, $0x2  }
0xbf: {  	s3 =	sand.u32 $0x4000, s31;
	s1 =	sadd.s32 s1, s30  }
0xc0: {  	s0 =	sor.u32 s3, s0;
	s1 =	sshll.u32 s1, $0x11  }
0xc1: {  	s0 =	sor.u32 s1, s0  }
0xc2: {  	s0 =	sadd.s32 $0x8F2B, s0  }
0xc3: {  	[sflag:s0] =	ssyncadd.remote.s32 $0x1  }
0xc4: {  	_ =	sfence.sel $0xFFFF  }
0xc5: {  	[dreg:$0x0] =	wrdreg $0xFFFFFFFF;
	(pc) =	sbr.abs _section_cstart, $3  }
0xc6: {  	[dreg:$0x1] =	wrdreg $0xFFFFFFFF  }
0xc7: {  	_ =	task.clear_ibuf [dreg:s7], $0x2FFFF;
	_ =	strace $0x9FFFFFFF  }
0xc8: {  	(tm) =	ssettm $0x7FFFFFFF  }
0xc9: {  	_ =	shalt  }
tec
execute0_lowered:
.L_overlay_start_1:
0x0: {  	(tag) =	ssettag $0x1  }
0x1: {  	s0 =	rddreg [dreg:$0x0]  }
0x2: {  	s1 =	rddreg [dreg:$0x1]  }
0x3: {  	s3 =	srdreg.scid;
	s2 =	simm.s32 $0x0;
	s4 =	stileid.u32  }
0x4: {  	s12 =	simm.s32 $0x18100;
	s13 =	simm.s32 $0x2;
	s18 =	simm.s32 $0x18000  }
0x5: {  	s19 =	simm.s32 $0x18080;
	s20 =	simm.s32 $0x1;
	s16 =	simm.s32 $0x13000  }
0x6: {  	s17 =	simm.s32 $0x13800;
	s21 =	simm.s32 $0x14000;
	s22 =	simm.s32 $0x14800  }
0x7: {  	s23 =	simm.s32 $0x15000;
	s24 =	simm.s32 $0x15800;
	s25 =	simm.s32 $0x16000  }
0x8: {  	s26 =	simm.s32 $0x16800;
	s28 =	simm.s32 $0x17000;
	s29 =	simm.s32 $0x17800  }
0x9: {  	s30 =	simm.s32 $0x0;
	s3 =	sand.u32 $0x1, s3;
	[smem:$0x7FF] =	sst s2  }
0xa: {  	s4 =	sshll.u32 s4, $0x4;
	s5 =	sshll.u32 s3, $0x3;
	s31 =	ssub.s32 $0x2, s3  }
0xb: {  	_ =	strace $0x8000004A;
	s5 =	sor.u32 s5, s4;
	s6 =	sshrl.u32 s31, $0x1  }
0xc: {  	s3 =	sadd.s32 $0x98A00, s0;
	s9 =	sadd.s32 s5, s0;
	s11 =	ssub.s32 s31, s6  }
0xd: {  	v2 =	vlaneseq.u32;
	s10 =	smul.u32 $0x300, s5;
	s5 =	sadd.s32 $0x98B00, s0;
	s6 =	sadd.s32 $0x98C00, s0  }
0xe: {  	vm0 =	vmmov $0xffff;
	v1 =	vshrl.u32 v2, $0x3;
	s4 =	sadd.s32 $0x8000, s9;
	s7 =	sadd.s32 $0x98600, s9;
	s8 =	sadd.s32 $0x98800, s9  }
0xf: {  	v0 =	vand.u32 $0x7, v2;
	v2 =	vor.u32 $0x8, v2;
	v1 =	vmul.u32 $0x8, v1;
	s9 =	sadd.s32 $0x8200, s9;
	s11 =	smax.u32 s11, $0x1;
	s10 =	sadd.s32 s1, s10  }
.LBB2_1:
0x10: {  	[tilespmem:s12], [sflag:$0x2] =	stream.linear.gather [hbm4b:s4+s2], $0x40, $0x38;
	[tilespmem:$0x18180] =	vst v63  }
0x11: {  	_ =	swait.ge [sflag:s13], $0x40  }
0x12: {  	[sflag:s13] =	ssyncset.done $0x0  }
0x13: {  	[sflag:s13] =	ssyncadd.s32 $0xFFFFFFC0  }
0x14: {  	v3 =	vld [tilespmem:$0x18100];
	_ =	sdelay $0x4  }
0x15: {  	v4 =	vshrl.u32 v3, $0x3  }
0x16: {  	v4 =	vmul.u32 $0x30, v4  }
0x17: {  	v3 =	vand.u32 $0x7, v3  }
0x18: {  	v3 =	vor.u32 v3, v4  }
0x19: {  	v4 =	vperm.xlane v3, v0;
	_ =	sdelay $0x1  }
0x1a: {  	v4 =	vadd.s32 v1, v4;
	_ =	sdelay $0x3  }
0x1b: {  	v3 =	vperm.xlane v3, v2  }
0x1c: {  	[tilespmem:s2], [sflag:$0x1] =	stream.indirect_vreg.gather [hbm4b:s3+s2], $0x80, v4, vm0, $0xb8;
	[tilespmem:$0x18180] =	vst v63  }
0x1d: {  	s0 =	simm.s32 $0x800;
	v3 =	vadd.s32 v1, v3  }
0x1e: {  	[tilespmem:s0], [sflag:$0x1] =	stream.indirect_vreg.gather [hbm4b:s5+s2], $0x80, v4, vm0, $0xb8;
	[tilespmem:$0x18180] =	vst v63  }
0x1f: {  	s15 =	simm.s32 $0x1000  }
0x20: {  	[tilespmem:s15], [sflag:$0x1] =	stream.indirect_vreg.gather [hbm4b:s6+s2], $0x80, v4, vm0, $0xb8;
	[tilespmem:$0x18180] =	vst v63  }
0x21: {  	s1 =	simm.s32 $0x1800  }
0x22: {  	[tilespmem:s1], [sflag:$0x1] =	stream.indirect_vreg.gather [hbm4b:s3+s2], $0x80, v3, vm0, $0xb8;
	[tilespmem:$0x18180] =	vst v63  }
0x23: {  	s14 =	simm.s32 $0x2000  }
0x24: {  	[tilespmem:s14], [sflag:$0x1] =	stream.indirect_vreg.gather [hbm4b:s5+s2], $0x80, v3, vm0, $0xb8;
	[tilespmem:$0x18180] =	vst v63  }
0x25: {  	s15 =	simm.s32 $0x2800  }
0x26: {  	[tilespmem:s15], [sflag:$0x1] =	stream.indirect_vreg.gather [hbm4b:s6+s2], $0x80, v3, vm0, $0xb8;
	[tilespmem:$0x18180] =	vst v63  }
0x27: {  	v3 =	vld [tilespmem:$0x18110];
	_ =	sdelay $0x4  }
0x28: {  	v4 =	vshrl.u32 v3, $0x3  }
0x29: {  	v4 =	vmul.u32 $0x30, v4  }
0x2a: {  	v3 =	vand.u32 $0x7, v3  }
0x2b: {  	v3 =	vor.u32 v3, v4  }
0x2c: {  	v4 =	vperm.xlane v3, v0;
	_ =	sdelay $0x1  }
0x2d: {  	v4 =	vadd.s32 v1, v4;
	_ =	sdelay $0x3  }
0x2e: {  	s1 =	simm.s32 $0x3000;
	v3 =	vperm.xlane v3, v2  }
0x2f: {  	[tilespmem:s1], [sflag:$0x1] =	stream.indirect_vreg.gather [hbm4b:s3+s2], $0x80, v4, vm0, $0xb8;
	[tilespmem:$0x18180] =	vst v63  }
0x30: {  	s14 =	simm.s32 $0x3800;
	v3 =	vadd.s32 v1, v3  }
0x31: {  	[tilespmem:s14], [sflag:$0x1] =	stream.indirect_vreg.gather [hbm4b:s5+s2], $0x80, v4, vm0, $0xb8;
	[tilespmem:$0x18180] =	vst v63  }
0x32: {  	s15 =	simm.s32 $0x4000  }
0x33: {  	[tilespmem:s15], [sflag:$0x1] =	stream.indirect_vreg.gather [hbm4b:s6+s2], $0x80, v4, vm0, $0xb8;
	[tilespmem:$0x18180] =	vst v63  }
0x34: {  	s1 =	simm.s32 $0x4800  }
0x35: {  	[tilespmem:s1], [sflag:$0x1] =	stream.indirect_vreg.gather [hbm4b:s3+s2], $0x80, v3, vm0, $0xb8;
	[tilespmem:$0x18180] =	vst v63  }
0x36: {  	s14 =	simm.s32 $0x5000  }
0x37: {  	[tilespmem:s14], [sflag:$0x1] =	stream.indirect_vreg.gather [hbm4b:s5+s2], $0x80, v3, vm0, $0xb8;
	[tilespmem:$0x18180] =	vst v63  }
0x38: {  	s15 =	simm.s32 $0x5800  }
0x39: {  	[tilespmem:s15], [sflag:$0x1] =	stream.indirect_vreg.gather [hbm4b:s6+s2], $0x80, v3, vm0, $0xb8;
	[tilespmem:$0x18180] =	vst v63  }
0x3a: {  	v3 =	vld [tilespmem:$0x18120];
	_ =	sdelay $0x4  }
0x3b: {  	v4 =	vshrl.u32 v3, $0x3  }
0x3c: {  	v4 =	vmul.u32 $0x30, v4  }
0x3d: {  	v3 =	vand.u32 $0x7, v3  }
0x3e: {  	v3 =	vor.u32 v3, v4  }
0x3f: {  	v4 =	vperm.xlane v3, v0;
	_ =	sdelay $0x1  }
0x40: {  	v4 =	vadd.s32 v1, v4;
	_ =	sdelay $0x3  }
0x41: {  	s1 =	simm.s32 $0x6000;
	v3 =	vperm.xlane v3, v2  }
0x42: {  	[tilespmem:s1], [sflag:$0x1] =	stream.indirect_vreg.gather [hbm4b:s3+s2], $0x80, v4, vm0, $0xb8;
	[tilespmem:$0x18180] =	vst v63  }
0x43: {  	s14 =	simm.s32 $0x6800;
	v3 =	vadd.s32 v1, v3  }
0x44: {  	[tilespmem:s14], [sflag:$0x1] =	stream.indirect_vreg.gather [hbm4b:s5+s2], $0x80, v4, vm0, $0xb8;
	[tilespmem:$0x18180] =	vst v63  }
0x45: {  	s15 =	simm.s32 $0x7000  }
0x46: {  	[tilespmem:s15], [sflag:$0x1] =	stream.indirect_vreg.gather [hbm4b:s6+s2], $0x80, v4, vm0, $0xb8;
	[tilespmem:$0x18180] =	vst v63  }
0x47: {  	s1 =	simm.s32 $0x7800  }
0x48: {  	[tilespmem:s1], [sflag:$0x1] =	stream.indirect_vreg.gather [hbm4b:s3+s2], $0x80, v3, vm0, $0xb8;
	[tilespmem:$0x18180] =	vst v63  }
0x49: {  	s14 =	simm.s32 $0x8000  }
0x4a: {  	[tilespmem:s14], [sflag:$0x1] =	stream.indirect_vreg.gather [hbm4b:s5+s2], $0x80, v3, vm0, $0xb8;
	[tilespmem:$0x18180] =	vst v63  }
0x4b: {  	s15 =	simm.s32 $0x8800  }
0x4c: {  	[tilespmem:s15], [sflag:$0x1] =	stream.indirect_vreg.gather [hbm4b:s6+s2], $0x80, v3, vm0, $0xb8;
	[tilespmem:$0x18180] =	vst v63  }
0x4d: {  	v3 =	vld [tilespmem:$0x18130];
	_ =	sdelay $0x4  }
0x4e: {  	v4 =	vshrl.u32 v3, $0x3  }
0x4f: {  	v4 =	vmul.u32 $0x30, v4  }
0x50: {  	v3 =	vand.u32 $0x7, v3  }
0x51: {  	v3 =	vor.u32 v3, v4  }
0x52: {  	v4 =	vperm.xlane v3, v0;
	_ =	sdelay $0x1  }
0x53: {  	v4 =	vadd.s32 v1, v4;
	_ =	sdelay $0x3  }
0x54: {  	s1 =	simm.s32 $0x9000;
	v3 =	vperm.xlane v3, v2  }
0x55: {  	[tilespmem:s1], [sflag:$0x1] =	stream.indirect_vreg.gather [hbm4b:s3+s2], $0x80, v4, vm0, $0xb8;
	[tilespmem:$0x18180] =	vst v63  }
0x56: {  	s14 =	simm.s32 $0x9800;
	v3 =	vadd.s32 v1, v3  }
0x57: {  	[tilespmem:s14], [sflag:$0x1] =	stream.indirect_vreg.gather [hbm4b:s5+s2], $0x80, v4, vm0, $0xb8;
	[tilespmem:$0x18180] =	vst v63  }
0x58: {  	s15 =	simm.s32 $0xA000  }
0x59: {  	[tilespmem:s15], [sflag:$0x1] =	stream.indirect_vreg.gather [hbm4b:s6+s2], $0x80, v4, vm0, $0xb8;
	[tilespmem:$0x18180] =	vst v63  }
0x5a: {  	s1 =	simm.s32 $0xA800  }
0x5b: {  	[tilespmem:s1], [sflag:$0x1] =	stream.indirect_vreg.gather [hbm4b:s3+s2], $0x80, v3, vm0, $0xb8;
	[tilespmem:$0x18180] =	vst v63  }
0x5c: {  	s14 =	simm.s32 $0xB000  }
0x5d: {  	[tilespmem:s14], [sflag:$0x1] =	stream.indirect_vreg.gather [hbm4b:s5+s2], $0x80, v3, vm0, $0xb8;
	[tilespmem:$0x18180] =	vst v63  }
0x5e: {  	s15 =	simm.s32 $0xB800  }
0x5f: {  	[tilespmem:s15], [sflag:$0x1] =	stream.indirect_vreg.gather [hbm4b:s6+s2], $0x80, v3, vm0, $0xb8;
	[tilespmem:$0x18180] =	vst v63  }
0x60: {  	_ = 	snop  }
0x61: {  	[tilespmem:s18], [sflag:$0x2] =	stream.linear.gather [hbm4b:s7+s2], $0x40, $0x38;
	[tilespmem:$0x18180] =	vst v63  }
0x62: {  	_ =	swait.ge [sflag:s13], $0x40  }
0x63: {  	[sflag:s13] =	ssyncset.done $0x0  }
0x64: {  	[sflag:s13] =	ssyncadd.s32 $0xFFFFFFC0  }
0x65: {  	[tilespmem:s19], [sflag:$0x2] =	stream.linear.gather [hbm4b:s8+s2], $0x40, $0x38;
	[tilespmem:$0x18180] =	vst v63  }
0x66: {  	_ =	swait.ge [sflag:s13], $0x40  }
0x67: {  	[sflag:s13] =	ssyncset.done $0x0  }
0x68: {  	[sflag:s13] =	ssyncadd.s32 $0xFFFFFFC0  }
0x69: {  	_ =	swait.ge [sflag:s20], $0xC000  }
0x6a: {  	[sflag:s20] =	ssyncset.done $0x0  }
0x6b: {  	[sflag:s20] =	ssyncadd.s32 $0xFFFF4000  }
0x6c: {  	[tilespmem:s12], [sflag:$0x2] =	stream.linear.gather [hbm4b:s9+s2], $0x40, $0x38;
	[tilespmem:$0x18180] =	vst v63  }
0x6d: {  	_ =	swait.ge [sflag:s13], $0x40  }
0x6e: {  	[sflag:s13] =	ssyncset.done $0x0  }
0x6f: {  	[sflag:s13] =	ssyncadd.s32 $0xFFFFFFC0  }
0x70: {  	v3 =	vld [tilespmem:$0x18100];
	_ =	sdelay $0x4  }
0x71: {  	v4 =	vshrl.u32 v3, $0x3  }
0x72: {  	v4 =	vmul.u32 $0x30, v4  }
0x73: {  	v3 =	vand.u32 $0x7, v3  }
0x74: {  	v3 =	vor.u32 v3, v4  }
0x75: {  	v4 =	vperm.xlane v3, v0;
	_ =	sdelay $0x1  }
0x76: {  	v4 =	vadd.s32 v1, v4;
	_ =	sdelay $0x3  }
0x77: {  	s1 =	simm.s32 $0xC000;
	v3 =	vperm.xlane v3, v2  }
0x78: {  	[tilespmem:s1], [sflag:$0x1] =	stream.indirect_vreg.gather [hbm4b:s3+s2], $0x80, v4, vm0, $0xb8;
	[tilespmem:$0x18180] =	vst v63  }
0x79: {  	s14 =	simm.s32 $0xC800;
	v3 =	vadd.s32 v1, v3  }
0x7a: {  	[tilespmem:s14], [sflag:$0x1] =	stream.indirect_vreg.gather [hbm4b:s5+s2], $0x80, v4, vm0, $0xb8;
	[tilespmem:$0x18180] =	vst v63  }
0x7b: {  	s15 =	simm.s32 $0xD000  }
0x7c: {  	[tilespmem:s15], [sflag:$0x1] =	stream.indirect_vreg.gather [hbm4b:s6+s2], $0x80, v4, vm0, $0xb8;
	[tilespmem:$0x18180] =	vst v63  }
0x7d: {  	s1 =	simm.s32 $0xD800  }
0x7e: {  	[tilespmem:s1], [sflag:$0x1] =	stream.indirect_vreg.gather [hbm4b:s3+s2], $0x80, v3, vm0, $0xb8;
	[tilespmem:$0x18180] =	vst v63  }
0x7f: {  	s14 =	simm.s32 $0xE000  }
0x80: {  	[tilespmem:s14], [sflag:$0x1] =	stream.indirect_vreg.gather [hbm4b:s5+s2], $0x80, v3, vm0, $0xb8;
	[tilespmem:$0x18180] =	vst v63  }
0x81: {  	s15 =	simm.s32 $0xE800  }
0x82: {  	[tilespmem:s15], [sflag:$0x1] =	stream.indirect_vreg.gather [hbm4b:s6+s2], $0x80, v3, vm0, $0xb8;
	[tilespmem:$0x18180] =	vst v63  }
0x83: {  	v3 =	vld [tilespmem:$0x18110];
	_ =	sdelay $0x4  }
0x84: {  	v4 =	vshrl.u32 v3, $0x3  }
0x85: {  	v4 =	vmul.u32 $0x30, v4  }
0x86: {  	v3 =	vand.u32 $0x7, v3  }
0x87: {  	v3 =	vor.u32 v3, v4  }
0x88: {  	v4 =	vperm.xlane v3, v0;
	_ =	sdelay $0x1  }
0x89: {  	v4 =	vadd.s32 v1, v4;
	_ =	sdelay $0x3  }
0x8a: {  	s1 =	simm.s32 $0xF000;
	v3 =	vperm.xlane v3, v2  }
0x8b: {  	[tilespmem:s1], [sflag:$0x1] =	stream.indirect_vreg.gather [hbm4b:s3+s2], $0x80, v4, vm0, $0xb8;
	[tilespmem:$0x18180] =	vst v63  }
0x8c: {  	s14 =	simm.s32 $0xF800;
	v3 =	vadd.s32 v1, v3  }
0x8d: {  	[tilespmem:s14], [sflag:$0x1] =	stream.indirect_vreg.gather [hbm4b:s5+s2], $0x80, v4, vm0, $0xb8;
	[tilespmem:$0x18180] =	vst v63  }
0x8e: {  	s15 =	simm.s32 $0x10000  }
0x8f: {  	[tilespmem:s15], [sflag:$0x1] =	stream.indirect_vreg.gather [hbm4b:s6+s2], $0x80, v4, vm0, $0xb8;
	[tilespmem:$0x18180] =	vst v63  }
0x90: {  	s1 =	simm.s32 $0x10800  }
0x91: {  	[tilespmem:s1], [sflag:$0x1] =	stream.indirect_vreg.gather [hbm4b:s3+s2], $0x80, v3, vm0, $0xb8;
	[tilespmem:$0x18180] =	vst v63  }
0x92: {  	s14 =	simm.s32 $0x11000  }
0x93: {  	[tilespmem:s14], [sflag:$0x1] =	stream.indirect_vreg.gather [hbm4b:s5+s2], $0x80, v3, vm0, $0xb8;
	[tilespmem:$0x18180] =	vst v63  }
0x94: {  	s15 =	simm.s32 $0x11800  }
0x95: {  	[tilespmem:s15], [sflag:$0x1] =	stream.indirect_vreg.gather [hbm4b:s6+s2], $0x80, v3, vm0, $0xb8;
	[tilespmem:$0x18180] =	vst v63  }
0x96: {  	v3 =	vld [tilespmem:$0x18120];
	_ =	sdelay $0x4  }
0x97: {  	v4 =	vshrl.u32 v3, $0x3  }
0x98: {  	v4 =	vmul.u32 $0x30, v4  }
0x99: {  	v3 =	vand.u32 $0x7, v3  }
0x9a: {  	v3 =	vor.u32 v3, v4  }
0x9b: {  	v4 =	vperm.xlane v3, v0;
	_ =	sdelay $0x1  }
0x9c: {  	v4 =	vadd.s32 v1, v4;
	_ =	sdelay $0x3  }
0x9d: {  	s1 =	simm.s32 $0x12000;
	v3 =	vperm.xlane v3, v2  }
0x9e: {  	[tilespmem:s1], [sflag:$0x1] =	stream.indirect_vreg.gather [hbm4b:s3+s2], $0x80, v4, vm0, $0xb8;
	[tilespmem:$0x18180] =	vst v63  }
0x9f: {  	s14 =	simm.s32 $0x12800;
	v3 =	vadd.s32 v1, v3  }
0xa0: {  	[tilespmem:s14], [sflag:$0x1] =	stream.indirect_vreg.gather [hbm4b:s5+s2], $0x80, v4, vm0, $0xb8;
	[tilespmem:$0x18180] =	vst v63  }
0xa1: {  	_ = 	snop  }
0xa2: {  	[tilespmem:s16], [sflag:$0x1] =	stream.indirect_vreg.gather [hbm4b:s6+s2], $0x80, v4, vm0, $0xb8;
	[tilespmem:$0x18180] =	vst v63  }
0xa3: {  	_ = 	snop  }
0xa4: {  	[tilespmem:s17], [sflag:$0x1] =	stream.indirect_vreg.gather [hbm4b:s3+s2], $0x80, v3, vm0, $0xb8;
	[tilespmem:$0x18180] =	vst v63  }
0xa5: {  	_ = 	snop  }
0xa6: {  	[tilespmem:s21], [sflag:$0x1] =	stream.indirect_vreg.gather [hbm4b:s5+s2], $0x80, v3, vm0, $0xb8;
	[tilespmem:$0x18180] =	vst v63  }
0xa7: {  	_ = 	snop  }
0xa8: {  	[tilespmem:s22], [sflag:$0x1] =	stream.indirect_vreg.gather [hbm4b:s6+s2], $0x80, v3, vm0, $0xb8;
	[tilespmem:$0x18180] =	vst v63  }
0xa9: {  	v3 =	vld [tilespmem:$0x18130];
	_ =	sdelay $0x4  }
0xaa: {  	v4 =	vshrl.u32 v3, $0x3  }
0xab: {  	v4 =	vmul.u32 $0x30, v4  }
0xac: {  	v3 =	vand.u32 $0x7, v3  }
0xad: {  	v3 =	vor.u32 v3, v4  }
0xae: {  	v4 =	vperm.xlane v3, v0;
	_ =	sdelay $0x1  }
0xaf: {  	v4 =	vadd.s32 v1, v4;
	_ =	sdelay $0x3  }
0xb0: {  	v3 =	vperm.xlane v3, v2  }
0xb1: {  	[tilespmem:s23], [sflag:$0x1] =	stream.indirect_vreg.gather [hbm4b:s3+s2], $0x80, v4, vm0, $0xb8;
	[tilespmem:$0x18180] =	vst v63  }
0xb2: {  	v3 =	vadd.s32 v1, v3  }
0xb3: {  	[tilespmem:s24], [sflag:$0x1] =	stream.indirect_vreg.gather [hbm4b:s5+s2], $0x80, v4, vm0, $0xb8;
	[tilespmem:$0x18180] =	vst v63  }
0xb4: {  	_ = 	snop  }
0xb5: {  	[tilespmem:s25], [sflag:$0x1] =	stream.indirect_vreg.gather [hbm4b:s6+s2], $0x80, v4, vm0, $0xb8;
	[tilespmem:$0x18180] =	vst v63  }
0xb6: {  	_ = 	snop  }
0xb7: {  	[tilespmem:s26], [sflag:$0x1] =	stream.indirect_vreg.gather [hbm4b:s3+s2], $0x80, v3, vm0, $0xb8;
	[tilespmem:$0x18180] =	vst v63  }
0xb8: {  	_ = 	snop  }
0xb9: {  	[tilespmem:s28], [sflag:$0x1] =	stream.indirect_vreg.gather [hbm4b:s5+s2], $0x80, v3, vm0, $0xb8;
	[tilespmem:$0x18180] =	vst v63  }
0xba: {  	s15 =	simm.s32 $0x0  }
0xbb: {  	[tilespmem:s29], [sflag:$0x1] =	stream.indirect_vreg.gather [hbm4b:s6+s2], $0x80, v3, vm0, $0xb8;
	[tilespmem:$0x18180] =	vst v63  }
0xbc: {  	s0 =	smul.u32 $0x1800, s15;
	_ =	swait.ge [sflag:s20], $0xC000  }
0xbd: {  	s1 =	sand.u32 $0x380, s2;
	[sflag:s20] =	ssyncset.done $0x0  }
0xbe: {  	s31 =	sor.u32 s1, s0;
	[sflag:s20] =	ssyncadd.s32 $0xFFFF4000  }
0xbf: {  	v4 =	vld [tilespmem:s31+$0x10]  }
0xc0: {  	v3 =	vld [tilespmem:s31+$0xC010]  }
0xc1: {  	v6 =	vld [tilespmem:s31+$0x20]  }
0xc2: {  	v5 =	vld [tilespmem:s31+$0xC020]  }
0xc3: {  	v8 =	vld [tilespmem:s31+$0x30]  }
0xc4: {  	v7 =	vld [tilespmem:s31+$0xC030]  }
0xc5: {  	v10 =	vld [tilespmem:s31+$0x40]  }
0xc6: {  	v9 =	vld [tilespmem:s31+$0xC040]  }
0xc7: {  	v12 =	vld [tilespmem:s31+$0x50]  }
0xc8: {  	v11 =	vld [tilespmem:s31+$0xC050]  }
0xc9: {  	v13 =	vld [tilespmem:s31+$0x60]  }
0xca: {  	v14 =	vld [tilespmem:s31+$0x70]  }
0xcb: {  	v15 =	vld [tilespmem:s31+$0x400]  }
0xcc: {  	v16 =	vld [tilespmem:s31+$0x410]  }
0xcd: {  	v17 =	vld [tilespmem:s31+$0x420]  }
0xce: {  	v18 =	vld [tilespmem:s31+$0x430]  }
0xcf: {  	v19 =	vld [tilespmem:s31+$0x440]  }
0xd0: {  	v20 =	vld [tilespmem:s31+$0x450]  }
0xd1: {  	v21 =	vld [tilespmem:s31+$0x460]  }
0xd2: {  	v22 =	vld [tilespmem:s31+$0x470]  }
0xd3: {  	v23 =	vld [tilespmem:s31+$0x800]  }
0xd4: {  	v24 =	vld [tilespmem:s31+$0x810]  }
0xd5: {  	v25 =	vld [tilespmem:s31+$0x820]  }
0xd6: {  	v26 =	vld [tilespmem:s31+$0x830]  }
0xd7: {  	v27 =	vld [tilespmem:s31+$0x840]  }
0xd8: {  	v28 =	vld [tilespmem:s31+$0x850]  }
0xd9: {  	v29 =	vld [tilespmem:s31+$0x860]  }
0xda: {  	v30 =	vld [tilespmem:s31+$0x870]  }
0xdb: {  	v32 =	vld [tilespmem:s31+$0xC00]  }
0xdc: {  	v34 =	vld [tilespmem:s31+$0xC10]  }
0xdd: {  	v35 =	vld [tilespmem:s31+$0xC20]  }
0xde: {  	v36 =	vld [tilespmem:s31+$0xC30]  }
0xdf: {  	v37 =	vld [tilespmem:s31+$0xC40]  }
0xe0: {  	v38 =	vld [tilespmem:s31+$0xC50]  }
0xe1: {  	v39 =	vld [tilespmem:s31+$0xC60]  }
0xe2: {  	v40 =	vld [tilespmem:s31+$0xC70]  }
0xe3: {  	v41 =	vld [tilespmem:s31+$0x1000]  }
0xe4: {  	v42 =	vld [tilespmem:s31+$0x1010]  }
0xe5: {  	v43 =	vld [tilespmem:s31+$0x1020]  }
0xe6: {  	v44 =	vld [tilespmem:s31+$0x1030]  }
0xe7: {  	v45 =	vld [tilespmem:s31+$0x1040]  }
0xe8: {  	v46 =	vld [tilespmem:s31+$0x1050]  }
0xe9: {  	v47 =	vld [tilespmem:s31+$0x1060]  }
0xea: {  	v50 =	vmov s2;
	v48 =	vld [tilespmem:s31+$0x1400]  }
0xeb: {  	s0 =	simm.s32 $0x1;
	s1 =	simm.s32 $0x0;
	v49 =	vld [tilespmem:s31+$0x1410]  }
.LBB2_2:
0xec: {  	p0 =	sne.s32 s0, $0x3F;
	v51 =	vld [tilespmem:s31+$0xD410]  }
0xed: {  	v52 =	vld [tilespmem:s31+$0xD430]  }
0xee: {  	v53 =	vld [tilespmem:s31+$0x1420]  }
0xef: {  	v33 =	vld.idx.msk [tilespmem:v50+s18+$0x0], $0xffff  }
0xf0: {  	v31 =	vld.idx.msk [tilespmem:v50+s19+$0x0], $0xffff  }
0xf1: {  	v50 =	vld [tilespmem:s31+$0x1430]  }
0xf2: {  	v54 =	vld [tilespmem:s31+$0xD420]  }
0xf3: {  	v55 =	vld [tilespmem:s31+$0xD400]  }
0xf4: {  	v56 =	vld [tilespmem:s31+$0x1070]  }
0xf5: {  	v49 =	vmul.f32 v49, v33;
	v53 =	vmul.f32 v53, v33;
	v57 =	vld [tilespmem:s31+$0xD070]  }
0xf6: {  	v52 =	vmul.f32 v52, v31;
	v58 =	vld [tilespmem:s31+$0xD060];
	v50 =	vmul.f32 v50, v33  }
0xf7: {  	v51 =	vmul.f32 v51, v31;
	v59 =	vld [tilespmem:s31+$0xD050];
	v54 =	vmul.f32 v54, v31  }
0xf8: {  	v48 =	vmul.f32 v48, v33;
	v60 =	vld [tilespmem:s31+$0xD040];
	v55 =	vmul.f32 v55, v31;
	v50 =	vadd.f32 v52, v50  }
0xf9: {  	v49 =	vadd.f32 v51, v49;
	v52 =	vld [tilespmem:s31+$0xD030];
	v56 =	vmul.f32 v56, v33;
	v51 =	vadd.f32 v54, v53  }
0xfa: {  	v47 =	vmul.f32 v47, v33;
	v53 =	vld [tilespmem:s31+$0xD020];
	v54 =	vmul.f32 v57, v31;
	v48 =	vadd.f32 v55, v48;
	[tilespmem:s31+$0x1430] =	vst v50  }
0xfb: {  	v46 =	vmul.f32 v46, v33;
	v50 =	vld [tilespmem:s31+$0xD010];
	v55 =	vmul.f32 v58, v31;
	[tilespmem:s31+$0x1420] =	vst v51  }
0xfc: {  	v45 =	vmul.f32 v45, v33;
	v51 =	vld [tilespmem:s31+$0xD000];
	v57 =	vmul.f32 v59, v31;
	v54 =	vadd.f32 v54, v56;
	[tilespmem:s31+$0x1410] =	vst v49  }
0xfd: {  	v44 =	vmul.f32 v44, v33;
	v49 =	vld [tilespmem:s31+$0xCC70];
	v56 =	vmul.f32 v60, v31;
	v47 =	vadd.f32 v55, v47;
	[tilespmem:s31+$0x1400] =	vst v48  }
0xfe: {  	v43 =	vmul.f32 v43, v33;
	v48 =	vld [tilespmem:s31+$0xCC60];
	v52 =	vmul.f32 v52, v31;
	v46 =	vadd.f32 v57, v46;
	[tilespmem:s31+$0x1070] =	vst v54  }
0xff: {  	v42 =	vmul.f32 v42, v33;
	v54 =	vld [tilespmem:s31+$0xCC50];
	v53 =	vmul.f32 v53, v31;
	v45 =	vadd.f32 v56, v45;
	[tilespmem:s31+$0x1060] =	vst v47  }
0x100: {  	v41 =	vmul.f32 v41, v33;
	v47 =	vld [tilespmem:s31+$0xCC40];
	v50 =	vmul.f32 v50, v31;
	v44 =	vadd.f32 v52, v44;
	[tilespmem:s31+$0x1050] =	vst v46  }
0x101: {  	v40 =	vmul.f32 v40, v33;
	v46 =	vld [tilespmem:s31+$0xCC30];
	v51 =	vmul.f32 v51, v31;
	v43 =	vadd.f32 v53, v43;
	[tilespmem:s31+$0x1040] =	vst v45  }
0x102: {  	v39 =	vmul.f32 v39, v33;
	v45 =	vld [tilespmem:s31+$0xCC20];
	v49 =	vmul.f32 v49, v31;
	v42 =	vadd.f32 v50, v42;
	[tilespmem:s31+$0x1030] =	vst v44  }
0x103: {  	v38 =	vmul.f32 v38, v33;
	v44 =	vld [tilespmem:s31+$0xCC10];
	v48 =	vmul.f32 v48, v31;
	v41 =	vadd.f32 v51, v41;
	[tilespmem:s31+$0x1020] =	vst v43  }
0x104: {  	v37 =	vmul.f32 v37, v33;
	v43 =	vld [tilespmem:s31+$0xCC00];
	v50 =	vmul.f32 v54, v31;
	v40 =	vadd.f32 v49, v40;
	[tilespmem:s31+$0x1010] =	vst v42  }
0x105: {  	v36 =	vmul.f32 v36, v33;
	v42 =	vld [tilespmem:s31+$0xC870];
	v47 =	vmul.f32 v47, v31;
	v39 =	vadd.f32 v48, v39;
	[tilespmem:s31+$0x1000] =	vst v41  }
0x106: {  	v35 =	vmul.f32 v35, v33;
	v41 =	vld [tilespmem:s31+$0xC860];
	v46 =	vmul.f32 v46, v31;
	v38 =	vadd.f32 v50, v38;
	[tilespmem:s31+$0xC70] =	vst v40  }
0x107: {  	v34 =	vmul.f32 v34, v33;
	v40 =	vld [tilespmem:s31+$0xC850];
	v45 =	vmul.f32 v45, v31;
	v37 =	vadd.f32 v47, v37;
	[tilespmem:s31+$0xC60] =	vst v39  }
0x108: {  	v32 =	vmul.f32 v32, v33;
	v39 =	vld [tilespmem:s31+$0xC840];
	v44 =	vmul.f32 v44, v31;
	v36 =	vadd.f32 v46, v36;
	[tilespmem:s31+$0xC50] =	vst v38  }
0x109: {  	v30 =	vmul.f32 v30, v33;
	v38 =	vld [tilespmem:s31+$0xC830];
	v43 =	vmul.f32 v43, v31;
	v35 =	vadd.f32 v45, v35;
	[tilespmem:s31+$0xC40] =	vst v37  }
0x10a: {  	v29 =	vmul.f32 v29, v33;
	v37 =	vld [tilespmem:s31+$0xC820];
	v42 =	vmul.f32 v42, v31;
	v34 =	vadd.f32 v44, v34;
	[tilespmem:s31+$0xC30] =	vst v36  }
0x10b: {  	v28 =	vmul.f32 v28, v33;
	v36 =	vld [tilespmem:s31+$0xC810];
	v41 =	vmul.f32 v41, v31;
	v32 =	vadd.f32 v43, v32;
	[tilespmem:s31+$0xC20] =	vst v35  }
0x10c: {  	v27 =	vmul.f32 v27, v33;
	v35 =	vld [tilespmem:s31+$0xC800];
	v40 =	vmul.f32 v40, v31;
	v30 =	vadd.f32 v42, v30;
	[tilespmem:s31+$0xC10] =	vst v34  }
0x10d: {  	v26 =	vmul.f32 v26, v33;
	v34 =	vld [tilespmem:s31+$0xC470];
	v39 =	vmul.f32 v39, v31;
	v29 =	vadd.f32 v41, v29;
	[tilespmem:s31+$0xC00] =	vst v32  }
0x10e: {  	v25 =	vmul.f32 v25, v33;
	v32 =	vld [tilespmem:s31+$0xC460];
	v38 =	vmul.f32 v38, v31;
	v28 =	vadd.f32 v40, v28;
	[tilespmem:s31+$0x870] =	vst v30  }
0x10f: {  	v24 =	vmul.f32 v24, v33;
	v30 =	vld [tilespmem:s31+$0xC450];
	v37 =	vmul.f32 v37, v31;
	v27 =	vadd.f32 v39, v27;
	[tilespmem:s31+$0x860] =	vst v29  }
0x110: {  	v23 =	vmul.f32 v23, v33;
	v29 =	vld [tilespmem:s31+$0xC440];
	v36 =	vmul.f32 v36, v31;
	v26 =	vadd.f32 v38, v26;
	[tilespmem:s31+$0x850] =	vst v28  }
0x111: {  	v22 =	vmul.f32 v22, v33;
	v28 =	vld [tilespmem:s31+$0xC430];
	v35 =	vmul.f32 v35, v31;
	v25 =	vadd.f32 v37, v25;
	[tilespmem:s31+$0x840] =	vst v27  }
0x112: {  	v21 =	vmul.f32 v21, v33;
	v27 =	vld [tilespmem:s31+$0xC420];
	v34 =	vmul.f32 v34, v31;
	v24 =	vadd.f32 v36, v24;
	[tilespmem:s31+$0x830] =	vst v26  }
0x113: {  	v20 =	vmul.f32 v20, v33;
	v26 =	vld [tilespmem:s31+$0xC410];
	v32 =	vmul.f32 v32, v31;
	v23 =	vadd.f32 v35, v23;
	[tilespmem:s31+$0x820] =	vst v25  }
0x114: {  	v19 =	vmul.f32 v19, v33;
	v25 =	vld [tilespmem:s31+$0xC400];
	v30 =	vmul.f32 v30, v31;
	v22 =	vadd.f32 v34, v22;
	[tilespmem:s31+$0x810] =	vst v24  }
0x115: {  	v18 =	vmul.f32 v18, v33;
	v24 =	vld [tilespmem:s31+$0xC070];
	v29 =	vmul.f32 v29, v31;
	v21 =	vadd.f32 v32, v21;
	[tilespmem:s31+$0x800] =	vst v23  }
0x116: {  	v17 =	vmul.f32 v17, v33;
	v23 =	vld [tilespmem:s31+$0xC060];
	v28 =	vmul.f32 v28, v31;
	v20 =	vadd.f32 v30, v20;
	[tilespmem:s31+$0x470] =	vst v22  }
0x117: {  	v16 =	vmul.f32 v16, v33;
	v22 =	vmul.f32 v27, v31;
	v19 =	vadd.f32 v29, v19;
	[tilespmem:s31+$0x460] =	vst v21;
	v21 =	vld [tilespmem:s31+$0xD440]  }
0x118: {  	v15 =	vmul.f32 v15, v33;
	v26 =	vmul.f32 v26, v31;
	v18 =	vadd.f32 v28, v18;
	[tilespmem:s31+$0x450] =	vst v20;
	v20 =	vld [tilespmem:s31+$0xD450]  }
0x119: {  	v14 =	vmul.f32 v14, v33;
	v25 =	vmul.f32 v25, v31;
	v17 =	vadd.f32 v22, v17;
	[tilespmem:s31+$0x440] =	vst v19;
	v19 =	vld [tilespmem:s31+$0xD460]  }
0x11a: {  	v13 =	vmul.f32 v13, v33;
	v22 =	vmul.f32 v24, v31;
	v16 =	vadd.f32 v26, v16;
	[tilespmem:s31+$0x430] =	vst v18;
	v18 =	vld [tilespmem:s31+$0xD470]  }
0x11b: {  	v12 =	vmul.f32 v12, v33;
	v23 =	vmul.f32 v23, v31;
	v15 =	vadd.f32 v25, v15;
	[tilespmem:s31+$0x420] =	vst v17;
	v17 =	vld [tilespmem:s31+$0x1440]  }
0x11c: {  	v10 =	vmul.f32 v10, v33;
	v11 =	vmul.f32 v11, v31;
	v14 =	vadd.f32 v22, v14;
	[tilespmem:s31+$0x410] =	vst v16;
	v16 =	vld [tilespmem:s31+$0x1450]  }
0x11d: {  	v8 =	vmul.f32 v8, v33;
	v9 =	vmul.f32 v9, v31;
	v13 =	vadd.f32 v23, v13;
	[tilespmem:s31+$0x400] =	vst v15;
	v15 =	vld [tilespmem:s31+$0x1460]  }
0x11e: {  	v6 =	vmul.f32 v6, v33;
	v7 =	vmul.f32 v7, v31;
	v11 =	vadd.f32 v11, v12;
	[tilespmem:s31+$0x70] =	vst v14;
	v12 =	vld [tilespmem:s31+$0x1470]  }
0x11f: {  	v4 =	vmul.f32 v4, v33;
	v5 =	vmul.f32 v5, v31;
	v9 =	vadd.f32 v9, v10;
	v14 =	vld [tilespmem:s31+$0x0];
	[tilespmem:s31+$0x60] =	vst v13  }
0x120: {  	v3 =	vmul.f32 v3, v31;
	v7 =	vadd.f32 v7, v8;
	v10 =	vld [tilespmem:s31+$0xC000];
	[tilespmem:s31+$0x50] =	vst v11;
	v8 =	vmul.f32 v17, v33  }
0x121: {  	s14 =	sshrl.u32 s0, $0x3;
	v5 =	vadd.f32 v5, v6;
	v6 =	vmul.f32 v21, v31;
	[tilespmem:s31+$0x40] =	vst v9;
	v9 =	vmul.f32 v16, v33  }
0x122: {  	s1 =	sadd.s32 $0x80, s1;
	s14 =	smul.u32 $0x1800, s14;
	v3 =	vadd.f32 v3, v4;
	v4 =	vmul.f32 v20, v31;
	[tilespmem:s31+$0x30] =	vst v7;
	v7 =	vmul.f32 v15, v33  }
0x123: {  	s15 =	sand.u32 $0x380, s1;
	[tilespmem:s31+$0x20] =	vst v5;
	v5 =	vadd.f32 v6, v8;
	v6 =	vmul.f32 v19, v31;
	v8 =	vmul.f32 v12, v33  }
0x124: {  	s14 =	sor.u32 s15, s14;
	v9 =	vadd.f32 v4, v9;
	v12 =	vmul.f32 v18, v31;
	v11 =	vmul.f32 v14, v33;
	[tilespmem:s31+$0x10] =	vst v3  }
0x125: {  	v4 =	vld [tilespmem:s14+$0x10];
	v10 =	vmul.f32 v10, v31;
	[tilespmem:s31+$0x1440] =	vst v5;
	v5 =	vadd.f32 v6, v7  }
0x126: {  	v7 =	vadd.f32 v12, v8;
	v3 =	vld [tilespmem:s14+$0xC010];
	[tilespmem:s31+$0x1450] =	vst v9  }
0x127: {  	v6 =	vld [tilespmem:s14+$0x20];
	v9 =	vadd.f32 v10, v11;
	[tilespmem:s31+$0x1460] =	vst v5  }
0x128: {  	v5 =	vld [tilespmem:s14+$0xC020];
	[tilespmem:s31+$0x1470] =	vst v7  }
0x129: {  	v8 =	vld [tilespmem:s14+$0x30];
	[tilespmem:s31+$0x0] =	vst v9;
	s31 =	smov.u32 s14  }
0x12a: {  	v7 =	vld [tilespmem:s31+$0xC030]  }
0x12b: {  	v10 =	vld [tilespmem:s31+$0x40]  }
0x12c: {  	v9 =	vld [tilespmem:s31+$0xC040]  }
0x12d: {  	v12 =	vld [tilespmem:s31+$0x50]  }
0x12e: {  	v11 =	vld [tilespmem:s31+$0xC050]  }
0x12f: {  	v13 =	vld [tilespmem:s31+$0x60]  }
0x130: {  	v14 =	vld [tilespmem:s31+$0x70]  }
0x131: {  	v15 =	vld [tilespmem:s31+$0x400]  }
0x132: {  	v16 =	vld [tilespmem:s31+$0x410]  }
0x133: {  	v17 =	vld [tilespmem:s31+$0x420]  }
0x134: {  	v18 =	vld [tilespmem:s31+$0x430]  }
0x135: {  	v19 =	vld [tilespmem:s31+$0x440]  }
0x136: {  	v20 =	vld [tilespmem:s31+$0x450]  }
0x137: {  	v21 =	vld [tilespmem:s31+$0x460]  }
0x138: {  	v22 =	vld [tilespmem:s31+$0x470]  }
0x139: {  	v23 =	vld [tilespmem:s31+$0x800]  }
0x13a: {  	v24 =	vld [tilespmem:s31+$0x810]  }
0x13b: {  	v25 =	vld [tilespmem:s31+$0x820]  }
0x13c: {  	v26 =	vld [tilespmem:s31+$0x830]  }
0x13d: {  	v27 =	vld [tilespmem:s31+$0x840]  }
0x13e: {  	v28 =	vld [tilespmem:s31+$0x850]  }
0x13f: {  	v29 =	vld [tilespmem:s31+$0x860]  }
0x140: {  	v30 =	vld [tilespmem:s31+$0x870]  }
0x141: {  	v32 =	vld [tilespmem:s31+$0xC00]  }
0x142: {  	v34 =	vld [tilespmem:s31+$0xC10]  }
0x143: {  	v35 =	vld [tilespmem:s31+$0xC20]  }
0x144: {  	v36 =	vld [tilespmem:s31+$0xC30]  }
0x145: {  	v37 =	vld [tilespmem:s31+$0xC40]  }
0x146: {  	v38 =	vld [tilespmem:s31+$0xC50]  }
0x147: {  	v39 =	vld [tilespmem:s31+$0xC60]  }
0x148: {  	v40 =	vld [tilespmem:s31+$0xC70]  }
0x149: {  	v41 =	vld [tilespmem:s31+$0x1000]  }
0x14a: {  	v42 =	vld [tilespmem:s31+$0x1010]  }
0x14b: {  	v43 =	vld [tilespmem:s31+$0x1020]  }
0x14c: {  	v44 =	vld [tilespmem:s31+$0x1030]  }
.Ltmp0:
0x14d: {  	v45 =	vld [tilespmem:s31+$0x1040];
	(pc) =	sbr.rel @p0 .LBB2_2-.Ltmp0, $4  }
0x14e: {  	v46 =	vld [tilespmem:s31+$0x1050]  }
0x14f: {  	v47 =	vld [tilespmem:s31+$0x1060]  }
0x150: {  	v50 =	vmov s0;
	v48 =	vld [tilespmem:s31+$0x1400]  }
0x151: {  	s0 =	sadd.s32 $0x1, s0;
	v49 =	vld [tilespmem:s31+$0x1410]  }
0x152: {  	_ =	sdelay $0x1  }
0x153: {  	v52 =	vld [tilespmem:s31+$0xD430]  }
0x154: {  	v53 =	vld [tilespmem:s31+$0x1420]  }
0x155: {  	v31 =	vld.idx.msk [tilespmem:v50+s18+$0x0], $0xffff  }
0x156: {  	v33 =	vld.idx.msk [tilespmem:v50+s19+$0x0], $0xffff  }
0x157: {  	v61 =	vld [tilespmem:s31+$0x1430]  }
0x158: {  	v54 =	vld [tilespmem:s31+$0xD420]  }
0x159: {  	v51 =	vld [tilespmem:s31+$0xD410]  }
0x15a: {  	v55 =	vld [tilespmem:s31+$0xD400]  }
0x15b: {  	v56 =	vld [tilespmem:s31+$0x1070]  }
0x15c: {  	v58 =	vld [tilespmem:s31+$0xD060];
	v50 =	vmul.f32 v61, v31;
	v52 =	vmul.f32 v52, v33  }
0x15d: {  	v57 =	vld [tilespmem:s31+$0xD070];
	v53 =	vmul.f32 v53, v31;
	v54 =	vmul.f32 v54, v33  }
0x15e: {  	v59 =	vld [tilespmem:s31+$0xD050];
	v49 =	vmul.f32 v49, v31;
	v51 =	vmul.f32 v51, v33  }
0x15f: {  	v60 =	vld [tilespmem:s31+$0xD040];
	v48 =	vmul.f32 v48, v31;
	v62 =	vmul.f32 v55, v33;
	v50 =	vadd.f32 v52, v50  }
0x160: {  	v61 =	vld [tilespmem:s31+$0xD020];
	v63 =	vmul.f32 v56, v31;
	v47 =	vmul.f32 v47, v31;
	v53 =	vadd.f32 v54, v53  }
0x161: {  	v58 =	vmul.f32 v58, v33;
	v55 =	vld [tilespmem:s31+$0xC460];
	v12 =	vmul.f32 v12, v31;
	v49 =	vadd.f32 v51, v49;
	[tilespmem:s31+$0x1430] =	vst v50  }
0x162: {  	v56 =	vld [tilespmem:s31+$0xC450];
	v11 =	vmul.f32 v11, v33;
	v10 =	vmul.f32 v10, v31;
	v48 =	vadd.f32 v62, v48;
	[tilespmem:s31+$0x1420] =	vst v53  }
0x163: {  	v9 =	vmul.f32 v9, v33;
	v8 =	vmul.f32 v8, v31;
	v52 =	vld [tilespmem:s31+$0xD030];
	v47 =	vadd.f32 v58, v47;
	[tilespmem:s31+$0x1410] =	vst v49  }
0x164: {  	v7 =	vmul.f32 v7, v33;
	v6 =	vmul.f32 v6, v31;
	v51 =	vld [tilespmem:s31+$0xD000];
	v11 =	vadd.f32 v11, v12;
	[tilespmem:s31+$0x1400] =	vst v48  }
0x165: {  	v5 =	vmul.f32 v5, v33;
	v4 =	vmul.f32 v4, v31;
	v58 =	vld [tilespmem:s31+$0xCC20];
	v9 =	vadd.f32 v9, v10;
	[tilespmem:s31+$0x1060] =	vst v47  }
0x166: {  	v3 =	vmul.f32 v3, v33;
	v62 =	vmul.f32 v59, v33;
	v59 =	vld [tilespmem:s31+$0xCC10];
	v7 =	vadd.f32 v7, v8;
	[tilespmem:s31+$0x50] =	vst v11  }
0x167: {  	v57 =	vmul.f32 v57, v33;
	v54 =	vld [tilespmem:s31+$0xC470];
	v5 =	vadd.f32 v5, v6;
	[tilespmem:s31+$0x40] =	vst v9  }
0x168: {  	v46 =	vmul.f32 v46, v31;
	v3 =	vadd.f32 v3, v4;
	v50 =	vld [tilespmem:s31+$0xD010];
	[tilespmem:s31+$0x30] =	vst v7  }
0x169: {  	v45 =	vmul.f32 v45, v31;
	v49 =	vld [tilespmem:s31+$0xCC70];
	v53 =	vadd.f32 v57, v63;
	v63 =	vmul.f32 v60, v33;
	[tilespmem:s31+$0x20] =	vst v5  }
0x16a: {  	v43 =	vmul.f32 v43, v31;
	v48 =	vld [tilespmem:s31+$0xCC60];
	v46 =	vadd.f32 v62, v46;
	[tilespmem:s31+$0x10] =	vst v3;
	v57 =	vmul.f32 v61, v33  }
0x16b: {  	v44 =	vmul.f32 v44, v31;
	v47 =	vld [tilespmem:s31+$0xCC40];
	[tilespmem:s31+$0x1070] =	vst v53;
	v45 =	vadd.f32 v63, v45;
	v52 =	vmul.f32 v52, v33  }
0x16c: {  	v41 =	vmul.f32 v41, v31;
	v60 =	vld [tilespmem:s31+$0xCC00];
	[tilespmem:s31+$0x1050] =	vst v46;
	v43 =	vadd.f32 v57, v43;
	v51 =	vmul.f32 v51, v33  }
0x16d: {  	v35 =	vmul.f32 v35, v31;
	v62 =	vld [tilespmem:s31+$0xC860];
	[tilespmem:s31+$0x1040] =	vst v45;
	v45 =	vmul.f32 v58, v33;
	v44 =	vadd.f32 v52, v44  }
0x16e: {  	v42 =	vmul.f32 v42, v31;
	v53 =	vld [tilespmem:s31+$0xCC50];
	v50 =	vmul.f32 v50, v33;
	[tilespmem:s31+$0x1020] =	vst v43;
	v41 =	vadd.f32 v51, v41  }
0x16f: {  	v40 =	vmul.f32 v40, v31;
	v46 =	vld [tilespmem:s31+$0xCC30];
	v49 =	vmul.f32 v49, v33;
	v35 =	vadd.f32 v45, v35;
	[tilespmem:s31+$0x1030] =	vst v44  }
0x170: {  	v39 =	vmul.f32 v39, v31;
	v61 =	vld [tilespmem:s31+$0xC870];
	v48 =	vmul.f32 v48, v33;
	v42 =	vadd.f32 v50, v42;
	[tilespmem:s31+$0x1000] =	vst v41  }
0x171: {  	v37 =	vmul.f32 v37, v31;
	v57 =	vld [tilespmem:s31+$0xC440];
	v47 =	vmul.f32 v47, v33;
	v40 =	vadd.f32 v49, v40;
	[tilespmem:s31+$0xC20] =	vst v35  }
0x172: {  	v32 =	vmul.f32 v32, v31;
	v58 =	vld [tilespmem:s31+$0xC430];
	v43 =	vmul.f32 v60, v33;
	v39 =	vadd.f32 v48, v39;
	[tilespmem:s31+$0x1010] =	vst v42  }
0x173: {  	v38 =	vmul.f32 v38, v31;
	v51 =	vld [tilespmem:s31+$0xC820];
	v63 =	vmul.f32 v53, v33;
	v37 =	vadd.f32 v47, v37;
	[tilespmem:s31+$0xC70] =	vst v40  }
0x174: {  	v36 =	vmul.f32 v36, v31;
	v52 =	vld [tilespmem:s31+$0xC810];
	v46 =	vmul.f32 v46, v33;
	v32 =	vadd.f32 v43, v32;
	[tilespmem:s31+$0xC60] =	vst v39  }
0x175: {  	v34 =	vmul.f32 v34, v31;
	v60 =	vld [tilespmem:s31+$0xC410];
	v44 =	vmul.f32 v59, v33;
	v38 =	vadd.f32 v63, v38;
	[tilespmem:s31+$0xC40] =	vst v37  }
0x176: {  	v29 =	vmul.f32 v29, v31;
	v45 =	vld [tilespmem:s31+$0x1440];
	v41 =	vmul.f32 v62, v33;
	v36 =	vadd.f32 v46, v36;
	[tilespmem:s31+$0xC00] =	vst v32  }
0x177: {  	v21 =	vmul.f32 v21, v31;
	v48 =	vld [tilespmem:s31+$0xC850];
	v62 =	vmul.f32 v55, v33;
	v34 =	vadd.f32 v44, v34;
	[tilespmem:s31+$0xC50] =	vst v38  }
0x178: {  	v30 =	vmul.f32 v30, v31;
	v49 =	vld [tilespmem:s31+$0xC840];
	v42 =	vmul.f32 v61, v33;
	v29 =	vadd.f32 v41, v29;
	[tilespmem:s31+$0xC30] =	vst v36  }
0x179: {  	v25 =	vmul.f32 v25, v31;
	v50 =	vld [tilespmem:s31+$0xC830];
	v21 =	vadd.f32 v62, v21;
	v37 =	vmul.f32 v51, v33;
	[tilespmem:s31+$0xC10] =	vst v34  }
0x17a: {  	v16 =	vmul.f32 v16, v31;
	v53 =	vld [tilespmem:s31+$0xC800];
	v41 =	vmul.f32 v60, v33;
	v30 =	vadd.f32 v42, v30;
	[tilespmem:s31+$0x860] =	vst v29  }
0x17b: {  	v24 =	vmul.f32 v24, v31;
	v59 =	vld [tilespmem:s31+$0xC420];
	v36 =	vmul.f32 v52, v33;
	[tilespmem:s31+$0x460] =	vst v21;
	v25 =	vadd.f32 v37, v25  }
0x17c: {  	v22 =	vmul.f32 v22, v31;
	v43 =	vld [tilespmem:s31+$0xD470];
	v34 =	vmul.f32 v54, v33;
	v16 =	vadd.f32 v41, v16;
	[tilespmem:s31+$0x870] =	vst v30  }
0x17d: {  	v28 =	vmul.f32 v28, v31;
	v61 =	vld [tilespmem:s31+$0xC400];
	v40 =	vmul.f32 v48, v33;
	v24 =	vadd.f32 v36, v24;
	[tilespmem:s31+$0x820] =	vst v25  }
0x17e: {  	v27 =	vmul.f32 v27, v31;
	v63 =	vld [tilespmem:s31+$0xC070];
	v39 =	vmul.f32 v49, v33;
	v22 =	vadd.f32 v34, v22;
	[tilespmem:s31+$0x410] =	vst v16  }
0x17f: {  	v26 =	vmul.f32 v26, v31;
	v46 =	vld [tilespmem:s31+$0x1450];
	v38 =	vmul.f32 v50, v33;
	v28 =	vadd.f32 v40, v28;
	[tilespmem:s31+$0x810] =	vst v24  }
0x180: {  	v23 =	vmul.f32 v23, v31;
	v51 =	vld [tilespmem:s31+$0x0];
	v35 =	vmul.f32 v53, v33;
	v27 =	vadd.f32 v39, v27;
	[tilespmem:s31+$0x470] =	vst v22  }
0x181: {  	v18 =	vmul.f32 v18, v31;
	v37 =	vmul.f32 v58, v33;
	v48 =	vld [tilespmem:s31+$0x1460];
	v26 =	vadd.f32 v38, v26;
	[tilespmem:s31+$0x850] =	vst v28  }
0x182: {  	v20 =	vmul.f32 v20, v31;
	v50 =	vld [tilespmem:s31+$0xC000];
	v30 =	vmul.f32 v56, v33;
	v23 =	vadd.f32 v35, v23;
	[tilespmem:s31+$0x840] =	vst v27  }
0x183: {  	v19 =	vmul.f32 v19, v31;
	v34 =	vld [tilespmem:s31+$0xC060];
	v35 =	vmul.f32 v57, v33;
	v18 =	vadd.f32 v37, v18;
	[tilespmem:s31+$0x830] =	vst v26  }
0x184: {  	v17 =	vmul.f32 v17, v31;
	v36 =	vld [tilespmem:s31+$0xD440];
	v39 =	vmul.f32 v59, v33;
	v20 =	vadd.f32 v30, v20;
	[tilespmem:s31+$0x800] =	vst v23  }
0x185: {  	v15 =	vmul.f32 v15, v31;
	v38 =	vld [tilespmem:s31+$0xD450];
	v42 =	vmul.f32 v61, v33;
	v19 =	vadd.f32 v35, v19;
	[tilespmem:s31+$0x430] =	vst v18  }
0x186: {  	v14 =	vmul.f32 v14, v31;
	v40 =	vld [tilespmem:s31+$0xD460];
	v44 =	vmul.f32 v63, v33;
	v17 =	vadd.f32 v39, v17;
	[tilespmem:s31+$0x450] =	vst v20  }
0x187: {  	v49 =	vld [tilespmem:s31+$0x1470];
	v61 =	vmul.f32 v51, v31;
	v15 =	vadd.f32 v42, v15;
	v10 =	vmul.f32 v50, v33;
	[tilespmem:s31+$0x440] =	vst v19  }
0x188: {  	v13 =	vmul.f32 v13, v31;
	v14 =	vadd.f32 v44, v14;
	[tilespmem:s31+$0x420] =	vst v17;
	v47 =	vmul.f32 v34, v33  }
0x189: {  	v52 =	vmul.f32 v45, v31;
	[tilespmem:s31+$0x400] =	vst v15;
	v53 =	vmul.f32 v36, v33;
	v63 =	vadd.f32 v10, v61  }
0x18a: {  	v54 =	vmul.f32 v46, v31;
	[tilespmem:s31+$0x70] =	vst v14;
	v55 =	vmul.f32 v38, v33;
	v13 =	vadd.f32 v47, v13  }
0x18b: {  	v56 =	vmul.f32 v48, v31;
	v58 =	vmul.f32 v40, v33;
	v57 =	vadd.f32 v53, v52;
	[tilespmem:s31+$0x0] =	vst v63  }
0x18c: {  	v60 =	vmul.f32 v43, v33;
	v59 =	vmul.f32 v49, v31;
	v3 =	vadd.f32 v55, v54;
	[tilespmem:s31+$0x60] =	vst v13  }
0x18d: {  	v62 =	vadd.f32 v58, v56;
	[tilespmem:s31+$0x1440] =	vst v57  }
0x18e: {  	s30 =	sadd.s32 $0x1, s30;
	[tilespmem:s31+$0x1450] =	vst v3;
	v3 =	vadd.f32 v60, v59  }
0x18f: {  	p0 =	sne.s32 s30, s11;
	[tilespmem:s31+$0x1460] =	vst v62  }
.Ltmp1:
0x190: {  	[tilespmem:s31+$0x1470] =	vst v3;
	(pc) =	sbr.rel @p0 .LBB2_1-.Ltmp1, $4  }
0x191: {  	[hbm4b:s10+s2] =	stream.linear.scatter [tilespmem:s2], [sflag:$0x2], $0xC000, $0x38;
	[tilespmem:$0x18180] =	vst v63  }
0x192: {  	_ =	swait.ge [sflag:s13], $0xC000  }
0x193: {  	[sflag:s13] =	ssyncset.done $0x0  }
0x194: {  	[sflag:s13] =	ssyncadd.s32 $0xFFFF4000  }
0x195: {  	_ =	sfence.sel $0x180000  }
0x196: {  	[bflag:$0x0] =	sbarrier.arrive $0xFFFF  }
0x197: {  	_ =	strace $0x9000004A  }
0x198: {  	s0 =	stileid.u32;
	[bflag:$0x2] =	sbarrier.arrive $0xFFFF  }
0x199: {  	p0 =	sne.s32 s0, $0x0;
	s0 =	rddreg [dreg:$0x2]  }
0x19a: {  	s0 =	sadd.s32 @!p0 $0x100000, s0  }
0x19b: {  	[sflag:s0] =	ssyncadd.tile.s32 @!p0 $0x1;
	_ =	shalt  }
.Lfunc_end2:
_tile_overlayer_lowered:
.L_overlay_start_2:
0x19c: {  	(tag) =	ssettag $0x2  }
0x19d: {  	s0 =	rddreg [dreg:$0x0];
	s2 =	stileid.u32  }
0x19e: {  	s1 =	rddreg [dreg:$0x1];
	p0 =	sne.s32 s2, $0x0  }
0x19f: {  	s3 =	rddreg [dreg:$0x2];
	[bflag:$0x3] =	sbarrier.arrive $0xFFFF;
	s2 =	simm.s32 @!p0 $0x1C02  }
0x1a0: {  	[timem:s3], [sflag:s2] =	dma.local @!p0 [hbm:s0], s1  }
0x1a1: {  	s0 =	simm.s32 @!p0 $0x2  }
0x1a2: {  	_ =	swait.ge @!p0 [sflag:s0], s1  }
0x1a3: {  	s1 =	ssub.s32 @!p0 $0x0, s1;
	[sflag:s0] =	ssyncset.done @!p0 $0x0  }
0x1a4: {  	[sflag:s0] =	ssyncadd.s32 @!p0 s1  }
0x1a5: {  	[bflag:$0x3] =	sbarrier.arrive $0xFFFF  }
0x1a6: {  	_ =	shalt  }

</sc_bundles>
